<compile_context>
chip_gen: v7x
topology: tpu7x:2x2x1
jax: 0.10.2.dev20260603
libtpu: 0.0.44.dev20260713+nightly
codegen_flags: <defaults>
</compile_context>

<pallas_src>
import functools

import jax
import jax.numpy as jnp
from jax import lax
from jax.experimental import pallas as pl
from jax.experimental.pallas import tpu as pltpu, tpu_sc as plsc

HID = 64
BATCH = 16384
HIST = 200
NROW = 5000

NC = 2
NS = 16
NW = NC * NS

HT = 8
NQ = NW // HT
TQ = HIST // NQ
NBT = BATCH // 128
BT = 16
NST = NBT // BT


def _embed_sc(xP, tableT):
    mesh = plsc.VectorSubcoreMesh(core_axis_name="c", subcore_axis_name="s")

    @functools.partial(
        pl.kernel,
        out_type=jax.ShapeDtypeStruct((HIST, HT, NBT, 8, 128), jnp.float32),
        mesh=mesh,
        scratch_types=[pltpu.VMEM((NROW,), jnp.float32)] * 8
        + [
            pltpu.VMEM((2, NBT, 128), jnp.int32),
            pltpu.VMEM((2, BT, 8, 128), jnp.float32),
            pltpu.SemaphoreType.DMA,
            pltpu.SemaphoreType.DMA,
            pltpu.SemaphoreType.DMA,
            pltpu.SemaphoreType.DMA,
            pltpu.SemaphoreType.DMA,
        ],
        compiler_params=pltpu.CompilerParams(
            use_tc_tiling_on_sc=False, needs_layout_passes=False
        ),
    )
    def k(xP_hbm, tT_hbm, out_hbm, *refs):
        tab = refs[:8]
        idx_v, out_v, tsem, i0, i1, o0, o1 = refs[8:]
        isem = (i0, i1)
        osem = (o0, o1)
        wid = lax.axis_index("s") * NC + lax.axis_index("c")
        ht = wid % HT
        tbase = (wid // HT) * TQ

        for h in range(8):
            pltpu.async_copy(tT_hbm.at[ht * 8 + h], tab[h], tsem)
        def load_idx_row(t, p):
            pltpu.async_copy(
                xP_hbm.at[t // 8, pl.ds(0, NBT), t % 8], idx_v.at[p], isem[p]
            )

        for p in range(2):
            load_idx_row(tbase + p, p)
        for h in range(8):
            pltpu.make_async_copy(tT_hbm.at[0], tab[h], tsem).wait()

        def drain_group(q):
            pltpu.make_async_copy(
                out_v.at[q], out_hbm.at[0, 0, pl.ds(0, BT)], osem[q]
            ).wait()

        @pl.loop(0, TQ, step=2)
        def _trow(tt):
            for p in range(2):
                t = tbase + tt + p
                pltpu.make_async_copy(
                    xP_hbm.at[0, pl.ds(0, NBT), 0], idx_v.at[p], isem[p]
                ).wait()

                @pl.loop(0, NST, step=2)
                def _group(st):
                    for q in range(2):
                        bt0 = (st + q) * BT
                        if p == 0:
                            @pl.when((tt > 0) | (st > 0))
                            def _():
                                drain_group(q)
                        else:
                            drain_group(q)

                        @plsc.parallel_loop(0, BT * 8, unroll=16)
                        def _gather(i):
                            jj = i // 8
                            g = i % 8
                            vidx = idx_v[p, bt0 + jj, pl.ds(g * 16, 16)]
                            for h in range(8):
                                out_v[q, jj, h, pl.ds(g * 16, 16)] = (
                                    plsc.load_gather(tab[h], [vidx])
                                )

                        pltpu.async_copy(
                            out_v.at[q],
                            out_hbm.at[t, ht, pl.ds(bt0, BT)],
                            osem[q],
                        )

                @pl.when(t + 2 < tbase + TQ)
                def _():
                    load_idx_row(t + 2, p)

        for q in range(2):
            drain_group(q)

    return k(xP, tableT)


def kernel(x, table):
    xP = x.T.reshape(HIST // 8, 8, NBT, 128).transpose((0, 2, 1, 3))
    out5 = _embed_sc(xP, table.T)
    return out5.transpose((2, 4, 0, 1, 3)).reshape(BATCH, HIST, HID)

# --- scband reference (transcript-rebuilt; emitter-appended) ---
"""Pipeline reference for scband-edge-embedding-14130442404000 (READ-ONLY COPY).

The authoritative reference and input builder live on the scoring server;
editing this copy changes nothing except your own understanding.
"""

import jax, jax.numpy as jnp
import numpy as np
import math

HID = 64
MAX_LEN = 5000
BATCH = 16384
HIST = 200


def _build_pe_table():
    position = np.arange(MAX_LEN, dtype=np.float32)[:, None]
    div_term = np.exp(np.arange(0, HID, 2, dtype=np.float32) * (-math.log(10000.0) / HID))
    pe = np.zeros((MAX_LEN, HID), dtype=np.float32)
    pe[:, 0::2] = np.sin(position * div_term)
    pe[:, 1::2] = np.cos(position * div_term)
    return jnp.asarray(pe)


def setup_inputs(seed: int = 0) -> dict:
    key = jax.random.key(seed)
    x = jax.random.randint(key, (BATCH, HIST), 0, MAX_LEN, dtype=jnp.int32)
    table = _build_pe_table()
    return {"x": x, "table": table}


def reference(x, table):
    # nn.Embedding lookup: out[b, t, :] = table[x[b, t], :]
    return jnp.take(table, x, axis=0)

if __name__ == "__main__":
    import jax
    _d = setup_inputs()
    print(jax.jit(kernel)(*tuple(_d.values())))

</pallas_src>

<mosaic_0001>
#map = affine_map<(d0, d1) -> (0, 0, 0, 0)>
#map1 = affine_map<(d0, d1) -> (0, 0)>
#map2 = affine_map<(d0, d1) -> (0, 0, 0, 0, 0)>
module attributes {stable_mosaic.version = 14 : i64} {
  func.func @k(%arg0: i32, %arg1: i32, %arg2: memref<25x128x8x128xi32, #tpu.memory_space<hbm>>, %arg3: memref<64x5000xf32, #tpu.memory_space<hbm>>, %arg4: memref<200x8x128x8x128xf32, #tpu.memory_space<hbm>>, %arg5: memref<5000xf32, #tpu.memory_space<vmem>>, %arg6: memref<5000xf32, #tpu.memory_space<vmem>>, %arg7: memref<5000xf32, #tpu.memory_space<vmem>>, %arg8: memref<5000xf32, #tpu.memory_space<vmem>>, %arg9: memref<5000xf32, #tpu.memory_space<vmem>>, %arg10: memref<5000xf32, #tpu.memory_space<vmem>>, %arg11: memref<5000xf32, #tpu.memory_space<vmem>>, %arg12: memref<5000xf32, #tpu.memory_space<vmem>>, %arg13: memref<2x128x128xi32, #tpu.memory_space<vmem>>, %arg14: memref<2x16x8x128xf32, #tpu.memory_space<vmem>>, %arg15: memref<!tpu.dma_semaphore, #tpu.memory_space<semaphore_mem>>, %arg16: memref<!tpu.dma_semaphore, #tpu.memory_space<semaphore_mem>>, %arg17: memref<!tpu.dma_semaphore, #tpu.memory_space<semaphore_mem>>, %arg18: memref<!tpu.dma_semaphore, #tpu.memory_space<semaphore_mem>>, %arg19: memref<!tpu.dma_semaphore, #tpu.memory_space<semaphore_mem>>) attributes {dimension_semantics = [#tpu.dimension_semantics<core_parallel>, #tpu.dimension_semantics<subcore_parallel>], iteration_bounds = array<i64: 2, 16>, scalar_prefetch = 0 : i64, scratch_operands = 15 : i64, tpu.core_type = #tpu.core_type<sc_vector_subcore>, window_params = [{transform_indices = #map}, {transform_indices = #map1}, {transform_indices = #map2}]} {
    %mul3A = arith.constant 2 : i32
    %mul3A_0 = arith.muli %arg1, %mul3A : i32
    %add3A = arith.addi %mul3A_0, %arg0 : i32
    %jit3A = arith.constant 8 : i32
    %eq3A = arith.constant 0 : i32
    %eq3A_1 = arith.cmpi eq, %jit3A, %eq3A : i32
    %jit3A_2 = arith.constant 1 : i32
    %select_n3A = arith.select %eq3A_1, %jit3A_2, %jit3A : i32
    %rem3A = arith.remsi %add3A, %select_n3A : i32
    %ne3A = arith.constant 0 : i32
    %ne3A_3 = arith.cmpi ne, %rem3A, %ne3A : i32
    %lt3A = arith.constant 0 : i32
    %lt3A_4 = arith.cmpi slt, %rem3A, %lt3A : i32
    %lt3A_5 = arith.constant 0 : i32
    %lt3A_6 = arith.cmpi slt, %select_n3A, %lt3A_5 : i32
    %ne3A_7 = arith.xori %lt3A_4, %lt3A_6 : i1
    %and3A = arith.andi %ne3A_7, %ne3A_3 : i1
    %add3A_8 = arith.addi %rem3A, %select_n3A : i32
    %select_n3A_9 = arith.select %and3A, %add3A_8, %rem3A : i32
    %jit3A_10 = arith.constant 8 : i32
    %div3A = arith.divsi %add3A, %jit3A_10 : i32
    %sign3A = arith.constant 0 : i32
    %sign3A_11 = arith.cmpi sgt, %add3A, %sign3A : i32
    %sign3A_12 = arith.extui %sign3A_11 : i1 to i32
    %sign3A_13 = arith.constant 0 : i32
    %sign3A_14 = arith.cmpi slt, %add3A, %sign3A_13 : i32
    %sign3A_15 = arith.extui %sign3A_14 : i1 to i32
    %sign3A_16 = arith.subi %sign3A_12, %sign3A_15 : i32
    %sign3A_17 = arith.constant 0 : i32
    %sign3A_18 = arith.cmpi sgt, %jit3A_10, %sign3A_17 : i32
    %sign3A_19 = arith.extui %sign3A_18 : i1 to i32
    %sign3A_20 = arith.constant 0 : i32
    %sign3A_21 = arith.cmpi slt, %jit3A_10, %sign3A_20 : i32
    %sign3A_22 = arith.extui %sign3A_21 : i1 to i32
    %sign3A_23 = arith.subi %sign3A_19, %sign3A_22 : i32
    %ne3A_24 = arith.cmpi ne, %sign3A_16, %sign3A_23 : i32
    %rem3A_25 = arith.remsi %add3A, %jit3A_10 : i32
    %ne3A_26 = arith.constant 0 : i32
    %ne3A_27 = arith.cmpi ne, %rem3A_25, %ne3A_26 : i32
    %and3A_28 = arith.andi %ne3A_24, %ne3A_27 : i1
    %sub3A = arith.constant 1 : i32
    %sub3A_29 = arith.subi %div3A, %sub3A : i32
    %select_n3A_30 = arith.select %and3A_28, %sub3A_29, %div3A : i32
    %mul3A_31 = arith.constant 50 : i32
    %mul3A_32 = arith.muli %select_n3A_30, %mul3A_31 : i32
    %mul3A_33 = arith.constant 8 : i32
    %mul3A_34 = arith.muli %select_n3A_9, %mul3A_33 : i32
    %add3A_35 = arith.constant 0 : i32
    %add3A_36 = arith.addi %mul3A_34, %add3A_35 : i32
    %dma_start3A = arith.constant 0 : i32
    %dma_start3A_37 = tpu.memref_slice %arg3[%add3A_36, %dma_start3A] : memref<64x5000xf32, #tpu.memory_space<hbm>> -> memref<1x5000xf32, #tpu.memory_space<hbm>>
    %dma_start3A_38 = tpu.memref_squeeze %dma_start3A_37 : memref<1x5000xf32, #tpu.memory_space<hbm>> -> memref<5000xf32, #tpu.memory_space<hbm>>
    %dma_start3A_39 = arith.constant 0 : i32
    %dma_start3A_40 = tpu.memref_slice %arg3[%add3A_36, %dma_start3A_39] : memref<64x5000xf32, #tpu.memory_space<hbm>> -> memref<1x5000xf32, #tpu.memory_space<hbm>>
    %dma_start3A_41 = tpu.memref_squeeze %dma_start3A_40 : memref<1x5000xf32, #tpu.memory_space<hbm>> -> memref<5000xf32, #tpu.memory_space<hbm>>
    tpu.enqueue_dma source(%dma_start3A_41 : memref<5000xf32, #tpu.memory_space<hbm>>) target(%arg5 : memref<5000xf32, #tpu.memory_space<vmem>>) target_semaphore(%arg15 : memref<!tpu.dma_semaphore, #tpu.memory_space<semaphore_mem>>)
    %mul3A_42 = arith.constant 8 : i32
    %mul3A_43 = arith.muli %select_n3A_9, %mul3A_42 : i32
    %add3A_44 = arith.constant 1 : i32
    %add3A_45 = arith.addi %mul3A_43, %add3A_44 : i32
    %dma_start3A_46 = arith.constant 0 : i32
    %dma_start3A_47 = tpu.memref_slice %arg3[%add3A_45, %dma_start3A_46] : memref<64x5000xf32, #tpu.memory_space<hbm>> -> memref<1x5000xf32, #tpu.memory_space<hbm>>
    %dma_start3A_48 = tpu.memref_squeeze %dma_start3A_47 : memref<1x5000xf32, #tpu.memory_space<hbm>> -> memref<5000xf32, #tpu.memory_space<hbm>>
    %dma_start3A_49 = arith.constant 0 : i32
    %dma_start3A_50 = tpu.memref_slice %arg3[%add3A_45, %dma_start3A_49] : memref<64x5000xf32, #tpu.memory_space<hbm>> -> memref<1x5000xf32, #tpu.memory_space<hbm>>
    %dma_start3A_51 = tpu.memref_squeeze %dma_start3A_50 : memref<1x5000xf32, #tpu.memory_space<hbm>> -> memref<5000xf32, #tpu.memory_space<hbm>>
    tpu.enqueue_dma source(%dma_start3A_51 : memref<5000xf32, #tpu.memory_space<hbm>>) target(%arg6 : memref<5000xf32, #tpu.memory_space<vmem>>) target_semaphore(%arg15 : memref<!tpu.dma_semaphore, #tpu.memory_space<semaphore_mem>>)
    %mul3A_52 = arith.constant 8 : i32
    %mul3A_53 = arith.muli %select_n3A_9, %mul3A_52 : i32
    %add3A_54 = arith.constant 2 : i32
    %add3A_55 = arith.addi %mul3A_53, %add3A_54 : i32
    %dma_start3A_56 = arith.constant 0 : i32
    %dma_start3A_57 = tpu.memref_slice %arg3[%add3A_55, %dma_start3A_56] : memref<64x5000xf32, #tpu.memory_space<hbm>> -> memref<1x5000xf32, #tpu.memory_space<hbm>>
    %dma_start3A_58 = tpu.memref_squeeze %dma_start3A_57 : memref<1x5000xf32, #tpu.memory_space<hbm>> -> memref<5000xf32, #tpu.memory_space<hbm>>
    %dma_start3A_59 = arith.constant 0 : i32
    %dma_start3A_60 = tpu.memref_slice %arg3[%add3A_55, %dma_start3A_59] : memref<64x5000xf32, #tpu.memory_space<hbm>> -> memref<1x5000xf32, #tpu.memory_space<hbm>>
    %dma_start3A_61 = tpu.memref_squeeze %dma_start3A_60 : memref<1x5000xf32, #tpu.memory_space<hbm>> -> memref<5000xf32, #tpu.memory_space<hbm>>
    tpu.enqueue_dma source(%dma_start3A_61 : memref<5000xf32, #tpu.memory_space<hbm>>) target(%arg7 : memref<5000xf32, #tpu.memory_space<vmem>>) target_semaphore(%arg15 : memref<!tpu.dma_semaphore, #tpu.memory_space<semaphore_mem>>)
    %mul3A_62 = arith.constant 8 : i32
    %mul3A_63 = arith.muli %select_n3A_9, %mul3A_62 : i32
    %add3A_64 = arith.constant 3 : i32
    %add3A_65 = arith.addi %mul3A_63, %add3A_64 : i32
    %dma_start3A_66 = arith.constant 0 : i32
    %dma_start3A_67 = tpu.memref_slice %arg3[%add3A_65, %dma_start3A_66] : memref<64x5000xf32, #tpu.memory_space<hbm>> -> memref<1x5000xf32, #tpu.memory_space<hbm>>
    %dma_start3A_68 = tpu.memref_squeeze %dma_start3A_67 : memref<1x5000xf32, #tpu.memory_space<hbm>> -> memref<5000xf32, #tpu.memory_space<hbm>>
    %dma_start3A_69 = arith.constant 0 : i32
    %dma_start3A_70 = tpu.memref_slice %arg3[%add3A_65, %dma_start3A_69] : memref<64x5000xf32, #tpu.memory_space<hbm>> -> memref<1x5000xf32, #tpu.memory_space<hbm>>
    %dma_start3A_71 = tpu.memref_squeeze %dma_start3A_70 : memref<1x5000xf32, #tpu.memory_space<hbm>> -> memref<5000xf32, #tpu.memory_space<hbm>>
    tpu.enqueue_dma source(%dma_start3A_71 : memref<5000xf32, #tpu.memory_space<hbm>>) target(%arg8 : memref<5000xf32, #tpu.memory_space<vmem>>) target_semaphore(%arg15 : memref<!tpu.dma_semaphore, #tpu.memory_space<semaphore_mem>>)
    %mul3A_72 = arith.constant 8 : i32
    %mul3A_73 = arith.muli %select_n3A_9, %mul3A_72 : i32
    %add3A_74 = arith.constant 4 : i32
    %add3A_75 = arith.addi %mul3A_73, %add3A_74 : i32
    %dma_start3A_76 = arith.constant 0 : i32
    %dma_start3A_77 = tpu.memref_slice %arg3[%add3A_75, %dma_start3A_76] : memref<64x5000xf32, #tpu.memory_space<hbm>> -> memref<1x5000xf32, #tpu.memory_space<hbm>>
    %dma_start3A_78 = tpu.memref_squeeze %dma_start3A_77 : memref<1x5000xf32, #tpu.memory_space<hbm>> -> memref<5000xf32, #tpu.memory_space<hbm>>
    %dma_start3A_79 = arith.constant 0 : i32
    %dma_start3A_80 = tpu.memref_slice %arg3[%add3A_75, %dma_start3A_79] : memref<64x5000xf32, #tpu.memory_space<hbm>> -> memref<1x5000xf32, #tpu.memory_space<hbm>>
    %dma_start3A_81 = tpu.memref_squeeze %dma_start3A_80 : memref<1x5000xf32, #tpu.memory_space<hbm>> -> memref<5000xf32, #tpu.memory_space<hbm>>
    tpu.enqueue_dma source(%dma_start3A_81 : memref<5000xf32, #tpu.memory_space<hbm>>) target(%arg9 : memref<5000xf32, #tpu.memory_space<vmem>>) target_semaphore(%arg15 : memref<!tpu.dma_semaphore, #tpu.memory_space<semaphore_mem>>)
    %mul3A_82 = arith.constant 8 : i32
    %mul3A_83 = arith.muli %select_n3A_9, %mul3A_82 : i32
    %add3A_84 = arith.constant 5 : i32
    %add3A_85 = arith.addi %mul3A_83, %add3A_84 : i32
    %dma_start3A_86 = arith.constant 0 : i32
    %dma_start3A_87 = tpu.memref_slice %arg3[%add3A_85, %dma_start3A_86] : memref<64x5000xf32, #tpu.memory_space<hbm>> -> memref<1x5000xf32, #tpu.memory_space<hbm>>
    %dma_start3A_88 = tpu.memref_squeeze %dma_start3A_87 : memref<1x5000xf32, #tpu.memory_space<hbm>> -> memref<5000xf32, #tpu.memory_space<hbm>>
    %dma_start3A_89 = arith.constant 0 : i32
    %dma_start3A_90 = tpu.memref_slice %arg3[%add3A_85, %dma_start3A_89] : memref<64x5000xf32, #tpu.memory_space<hbm>> -> memref<1x5000xf32, #tpu.memory_space<hbm>>
    %dma_start3A_91 = tpu.memref_squeeze %dma_start3A_90 : memref<1x5000xf32, #tpu.memory_space<hbm>> -> memref<5000xf32, #tpu.memory_space<hbm>>
    tpu.enqueue_dma source(%dma_start3A_91 : memref<5000xf32, #tpu.memory_space<hbm>>) target(%arg10 : memref<5000xf32, #tpu.memory_space<vmem>>) target_semaphore(%arg15 : memref<!tpu.dma_semaphore, #tpu.memory_space<semaphore_mem>>)
    %mul3A_92 = arith.constant 8 : i32
    %mul3A_93 = arith.muli %select_n3A_9, %mul3A_92 : i32
    %add3A_94 = arith.constant 6 : i32
    %add3A_95 = arith.addi %mul3A_93, %add3A_94 : i32
    %dma_start3A_96 = arith.constant 0 : i32
    %dma_start3A_97 = tpu.memref_slice %arg3[%add3A_95, %dma_start3A_96] : memref<64x5000xf32, #tpu.memory_space<hbm>> -> memref<1x5000xf32, #tpu.memory_space<hbm>>
    %dma_start3A_98 = tpu.memref_squeeze %dma_start3A_97 : memref<1x5000xf32, #tpu.memory_space<hbm>> -> memref<5000xf32, #tpu.memory_space<hbm>>
    %dma_start3A_99 = arith.constant 0 : i32
    %dma_start3A_100 = tpu.memref_slice %arg3[%add3A_95, %dma_start3A_99] : memref<64x5000xf32, #tpu.memory_space<hbm>> -> memref<1x5000xf32, #tpu.memory_space<hbm>>
    %dma_start3A_101 = tpu.memref_squeeze %dma_start3A_100 : memref<1x5000xf32, #tpu.memory_space<hbm>> -> memref<5000xf32, #tpu.memory_space<hbm>>
    tpu.enqueue_dma source(%dma_start3A_101 : memref<5000xf32, #tpu.memory_space<hbm>>) target(%arg11 : memref<5000xf32, #tpu.memory_space<vmem>>) target_semaphore(%arg15 : memref<!tpu.dma_semaphore, #tpu.memory_space<semaphore_mem>>)
    %mul3A_102 = arith.constant 8 : i32
    %mul3A_103 = arith.muli %select_n3A_9, %mul3A_102 : i32
    %add3A_104 = arith.constant 7 : i32
    %add3A_105 = arith.addi %mul3A_103, %add3A_104 : i32
    %dma_start3A_106 = arith.constant 0 : i32
    %dma_start3A_107 = tpu.memref_slice %arg3[%add3A_105, %dma_start3A_106] : memref<64x5000xf32, #tpu.memory_space<hbm>> -> memref<1x5000xf32, #tpu.memory_space<hbm>>
    %dma_start3A_108 = tpu.memref_squeeze %dma_start3A_107 : memref<1x5000xf32, #tpu.memory_space<hbm>> -> memref<5000xf32, #tpu.memory_space<hbm>>
    %dma_start3A_109 = arith.constant 0 : i32
    %dma_start3A_110 = tpu.memref_slice %arg3[%add3A_105, %dma_start3A_109] : memref<64x5000xf32, #tpu.memory_space<hbm>> -> memref<1x5000xf32, #tpu.memory_space<hbm>>
    %dma_start3A_111 = tpu.memref_squeeze %dma_start3A_110 : memref<1x5000xf32, #tpu.memory_space<hbm>> -> memref<5000xf32, #tpu.memory_space<hbm>>
    tpu.enqueue_dma source(%dma_start3A_111 : memref<5000xf32, #tpu.memory_space<hbm>>) target(%arg12 : memref<5000xf32, #tpu.memory_space<vmem>>) target_semaphore(%arg15 : memref<!tpu.dma_semaphore, #tpu.memory_space<semaphore_mem>>)
    %add3A_112 = arith.constant 0 : i32
    %add3A_113 = arith.addi %mul3A_32, %add3A_112 : i32
    %jit3A_114 = arith.constant 8 : i32
    %div3A_115 = arith.divsi %add3A_113, %jit3A_114 : i32
    %sign3A_116 = arith.constant 0 : i32
    %sign3A_117 = arith.cmpi sgt, %add3A_113, %sign3A_116 : i32
    %sign3A_118 = arith.extui %sign3A_117 : i1 to i32
    %sign3A_119 = arith.constant 0 : i32
    %sign3A_120 = arith.cmpi slt, %add3A_113, %sign3A_119 : i32
    %sign3A_121 = arith.extui %sign3A_120 : i1 to i32
    %sign3A_122 = arith.subi %sign3A_118, %sign3A_121 : i32
    %sign3A_123 = arith.constant 0 : i32
    %sign3A_124 = arith.cmpi sgt, %jit3A_114, %sign3A_123 : i32
    %sign3A_125 = arith.extui %sign3A_124 : i1 to i32
    %sign3A_126 = arith.constant 0 : i32
    %sign3A_127 = arith.cmpi slt, %jit3A_114, %sign3A_126 : i32
    %sign3A_128 = arith.extui %sign3A_127 : i1 to i32
    %sign3A_129 = arith.subi %sign3A_125, %sign3A_128 : i32
    %ne3A_130 = arith.cmpi ne, %sign3A_122, %sign3A_129 : i32
    %rem3A_131 = arith.remsi %add3A_113, %jit3A_114 : i32
    %ne3A_132 = arith.constant 0 : i32
    %ne3A_133 = arith.cmpi ne, %rem3A_131, %ne3A_132 : i32
    %and3A_134 = arith.andi %ne3A_130, %ne3A_133 : i1
    %sub3A_135 = arith.constant 1 : i32
    %sub3A_136 = arith.subi %div3A_115, %sub3A_135 : i32
    %select_n3A_137 = arith.select %and3A_134, %sub3A_136, %div3A_115 : i32
    %jit3A_138 = arith.constant 8 : i32
    %eq3A_139 = arith.constant 0 : i32
    %eq3A_140 = arith.cmpi eq, %jit3A_138, %eq3A_139 : i32
    %jit3A_141 = arith.constant 1 : i32
    %select_n3A_142 = arith.select %eq3A_140, %jit3A_141, %jit3A_138 : i32
    %rem3A_143 = arith.remsi %add3A_113, %select_n3A_142 : i32
    %ne3A_144 = arith.constant 0 : i32
    %ne3A_145 = arith.cmpi ne, %rem3A_143, %ne3A_144 : i32
    %lt3A_146 = arith.constant 0 : i32
    %lt3A_147 = arith.cmpi slt, %rem3A_143, %lt3A_146 : i32
    %lt3A_148 = arith.constant 0 : i32
    %lt3A_149 = arith.cmpi slt, %select_n3A_142, %lt3A_148 : i32
    %ne3A_150 = arith.xori %lt3A_147, %lt3A_149 : i1
    %and3A_151 = arith.andi %ne3A_150, %ne3A_145 : i1
    %add3A_152 = arith.addi %rem3A_143, %select_n3A_142 : i32
    %select_n3A_153 = arith.select %and3A_151, %add3A_152, %rem3A_143 : i32
    %dma_start3A_154 = arith.constant 0 : i32
    %dma_start3A_155 = arith.constant 0 : i32
    %dma_start3A_156 = arith.constant 0 : i32
    %dma_start3A_157 = tpu.memref_slice %arg13[%dma_start3A_154, %dma_start3A_155, %dma_start3A_156] : memref<2x128x128xi32, #tpu.memory_space<vmem>> -> memref<1x128x128xi32, #tpu.memory_space<vmem>>
    %dma_start3A_158 = tpu.memref_squeeze %dma_start3A_157 : memref<1x128x128xi32, #tpu.memory_space<vmem>> -> memref<128x128xi32, #tpu.memory_space<vmem>>
    %dma_start3A_159 = arith.constant 0 : i32
    %dma_start3A_160 = arith.constant 0 : i32
    %dma_start3A_161 = tpu.memref_slice %arg2[%select_n3A_137, %dma_start3A_159, %select_n3A_153, %dma_start3A_160] : memref<25x128x8x128xi32, #tpu.memory_space<hbm>> -> memref<1x128x1x128xi32, #tpu.memory_space<hbm>>
    %dma_start3A_162 = tpu.memref_squeeze %dma_start3A_161 : memref<1x128x1x128xi32, #tpu.memory_space<hbm>> -> memref<128x128xi32, #tpu.memory_space<hbm>>
    %dma_start3A_163 = arith.constant 0 : i32
    %dma_start3A_164 = arith.constant 0 : i32
    %dma_start3A_165 = tpu.memref_slice %arg13[%dma_start3A_154, %dma_start3A_163, %dma_start3A_164] : memref<2x128x128xi32, #tpu.memory_space<vmem>> -> memref<1x128x128xi32, #tpu.memory_space<vmem>>
    %dma_start3A_166 = tpu.memref_squeeze %dma_start3A_165 : memref<1x128x128xi32, #tpu.memory_space<vmem>> -> memref<128x128xi32, #tpu.memory_space<vmem>>
    %dma_start3A_167 = arith.constant 0 : i32
    %dma_start3A_168 = arith.constant 0 : i32
    %dma_start3A_169 = tpu.memref_slice %arg2[%select_n3A_137, %dma_start3A_167, %select_n3A_153, %dma_start3A_168] : memref<25x128x8x128xi32, #tpu.memory_space<hbm>> -> memref<1x128x1x128xi32, #tpu.memory_space<hbm>>
    %dma_start3A_170 = tpu.memref_squeeze %dma_start3A_169 : memref<1x128x1x128xi32, #tpu.memory_space<hbm>> -> memref<128x128xi32, #tpu.memory_space<hbm>>
    tpu.enqueue_dma source(%dma_start3A_170 : memref<128x128xi32, #tpu.memory_space<hbm>>) target(%dma_start3A_166 : memref<128x128xi32, #tpu.memory_space<vmem>>) target_semaphore(%arg16 : memref<!tpu.dma_semaphore, #tpu.memory_space<semaphore_mem>>)
    %add3A_171 = arith.constant 1 : i32
    %add3A_172 = arith.addi %mul3A_32, %add3A_171 : i32
    %jit3A_173 = arith.constant 8 : i32
    %div3A_174 = arith.divsi %add3A_172, %jit3A_173 : i32
    %sign3A_175 = arith.constant 0 : i32
    %sign3A_176 = arith.cmpi sgt, %add3A_172, %sign3A_175 : i32
    %sign3A_177 = arith.extui %sign3A_176 : i1 to i32
    %sign3A_178 = arith.constant 0 : i32
    %sign3A_179 = arith.cmpi slt, %add3A_172, %sign3A_178 : i32
    %sign3A_180 = arith.extui %sign3A_179 : i1 to i32
    %sign3A_181 = arith.subi %sign3A_177, %sign3A_180 : i32
    %sign3A_182 = arith.constant 0 : i32
    %sign3A_183 = arith.cmpi sgt, %jit3A_173, %sign3A_182 : i32
    %sign3A_184 = arith.extui %sign3A_183 : i1 to i32
    %sign3A_185 = arith.constant 0 : i32
    %sign3A_186 = arith.cmpi slt, %jit3A_173, %sign3A_185 : i32
    %sign3A_187 = arith.extui %sign3A_186 : i1 to i32
    %sign3A_188 = arith.subi %sign3A_184, %sign3A_187 : i32
    %ne3A_189 = arith.cmpi ne, %sign3A_181, %sign3A_188 : i32
    %rem3A_190 = arith.remsi %add3A_172, %jit3A_173 : i32
    %ne3A_191 = arith.constant 0 : i32
    %ne3A_192 = arith.cmpi ne, %rem3A_190, %ne3A_191 : i32
    %and3A_193 = arith.andi %ne3A_189, %ne3A_192 : i1
    %sub3A_194 = arith.constant 1 : i32
    %sub3A_195 = arith.subi %div3A_174, %sub3A_194 : i32
    %select_n3A_196 = arith.select %and3A_193, %sub3A_195, %div3A_174 : i32
    %jit3A_197 = arith.constant 8 : i32
    %eq3A_198 = arith.constant 0 : i32
    %eq3A_199 = arith.cmpi eq, %jit3A_197, %eq3A_198 : i32
    %jit3A_200 = arith.constant 1 : i32
    %select_n3A_201 = arith.select %eq3A_199, %jit3A_200, %jit3A_197 : i32
    %rem3A_202 = arith.remsi %add3A_172, %select_n3A_201 : i32
    %ne3A_203 = arith.constant 0 : i32
    %ne3A_204 = arith.cmpi ne, %rem3A_202, %ne3A_203 : i32
    %lt3A_205 = arith.constant 0 : i32
    %lt3A_206 = arith.cmpi slt, %rem3A_202, %lt3A_205 : i32
    %lt3A_207 = arith.constant 0 : i32
    %lt3A_208 = arith.cmpi slt, %select_n3A_201, %lt3A_207 : i32
    %ne3A_209 = arith.xori %lt3A_206, %lt3A_208 : i1
    %and3A_210 = arith.andi %ne3A_209, %ne3A_204 : i1
    %add3A_211 = arith.addi %rem3A_202, %select_n3A_201 : i32
    %select_n3A_212 = arith.select %and3A_210, %add3A_211, %rem3A_202 : i32
    %dma_start3A_213 = arith.constant 1 : i32
    %dma_start3A_214 = arith.constant 0 : i32
    %dma_start3A_215 = arith.constant 0 : i32
    %dma_start3A_216 = tpu.memref_slice %arg13[%dma_start3A_213, %dma_start3A_214, %dma_start3A_215] : memref<2x128x128xi32, #tpu.memory_space<vmem>> -> memref<1x128x128xi32, #tpu.memory_space<vmem>>
    %dma_start3A_217 = tpu.memref_squeeze %dma_start3A_216 : memref<1x128x128xi32, #tpu.memory_space<vmem>> -> memref<128x128xi32, #tpu.memory_space<vmem>>
    %dma_start3A_218 = arith.constant 0 : i32
    %dma_start3A_219 = arith.constant 0 : i32
    %dma_start3A_220 = tpu.memref_slice %arg2[%select_n3A_196, %dma_start3A_218, %select_n3A_212, %dma_start3A_219] : memref<25x128x8x128xi32, #tpu.memory_space<hbm>> -> memref<1x128x1x128xi32, #tpu.memory_space<hbm>>
    %dma_start3A_221 = tpu.memref_squeeze %dma_start3A_220 : memref<1x128x1x128xi32, #tpu.memory_space<hbm>> -> memref<128x128xi32, #tpu.memory_space<hbm>>
    %dma_start3A_222 = arith.constant 0 : i32
    %dma_start3A_223 = arith.constant 0 : i32
    %dma_start3A_224 = tpu.memref_slice %arg13[%dma_start3A_213, %dma_start3A_222, %dma_start3A_223] : memref<2x128x128xi32, #tpu.memory_space<vmem>> -> memref<1x128x128xi32, #tpu.memory_space<vmem>>
    %dma_start3A_225 = tpu.memref_squeeze %dma_start3A_224 : memref<1x128x128xi32, #tpu.memory_space<vmem>> -> memref<128x128xi32, #tpu.memory_space<vmem>>
    %dma_start3A_226 = arith.constant 0 : i32
    %dma_start3A_227 = arith.constant 0 : i32
    %dma_start3A_228 = tpu.memref_slice %arg2[%select_n3A_196, %dma_start3A_226, %select_n3A_212, %dma_start3A_227] : memref<25x128x8x128xi32, #tpu.memory_space<hbm>> -> memref<1x128x1x128xi32, #tpu.memory_space<hbm>>
    %dma_start3A_229 = tpu.memref_squeeze %dma_start3A_228 : memref<1x128x1x128xi32, #tpu.memory_space<hbm>> -> memref<128x128xi32, #tpu.memory_space<hbm>>
    tpu.enqueue_dma source(%dma_start3A_229 : memref<128x128xi32, #tpu.memory_space<hbm>>) target(%dma_start3A_225 : memref<128x128xi32, #tpu.memory_space<vmem>>) target_semaphore(%arg17 : memref<!tpu.dma_semaphore, #tpu.memory_space<semaphore_mem>>)
    %dma_wait3A = arith.constant 0 : i32
    %dma_wait3A_230 = arith.constant 0 : i32
    %dma_wait3A_231 = tpu.memref_slice %arg3[%dma_wait3A, %dma_wait3A_230] : memref<64x5000xf32, #tpu.memory_space<hbm>> -> memref<1x5000xf32, #tpu.memory_space<hbm>>
    %dma_wait3A_232 = tpu.memref_squeeze %dma_wait3A_231 : memref<1x5000xf32, #tpu.memory_space<hbm>> -> memref<5000xf32, #tpu.memory_space<hbm>>
    %dma_wait3A_233 = arith.constant 0 : i32
    %dma_wait3A_234 = tpu.memref_slice %arg3[%dma_wait3A, %dma_wait3A_233] : memref<64x5000xf32, #tpu.memory_space<hbm>> -> memref<1x5000xf32, #tpu.memory_space<hbm>>
    %dma_wait3A_235 = tpu.memref_squeeze %dma_wait3A_234 : memref<1x5000xf32, #tpu.memory_space<hbm>> -> memref<5000xf32, #tpu.memory_space<hbm>>
    tpu.wait_dma2 semaphore(%arg15 : memref<!tpu.dma_semaphore, #tpu.memory_space<semaphore_mem>>) src(%dma_wait3A_235 : memref<5000xf32, #tpu.memory_space<hbm>>) dst(%arg5 : memref<5000xf32, #tpu.memory_space<vmem>>)
    %dma_wait3A_236 = arith.constant 0 : i32
    %dma_wait3A_237 = arith.constant 0 : i32
    %dma_wait3A_238 = tpu.memref_slice %arg3[%dma_wait3A_236, %dma_wait3A_237] : memref<64x5000xf32, #tpu.memory_space<hbm>> -> memref<1x5000xf32, #tpu.memory_space<hbm>>
    %dma_wait3A_239 = tpu.memref_squeeze %dma_wait3A_238 : memref<1x5000xf32, #tpu.memory_space<hbm>> -> memref<5000xf32, #tpu.memory_space<hbm>>
    %dma_wait3A_240 = arith.constant 0 : i32
    %dma_wait3A_241 = tpu.memref_slice %arg3[%dma_wait3A_236, %dma_wait3A_240] : memref<64x5000xf32, #tpu.memory_space<hbm>> -> memref<1x5000xf32, #tpu.memory_space<hbm>>
    %dma_wait3A_242 = tpu.memref_squeeze %dma_wait3A_241 : memref<1x5000xf32, #tpu.memory_space<hbm>> -> memref<5000xf32, #tpu.memory_space<hbm>>
    tpu.wait_dma2 semaphore(%arg15 : memref<!tpu.dma_semaphore, #tpu.memory_space<semaphore_mem>>) src(%dma_wait3A_242 : memref<5000xf32, #tpu.memory_space<hbm>>) dst(%arg6 : memref<5000xf32, #tpu.memory_space<vmem>>)
    %dma_wait3A_243 = arith.constant 0 : i32
    %dma_wait3A_244 = arith.constant 0 : i32
    %dma_wait3A_245 = tpu.memref_slice %arg3[%dma_wait3A_243, %dma_wait3A_244] : memref<64x5000xf32, #tpu.memory_space<hbm>> -> memref<1x5000xf32, #tpu.memory_space<hbm>>
    %dma_wait3A_246 = tpu.memref_squeeze %dma_wait3A_245 : memref<1x5000xf32, #tpu.memory_space<hbm>> -> memref<5000xf32, #tpu.memory_space<hbm>>
    %dma_wait3A_247 = arith.constant 0 : i32
    %dma_wait3A_248 = tpu.memref_slice %arg3[%dma_wait3A_243, %dma_wait3A_247] : memref<64x5000xf32, #tpu.memory_space<hbm>> -> memref<1x5000xf32, #tpu.memory_space<hbm>>
    %dma_wait3A_249 = tpu.memref_squeeze %dma_wait3A_248 : memref<1x5000xf32, #tpu.memory_space<hbm>> -> memref<5000xf32, #tpu.memory_space<hbm>>
    tpu.wait_dma2 semaphore(%arg15 : memref<!tpu.dma_semaphore, #tpu.memory_space<semaphore_mem>>) src(%dma_wait3A_249 : memref<5000xf32, #tpu.memory_space<hbm>>) dst(%arg7 : memref<5000xf32, #tpu.memory_space<vmem>>)
    %dma_wait3A_250 = arith.constant 0 : i32
    %dma_wait3A_251 = arith.constant 0 : i32
    %dma_wait3A_252 = tpu.memref_slice %arg3[%dma_wait3A_250, %dma_wait3A_251] : memref<64x5000xf32, #tpu.memory_space<hbm>> -> memref<1x5000xf32, #tpu.memory_space<hbm>>
    %dma_wait3A_253 = tpu.memref_squeeze %dma_wait3A_252 : memref<1x5000xf32, #tpu.memory_space<hbm>> -> memref<5000xf32, #tpu.memory_space<hbm>>
    %dma_wait3A_254 = arith.constant 0 : i32
    %dma_wait3A_255 = tpu.memref_slice %arg3[%dma_wait3A_250, %dma_wait3A_254] : memref<64x5000xf32, #tpu.memory_space<hbm>> -> memref<1x5000xf32, #tpu.memory_space<hbm>>
    %dma_wait3A_256 = tpu.memref_squeeze %dma_wait3A_255 : memref<1x5000xf32, #tpu.memory_space<hbm>> -> memref<5000xf32, #tpu.memory_space<hbm>>
    tpu.wait_dma2 semaphore(%arg15 : memref<!tpu.dma_semaphore, #tpu.memory_space<semaphore_mem>>) src(%dma_wait3A_256 : memref<5000xf32, #tpu.memory_space<hbm>>) dst(%arg8 : memref<5000xf32, #tpu.memory_space<vmem>>)
    %dma_wait3A_257 = arith.constant 0 : i32
    %dma_wait3A_258 = arith.constant 0 : i32
    %dma_wait3A_259 = tpu.memref_slice %arg3[%dma_wait3A_257, %dma_wait3A_258] : memref<64x5000xf32, #tpu.memory_space<hbm>> -> memref<1x5000xf32, #tpu.memory_space<hbm>>
    %dma_wait3A_260 = tpu.memref_squeeze %dma_wait3A_259 : memref<1x5000xf32, #tpu.memory_space<hbm>> -> memref<5000xf32, #tpu.memory_space<hbm>>
    %dma_wait3A_261 = arith.constant 0 : i32
    %dma_wait3A_262 = tpu.memref_slice %arg3[%dma_wait3A_257, %dma_wait3A_261] : memref<64x5000xf32, #tpu.memory_space<hbm>> -> memref<1x5000xf32, #tpu.memory_space<hbm>>
    %dma_wait3A_263 = tpu.memref_squeeze %dma_wait3A_262 : memref<1x5000xf32, #tpu.memory_space<hbm>> -> memref<5000xf32, #tpu.memory_space<hbm>>
    tpu.wait_dma2 semaphore(%arg15 : memref<!tpu.dma_semaphore, #tpu.memory_space<semaphore_mem>>) src(%dma_wait3A_263 : memref<5000xf32, #tpu.memory_space<hbm>>) dst(%arg9 : memref<5000xf32, #tpu.memory_space<vmem>>)
    %dma_wait3A_264 = arith.constant 0 : i32
    %dma_wait3A_265 = arith.constant 0 : i32
    %dma_wait3A_266 = tpu.memref_slice %arg3[%dma_wait3A_264, %dma_wait3A_265] : memref<64x5000xf32, #tpu.memory_space<hbm>> -> memref<1x5000xf32, #tpu.memory_space<hbm>>
    %dma_wait3A_267 = tpu.memref_squeeze %dma_wait3A_266 : memref<1x5000xf32, #tpu.memory_space<hbm>> -> memref<5000xf32, #tpu.memory_space<hbm>>
    %dma_wait3A_268 = arith.constant 0 : i32
    %dma_wait3A_269 = tpu.memref_slice %arg3[%dma_wait3A_264, %dma_wait3A_268] : memref<64x5000xf32, #tpu.memory_space<hbm>> -> memref<1x5000xf32, #tpu.memory_space<hbm>>
    %dma_wait3A_270 = tpu.memref_squeeze %dma_wait3A_269 : memref<1x5000xf32, #tpu.memory_space<hbm>> -> memref<5000xf32, #tpu.memory_space<hbm>>
    tpu.wait_dma2 semaphore(%arg15 : memref<!tpu.dma_semaphore, #tpu.memory_space<semaphore_mem>>) src(%dma_wait3A_270 : memref<5000xf32, #tpu.memory_space<hbm>>) dst(%arg10 : memref<5000xf32, #tpu.memory_space<vmem>>)
    %dma_wait3A_271 = arith.constant 0 : i32
    %dma_wait3A_272 = arith.constant 0 : i32
    %dma_wait3A_273 = tpu.memref_slice %arg3[%dma_wait3A_271, %dma_wait3A_272] : memref<64x5000xf32, #tpu.memory_space<hbm>> -> memref<1x5000xf32, #tpu.memory_space<hbm>>
    %dma_wait3A_274 = tpu.memref_squeeze %dma_wait3A_273 : memref<1x5000xf32, #tpu.memory_space<hbm>> -> memref<5000xf32, #tpu.memory_space<hbm>>
    %dma_wait3A_275 = arith.constant 0 : i32
    %dma_wait3A_276 = tpu.memref_slice %arg3[%dma_wait3A_271, %dma_wait3A_275] : memref<64x5000xf32, #tpu.memory_space<hbm>> -> memref<1x5000xf32, #tpu.memory_space<hbm>>
    %dma_wait3A_277 = tpu.memref_squeeze %dma_wait3A_276 : memref<1x5000xf32, #tpu.memory_space<hbm>> -> memref<5000xf32, #tpu.memory_space<hbm>>
    tpu.wait_dma2 semaphore(%arg15 : memref<!tpu.dma_semaphore, #tpu.memory_space<semaphore_mem>>) src(%dma_wait3A_277 : memref<5000xf32, #tpu.memory_space<hbm>>) dst(%arg11 : memref<5000xf32, #tpu.memory_space<vmem>>)
    %dma_wait3A_278 = arith.constant 0 : i32
    %dma_wait3A_279 = arith.constant 0 : i32
    %dma_wait3A_280 = tpu.memref_slice %arg3[%dma_wait3A_278, %dma_wait3A_279] : memref<64x5000xf32, #tpu.memory_space<hbm>> -> memref<1x5000xf32, #tpu.memory_space<hbm>>
    %dma_wait3A_281 = tpu.memref_squeeze %dma_wait3A_280 : memref<1x5000xf32, #tpu.memory_space<hbm>> -> memref<5000xf32, #tpu.memory_space<hbm>>
    %dma_wait3A_282 = arith.constant 0 : i32
    %dma_wait3A_283 = tpu.memref_slice %arg3[%dma_wait3A_278, %dma_wait3A_282] : memref<64x5000xf32, #tpu.memory_space<hbm>> -> memref<1x5000xf32, #tpu.memory_space<hbm>>
    %dma_wait3A_284 = tpu.memref_squeeze %dma_wait3A_283 : memref<1x5000xf32, #tpu.memory_space<hbm>> -> memref<5000xf32, #tpu.memory_space<hbm>>
    tpu.wait_dma2 semaphore(%arg15 : memref<!tpu.dma_semaphore, #tpu.memory_space<semaphore_mem>>) src(%dma_wait3A_284 : memref<5000xf32, #tpu.memory_space<hbm>>) dst(%arg12 : memref<5000xf32, #tpu.memory_space<vmem>>)
    %scan3A = arith.constant 0 : i32
    %scan3A_285 = arith.constant 25 : i32
    %scan3A_286 = arith.addi %scan3A, %scan3A_285 : i32
    %scan3A_287 = arith.constant 1 : i32
    scf.for %scan3A_335 = %scan3A to %scan3A_286 step %scan3A_287  : i32 {
      %mul3A_336 = arith.constant 2 : i32
      %mul3A_337 = arith.muli %scan3A_335, %mul3A_336 : i32
      %add3A_338 = arith.constant 0 : i32
      %add3A_339 = arith.addi %add3A_338, %mul3A_337 : i32
      %add3A_340 = arith.addi %mul3A_32, %add3A_339 : i32
      %add3A_341 = arith.constant 0 : i32
      %add3A_342 = arith.addi %add3A_340, %add3A_341 : i32
      %dma_wait3A_343 = arith.constant 0 : i32
      %dma_wait3A_344 = arith.constant 0 : i32
      %dma_wait3A_345 = arith.constant 0 : i32
      %dma_wait3A_346 = arith.constant 0 : i32
      %dma_wait3A_347 = arith.constant 0 : i32
      %dma_wait3A_348 = tpu.memref_slice %arg13[%dma_wait3A_345, %dma_wait3A_346, %dma_wait3A_347] : memref<2x128x128xi32, #tpu.memory_space<vmem>> -> memref<1x128x128xi32, #tpu.memory_space<vmem>>
      %dma_wait3A_349 = tpu.memref_squeeze %dma_wait3A_348 : memref<1x128x128xi32, #tpu.memory_space<vmem>> -> memref<128x128xi32, #tpu.memory_space<vmem>>
      %dma_wait3A_350 = arith.constant 0 : i32
      %dma_wait3A_351 = arith.constant 0 : i32
      %dma_wait3A_352 = tpu.memref_slice %arg2[%dma_wait3A_343, %dma_wait3A_350, %dma_wait3A_344, %dma_wait3A_351] : memref<25x128x8x128xi32, #tpu.memory_space<hbm>> -> memref<1x128x1x128xi32, #tpu.memory_space<hbm>>
      %dma_wait3A_353 = tpu.memref_squeeze %dma_wait3A_352 : memref<1x128x1x128xi32, #tpu.memory_space<hbm>> -> memref<128x128xi32, #tpu.memory_space<hbm>>
      %dma_wait3A_354 = arith.constant 0 : i32
      %dma_wait3A_355 = arith.constant 0 : i32
      %dma_wait3A_356 = tpu.memref_slice %arg13[%dma_wait3A_345, %dma_wait3A_354, %dma_wait3A_355] : memref<2x128x128xi32, #tpu.memory_space<vmem>> -> memref<1x128x128xi32, #tpu.memory_space<vmem>>
      %dma_wait3A_357 = tpu.memref_squeeze %dma_wait3A_356 : memref<1x128x128xi32, #tpu.memory_space<vmem>> -> memref<128x128xi32, #tpu.memory_space<vmem>>
      %dma_wait3A_358 = arith.constant 0 : i32
      %dma_wait3A_359 = arith.constant 0 : i32
      %dma_wait3A_360 = tpu.memref_slice %arg2[%dma_wait3A_343, %dma_wait3A_358, %dma_wait3A_344, %dma_wait3A_359] : memref<25x128x8x128xi32, #tpu.memory_space<hbm>> -> memref<1x128x1x128xi32, #tpu.memory_space<hbm>>
      %dma_wait3A_361 = tpu.memref_squeeze %dma_wait3A_360 : memref<1x128x1x128xi32, #tpu.memory_space<hbm>> -> memref<128x128xi32, #tpu.memory_space<hbm>>
      tpu.wait_dma2 semaphore(%arg16 : memref<!tpu.dma_semaphore, #tpu.memory_space<semaphore_mem>>) src(%dma_wait3A_361 : memref<128x128xi32, #tpu.memory_space<hbm>>) dst(%dma_wait3A_357 : memref<128x128xi32, #tpu.memory_space<vmem>>)
      %scan3A_362 = arith.constant 0 : i32
      %scan3A_363 = arith.constant 4 : i32
      %scan3A_364 = arith.addi %scan3A_362, %scan3A_363 : i32
      %scan3A_365 = arith.constant 1 : i32
      scf.for %scan3A_408 = %scan3A_362 to %scan3A_364 step %scan3A_365  : i32 {
        %mul3A_409 = arith.constant 2 : i32
        %mul3A_410 = arith.muli %scan3A_408, %mul3A_409 : i32
        %add3A_411 = arith.constant 0 : i32
        %add3A_412 = arith.addi %add3A_411, %mul3A_410 : i32
        %add3A_413 = arith.constant 0 : i32
        %add3A_414 = arith.addi %add3A_412, %add3A_413 : i32
        %mul3A_415 = arith.constant 16 : i32
        %mul3A_416 = arith.muli %add3A_414, %mul3A_415 : i32
        %gt3A = arith.constant 0 : i32
        %gt3A_417 = arith.cmpi sgt, %add3A_339, %gt3A : i32
        %gt3A_418 = arith.constant 0 : i32
        %gt3A_419 = arith.cmpi sgt, %add3A_412, %gt3A_418 : i32
        %or3A = arith.ori %gt3A_417, %gt3A_419 : i1
        %convert_element_type3A_420 = arith.extui %or3A : i1 to i32
        %cond3A_421 = arith.constant 0 : i32
        %cond3A_422 = arith.cmpi ne, %convert_element_type3A_420, %cond3A_421 : i32
        scf.if %cond3A_422 {
          %dma_wait3A_478 = arith.constant 0 : i32
          %dma_wait3A_479 = arith.constant 0 : i32
          %dma_wait3A_480 = arith.constant 0 : i32
          %dma_wait3A_481 = arith.constant 0 : i32
          %dma_wait3A_482 = arith.constant 0 : i32
          %dma_wait3A_483 = arith.constant 0 : i32
          %dma_wait3A_484 = tpu.memref_slice %arg14[%dma_wait3A_478, %dma_wait3A_481, %dma_wait3A_482, %dma_wait3A_483] : memref<2x16x8x128xf32, #tpu.memory_space<vmem>> -> memref<1x16x8x128xf32, #tpu.memory_space<vmem>>
          %dma_wait3A_485 = tpu.memref_squeeze %dma_wait3A_484 : memref<1x16x8x128xf32, #tpu.memory_space<vmem>> -> memref<16x8x128xf32, #tpu.memory_space<vmem>>
          %dma_wait3A_486 = arith.constant 0 : i32
          %dma_wait3A_487 = arith.constant 0 : i32
          %dma_wait3A_488 = arith.constant 0 : i32
          %dma_wait3A_489 = tpu.memref_slice %arg4[%dma_wait3A_479, %dma_wait3A_480, %dma_wait3A_486, %dma_wait3A_487, %dma_wait3A_488] : memref<200x8x128x8x128xf32, #tpu.memory_space<hbm>> -> memref<1x1x16x8x128xf32, #tpu.memory_space<hbm>>
          %dma_wait3A_490 = tpu.memref_squeeze %dma_wait3A_489 : memref<1x1x16x8x128xf32, #tpu.memory_space<hbm>> -> memref<16x8x128xf32, #tpu.memory_space<hbm>>
          %dma_wait3A_491 = arith.constant 0 : i32
          %dma_wait3A_492 = arith.constant 0 : i32
          %dma_wait3A_493 = arith.constant 0 : i32
          %dma_wait3A_494 = tpu.memref_slice %arg4[%dma_wait3A_479, %dma_wait3A_480, %dma_wait3A_491, %dma_wait3A_492, %dma_wait3A_493] : memref<200x8x128x8x128xf32, #tpu.memory_space<hbm>> -> memref<1x1x16x8x128xf32, #tpu.memory_space<hbm>>
          %dma_wait3A_495 = tpu.memref_squeeze %dma_wait3A_494 : memref<1x1x16x8x128xf32, #tpu.memory_space<hbm>> -> memref<16x8x128xf32, #tpu.memory_space<hbm>>
          %dma_wait3A_496 = arith.constant 0 : i32
          %dma_wait3A_497 = arith.constant 0 : i32
          %dma_wait3A_498 = arith.constant 0 : i32
          %dma_wait3A_499 = tpu.memref_slice %arg14[%dma_wait3A_478, %dma_wait3A_496, %dma_wait3A_497, %dma_wait3A_498] : memref<2x16x8x128xf32, #tpu.memory_space<vmem>> -> memref<1x16x8x128xf32, #tpu.memory_space<vmem>>
          %dma_wait3A_500 = tpu.memref_squeeze %dma_wait3A_499 : memref<1x16x8x128xf32, #tpu.memory_space<vmem>> -> memref<16x8x128xf32, #tpu.memory_space<vmem>>
          tpu.wait_dma2 semaphore(%arg18 : memref<!tpu.dma_semaphore, #tpu.memory_space<semaphore_mem>>) src(%dma_wait3A_500 : memref<16x8x128xf32, #tpu.memory_space<vmem>>) dst(%dma_wait3A_495 : memref<16x8x128xf32, #tpu.memory_space<hbm>>)
        } else {
        }
        %parallel_loop3A = arith.constant 0 : i32
        %parallel_loop3A_423 = arith.constant 128 : i32
        %parallel_loop3A_424 = arith.constant 1 : i32
        scf.for %parallel_loop3A_478 = %parallel_loop3A to %parallel_loop3A_423 step %parallel_loop3A_424  : i32 {
          %parallel_loop3A_479 = arith.constant 8 : i32
          %parallel_loop3A_480 = arith.divsi %parallel_loop3A_478, %parallel_loop3A_479 : i32
          %parallel_loop3A_481 = arith.constant 0 : i32
          %parallel_loop3A_482 = arith.cmpi sgt, %parallel_loop3A_478, %parallel_loop3A_481 : i32
          %parallel_loop3A_483 = arith.extui %parallel_loop3A_482 : i1 to i32
          %parallel_loop3A_484 = arith.constant 0 : i32
          %parallel_loop3A_485 = arith.cmpi slt, %parallel_loop3A_478, %parallel_loop3A_484 : i32
          %parallel_loop3A_486 = arith.extui %parallel_loop3A_485 : i1 to i32
          %parallel_loop3A_487 = arith.subi %parallel_loop3A_483, %parallel_loop3A_486 : i32
          %parallel_loop3A_488 = arith.constant 0 : i32
          %parallel_loop3A_489 = arith.cmpi sgt, %parallel_loop3A_479, %parallel_loop3A_488 : i32
          %parallel_loop3A_490 = arith.extui %parallel_loop3A_489 : i1 to i32
          %parallel_loop3A_491 = arith.constant 0 : i32
          %parallel_loop3A_492 = arith.cmpi slt, %parallel_loop3A_479, %parallel_loop3A_491 : i32
          %parallel_loop3A_493 = arith.extui %parallel_loop3A_492 : i1 to i32
          %parallel_loop3A_494 = arith.subi %parallel_loop3A_490, %parallel_loop3A_493 : i32
          %parallel_loop3A_495 = arith.cmpi ne, %parallel_loop3A_487, %parallel_loop3A_494 : i32
          %parallel_loop3A_496 = arith.remsi %parallel_loop3A_478, %parallel_loop3A_479 : i32
          %parallel_loop3A_497 = arith.constant 0 : i32
          %parallel_loop3A_498 = arith.cmpi ne, %parallel_loop3A_496, %parallel_loop3A_497 : i32
          %parallel_loop3A_499 = arith.andi %parallel_loop3A_495, %parallel_loop3A_498 : i1
          %parallel_loop3A_500 = arith.constant 1 : i32
          %parallel_loop3A_501 = arith.subi %parallel_loop3A_480, %parallel_loop3A_500 : i32
          %parallel_loop3A_502 = arith.select %parallel_loop3A_499, %parallel_loop3A_501, %parallel_loop3A_480 : i32
          %parallel_loop3A_503 = arith.constant 8 : i32
          %parallel_loop3A_504 = arith.constant 0 : i32
          %parallel_loop3A_505 = arith.cmpi eq, %parallel_loop3A_503, %parallel_loop3A_504 : i32
          %parallel_loop3A_506 = arith.constant 1 : i32
          %parallel_loop3A_507 = arith.select %parallel_loop3A_505, %parallel_loop3A_506, %parallel_loop3A_503 : i32
          %parallel_loop3A_508 = arith.remsi %parallel_loop3A_478, %parallel_loop3A_507 : i32
          %parallel_loop3A_509 = arith.constant 0 : i32
          %parallel_loop3A_510 = arith.cmpi ne, %parallel_loop3A_508, %parallel_loop3A_509 : i32
          %parallel_loop3A_511 = arith.constant 0 : i32
          %parallel_loop3A_512 = arith.cmpi slt, %parallel_loop3A_508, %parallel_loop3A_511 : i32
          %parallel_loop3A_513 = arith.constant 0 : i32
          %parallel_loop3A_514 = arith.cmpi slt, %parallel_loop3A_507, %parallel_loop3A_513 : i32
          %parallel_loop3A_515 = arith.xori %parallel_loop3A_512, %parallel_loop3A_514 : i1
          %parallel_loop3A_516 = arith.andi %parallel_loop3A_515, %parallel_loop3A_510 : i1
          %parallel_loop3A_517 = arith.addi %parallel_loop3A_508, %parallel_loop3A_507 : i32
          %parallel_loop3A_518 = arith.select %parallel_loop3A_516, %parallel_loop3A_517, %parallel_loop3A_508 : i32
          %parallel_loop3A_519 = arith.addi %mul3A_416, %parallel_loop3A_502 : i32
          %parallel_loop3A_520 = arith.constant 16 : i32
          %parallel_loop3A_521 = arith.muli %parallel_loop3A_518, %parallel_loop3A_520 : i32
          %parallel_loop3A_522 = arith.constant 0 : i32
          %parallel_loop3A_523 = arith.index_cast %parallel_loop3A_522 : i32 to index
          %parallel_loop3A_524 = arith.index_cast %parallel_loop3A_519 : i32 to index
          %parallel_loop3A_525 = arith.index_cast %parallel_loop3A_521 : i32 to index
          %parallel_loop3A_526 = tpu.vector_load %arg13[%parallel_loop3A_523, %parallel_loop3A_524, %parallel_loop3A_525] {strides = array<i32>} : memref<2x128x128xi32, #tpu.memory_space<vmem>>, vector<16xi32>,
          %parallel_loop3A_527 = tpu.vector_load_idx %arg5[%parallel_loop3A_526] : memref<5000xf32, #tpu.memory_space<vmem>>[vector<16xi32>], vector<16xf32>,
          %parallel_loop3A_528 = arith.constant 16 : i32
          %parallel_loop3A_529 = arith.muli %parallel_loop3A_518, %parallel_loop3A_528 : i32
          %parallel_loop3A_530 = arith.constant 0 : i32
          %parallel_loop3A_531 = arith.constant 0 : i32
          %parallel_loop3A_532 = arith.index_cast %parallel_loop3A_530 : i32 to index
          %parallel_loop3A_533 = arith.index_cast %parallel_loop3A_502 : i32 to index
          %parallel_loop3A_534 = arith.index_cast %parallel_loop3A_531 : i32 to index
          %parallel_loop3A_535 = arith.index_cast %parallel_loop3A_529 : i32 to index
          %parallel_loop3A_536 = tpu.vector_load %arg14[%parallel_loop3A_532, %parallel_loop3A_533, %parallel_loop3A_534, %parallel_loop3A_535] {strides = array<i32>} : memref<2x16x8x128xf32, #tpu.memory_space<vmem>>, vector<16xf32>,
          tpu.vector_store %arg14[%parallel_loop3A_532, %parallel_loop3A_533, %parallel_loop3A_534, %parallel_loop3A_535], %parallel_loop3A_527 {strides = array<i32>} : memref<2x16x8x128xf32, #tpu.memory_space<vmem>>, vector<16xf32>,
          %parallel_loop3A_537 = tpu.vector_load_idx %arg6[%parallel_loop3A_526] : memref<5000xf32, #tpu.memory_space<vmem>>[vector<16xi32>], vector<16xf32>,
          %parallel_loop3A_538 = arith.constant 16 : i32
          %parallel_loop3A_539 = arith.muli %parallel_loop3A_518, %parallel_loop3A_538 : i32
          %parallel_loop3A_540 = arith.constant 0 : i32
          %parallel_loop3A_541 = arith.constant 1 : i32
          %parallel_loop3A_542 = arith.index_cast %parallel_loop3A_540 : i32 to index
          %parallel_loop3A_543 = arith.index_cast %parallel_loop3A_502 : i32 to index
          %parallel_loop3A_544 = arith.index_cast %parallel_loop3A_541 : i32 to index
          %parallel_loop3A_545 = arith.index_cast %parallel_loop3A_539 : i32 to index
          %parallel_loop3A_546 = tpu.vector_load %arg14[%parallel_loop3A_542, %parallel_loop3A_543, %parallel_loop3A_544, %parallel_loop3A_545] {strides = array<i32>} : memref<2x16x8x128xf32, #tpu.memory_space<vmem>>, vector<16xf32>,
          tpu.vector_store %arg14[%parallel_loop3A_542, %parallel_loop3A_543, %parallel_loop3A_544, %parallel_loop3A_545], %parallel_loop3A_537 {strides = array<i32>} : memref<2x16x8x128xf32, #tpu.memory_space<vmem>>, vector<16xf32>,
          %parallel_loop3A_547 = tpu.vector_load_idx %arg7[%parallel_loop3A_526] : memref<5000xf32, #tpu.memory_space<vmem>>[vector<16xi32>], vector<16xf32>,
          %parallel_loop3A_548 = arith.constant 16 : i32
          %parallel_loop3A_549 = arith.muli %parallel_loop3A_518, %parallel_loop3A_548 : i32
          %parallel_loop3A_550 = arith.constant 0 : i32
          %parallel_loop3A_551 = arith.constant 2 : i32
          %parallel_loop3A_552 = arith.index_cast %parallel_loop3A_550 : i32 to index
          %parallel_loop3A_553 = arith.index_cast %parallel_loop3A_502 : i32 to index
          %parallel_loop3A_554 = arith.index_cast %parallel_loop3A_551 : i32 to index
          %parallel_loop3A_555 = arith.index_cast %parallel_loop3A_549 : i32 to index
          %parallel_loop3A_556 = tpu.vector_load %arg14[%parallel_loop3A_552, %parallel_loop3A_553, %parallel_loop3A_554, %parallel_loop3A_555] {strides = array<i32>} : memref<2x16x8x128xf32, #tpu.memory_space<vmem>>, vector<16xf32>,
          tpu.vector_store %arg14[%parallel_loop3A_552, %parallel_loop3A_553, %parallel_loop3A_554, %parallel_loop3A_555], %parallel_loop3A_547 {strides = array<i32>} : memref<2x16x8x128xf32, #tpu.memory_space<vmem>>, vector<16xf32>,
          %parallel_loop3A_557 = tpu.vector_load_idx %arg8[%parallel_loop3A_526] : memref<5000xf32, #tpu.memory_space<vmem>>[vector<16xi32>], vector<16xf32>,
          %parallel_loop3A_558 = arith.constant 16 : i32
          %parallel_loop3A_559 = arith.muli %parallel_loop3A_518, %parallel_loop3A_558 : i32
          %parallel_loop3A_560 = arith.constant 0 : i32
          %parallel_loop3A_561 = arith.constant 3 : i32
          %parallel_loop3A_562 = arith.index_cast %parallel_loop3A_560 : i32 to index
          %parallel_loop3A_563 = arith.index_cast %parallel_loop3A_502 : i32 to index
          %parallel_loop3A_564 = arith.index_cast %parallel_loop3A_561 : i32 to index
          %parallel_loop3A_565 = arith.index_cast %parallel_loop3A_559 : i32 to index
          %parallel_loop3A_566 = tpu.vector_load %arg14[%parallel_loop3A_562, %parallel_loop3A_563, %parallel_loop3A_564, %parallel_loop3A_565] {strides = array<i32>} : memref<2x16x8x128xf32, #tpu.memory_space<vmem>>, vector<16xf32>,
          tpu.vector_store %arg14[%parallel_loop3A_562, %parallel_loop3A_563, %parallel_loop3A_564, %parallel_loop3A_565], %parallel_loop3A_557 {strides = array<i32>} : memref<2x16x8x128xf32, #tpu.memory_space<vmem>>, vector<16xf32>,
          %parallel_loop3A_567 = tpu.vector_load_idx %arg9[%parallel_loop3A_526] : memref<5000xf32, #tpu.memory_space<vmem>>[vector<16xi32>], vector<16xf32>,
          %parallel_loop3A_568 = arith.constant 16 : i32
          %parallel_loop3A_569 = arith.muli %parallel_loop3A_518, %parallel_loop3A_568 : i32
          %parallel_loop3A_570 = arith.constant 0 : i32
          %parallel_loop3A_571 = arith.constant 4 : i32
          %parallel_loop3A_572 = arith.index_cast %parallel_loop3A_570 : i32 to index
          %parallel_loop3A_573 = arith.index_cast %parallel_loop3A_502 : i32 to index
          %parallel_loop3A_574 = arith.index_cast %parallel_loop3A_571 : i32 to index
          %parallel_loop3A_575 = arith.index_cast %parallel_loop3A_569 : i32 to index
          %parallel_loop3A_576 = tpu.vector_load %arg14[%parallel_loop3A_572, %parallel_loop3A_573, %parallel_loop3A_574, %parallel_loop3A_575] {strides = array<i32>} : memref<2x16x8x128xf32, #tpu.memory_space<vmem>>, vector<16xf32>,
          tpu.vector_store %arg14[%parallel_loop3A_572, %parallel_loop3A_573, %parallel_loop3A_574, %parallel_loop3A_575], %parallel_loop3A_567 {strides = array<i32>} : memref<2x16x8x128xf32, #tpu.memory_space<vmem>>, vector<16xf32>,
          %parallel_loop3A_577 = tpu.vector_load_idx %arg10[%parallel_loop3A_526] : memref<5000xf32, #tpu.memory_space<vmem>>[vector<16xi32>], vector<16xf32>,
          %parallel_loop3A_578 = arith.constant 16 : i32
          %parallel_loop3A_579 = arith.muli %parallel_loop3A_518, %parallel_loop3A_578 : i32
          %parallel_loop3A_580 = arith.constant 0 : i32
          %parallel_loop3A_581 = arith.constant 5 : i32
          %parallel_loop3A_582 = arith.index_cast %parallel_loop3A_580 : i32 to index
          %parallel_loop3A_583 = arith.index_cast %parallel_loop3A_502 : i32 to index
          %parallel_loop3A_584 = arith.index_cast %parallel_loop3A_581 : i32 to index
          %parallel_loop3A_585 = arith.index_cast %parallel_loop3A_579 : i32 to index
          %parallel_loop3A_586 = tpu.vector_load %arg14[%parallel_loop3A_582, %parallel_loop3A_583, %parallel_loop3A_584, %parallel_loop3A_585] {strides = array<i32>} : memref<2x16x8x128xf32, #tpu.memory_space<vmem>>, vector<16xf32>,
          tpu.vector_store %arg14[%parallel_loop3A_582, %parallel_loop3A_583, %parallel_loop3A_584, %parallel_loop3A_585], %parallel_loop3A_577 {strides = array<i32>} : memref<2x16x8x128xf32, #tpu.memory_space<vmem>>, vector<16xf32>,
          %parallel_loop3A_587 = tpu.vector_load_idx %arg11[%parallel_loop3A_526] : memref<5000xf32, #tpu.memory_space<vmem>>[vector<16xi32>], vector<16xf32>,
          %parallel_loop3A_588 = arith.constant 16 : i32
          %parallel_loop3A_589 = arith.muli %parallel_loop3A_518, %parallel_loop3A_588 : i32
          %parallel_loop3A_590 = arith.constant 0 : i32
          %parallel_loop3A_591 = arith.constant 6 : i32
          %parallel_loop3A_592 = arith.index_cast %parallel_loop3A_590 : i32 to index
          %parallel_loop3A_593 = arith.index_cast %parallel_loop3A_502 : i32 to index
          %parallel_loop3A_594 = arith.index_cast %parallel_loop3A_591 : i32 to index
          %parallel_loop3A_595 = arith.index_cast %parallel_loop3A_589 : i32 to index
          %parallel_loop3A_596 = tpu.vector_load %arg14[%parallel_loop3A_592, %parallel_loop3A_593, %parallel_loop3A_594, %parallel_loop3A_595] {strides = array<i32>} : memref<2x16x8x128xf32, #tpu.memory_space<vmem>>, vector<16xf32>,
          tpu.vector_store %arg14[%parallel_loop3A_592, %parallel_loop3A_593, %parallel_loop3A_594, %parallel_loop3A_595], %parallel_loop3A_587 {strides = array<i32>} : memref<2x16x8x128xf32, #tpu.memory_space<vmem>>, vector<16xf32>,
          %parallel_loop3A_597 = tpu.vector_load_idx %arg12[%parallel_loop3A_526] : memref<5000xf32, #tpu.memory_space<vmem>>[vector<16xi32>], vector<16xf32>,
          %parallel_loop3A_598 = arith.constant 16 : i32
          %parallel_loop3A_599 = arith.muli %parallel_loop3A_518, %parallel_loop3A_598 : i32
          %parallel_loop3A_600 = arith.constant 0 : i32
          %parallel_loop3A_601 = arith.constant 7 : i32
          %parallel_loop3A_602 = arith.index_cast %parallel_loop3A_600 : i32 to index
          %parallel_loop3A_603 = arith.index_cast %parallel_loop3A_502 : i32 to index
          %parallel_loop3A_604 = arith.index_cast %parallel_loop3A_601 : i32 to index
          %parallel_loop3A_605 = arith.index_cast %parallel_loop3A_599 : i32 to index
          %parallel_loop3A_606 = tpu.vector_load %arg14[%parallel_loop3A_602, %parallel_loop3A_603, %parallel_loop3A_604, %parallel_loop3A_605] {strides = array<i32>} : memref<2x16x8x128xf32, #tpu.memory_space<vmem>>, vector<16xf32>,
          tpu.vector_store %arg14[%parallel_loop3A_602, %parallel_loop3A_603, %parallel_loop3A_604, %parallel_loop3A_605], %parallel_loop3A_597 {strides = array<i32>} : memref<2x16x8x128xf32, #tpu.memory_space<vmem>>, vector<16xf32>,
        } {sc.loop_unroll_factor = 16 : i64, sc.parallel_access}
        %dma_start3A_425 = arith.constant 0 : i32
        %dma_start3A_426 = arith.constant 0 : i32
        %dma_start3A_427 = arith.constant 0 : i32
        %dma_start3A_428 = arith.constant 0 : i32
        %dma_start3A_429 = tpu.memref_slice %arg14[%dma_start3A_425, %dma_start3A_426, %dma_start3A_427, %dma_start3A_428] : memref<2x16x8x128xf32, #tpu.memory_space<vmem>> -> memref<1x16x8x128xf32, #tpu.memory_space<vmem>>
        %dma_start3A_430 = tpu.memref_squeeze %dma_start3A_429 : memref<1x16x8x128xf32, #tpu.memory_space<vmem>> -> memref<16x8x128xf32, #tpu.memory_space<vmem>>
        %dma_start3A_431 = arith.constant 0 : i32
        %dma_start3A_432 = arith.constant 0 : i32
        %dma_start3A_433 = tpu.memref_slice %arg4[%add3A_342, %select_n3A_9, %mul3A_416, %dma_start3A_431, %dma_start3A_432] : memref<200x8x128x8x128xf32, #tpu.memory_space<hbm>> -> memref<1x1x16x8x128xf32, #tpu.memory_space<hbm>>
        %dma_start3A_434 = tpu.memref_squeeze %dma_start3A_433 : memref<1x1x16x8x128xf32, #tpu.memory_space<hbm>> -> memref<16x8x128xf32, #tpu.memory_space<hbm>>
        %dma_start3A_435 = arith.constant 0 : i32
        %dma_start3A_436 = arith.constant 0 : i32
        %dma_start3A_437 = tpu.memref_slice %arg4[%add3A_342, %select_n3A_9, %mul3A_416, %dma_start3A_435, %dma_start3A_436] : memref<200x8x128x8x128xf32, #tpu.memory_space<hbm>> -> memref<1x1x16x8x128xf32, #tpu.memory_space<hbm>>
        %dma_start3A_438 = tpu.memref_squeeze %dma_start3A_437 : memref<1x1x16x8x128xf32, #tpu.memory_space<hbm>> -> memref<16x8x128xf32, #tpu.memory_space<hbm>>
        %dma_start3A_439 = arith.constant 0 : i32
        %dma_start3A_440 = arith.constant 0 : i32
        %dma_start3A_441 = arith.constant 0 : i32
        %dma_start3A_442 = tpu.memref_slice %arg14[%dma_start3A_425, %dma_start3A_439, %dma_start3A_440, %dma_start3A_441] : memref<2x16x8x128xf32, #tpu.memory_space<vmem>> -> memref<1x16x8x128xf32, #tpu.memory_space<vmem>>
        %dma_start3A_443 = tpu.memref_squeeze %dma_start3A_442 : memref<1x16x8x128xf32, #tpu.memory_space<vmem>> -> memref<16x8x128xf32, #tpu.memory_space<vmem>>
        tpu.enqueue_dma source(%dma_start3A_443 : memref<16x8x128xf32, #tpu.memory_space<vmem>>) target(%dma_start3A_438 : memref<16x8x128xf32, #tpu.memory_space<hbm>>) target_semaphore(%arg18 : memref<!tpu.dma_semaphore, #tpu.memory_space<semaphore_mem>>)
        %add3A_444 = arith.constant 1 : i32
        %add3A_445 = arith.addi %add3A_412, %add3A_444 : i32
        %mul3A_446 = arith.constant 16 : i32
        %mul3A_447 = arith.muli %add3A_445, %mul3A_446 : i32
        %gt3A_448 = arith.constant 0 : i32
        %gt3A_449 = arith.cmpi sgt, %add3A_339, %gt3A_448 : i32
        %gt3A_450 = arith.constant 0 : i32
        %gt3A_451 = arith.cmpi sgt, %add3A_412, %gt3A_450 : i32
        %or3A_452 = arith.ori %gt3A_449, %gt3A_451 : i1
        %convert_element_type3A_453 = arith.extui %or3A_452 : i1 to i32
        %cond3A_454 = arith.constant 0 : i32
        %cond3A_455 = arith.cmpi ne, %convert_element_type3A_453, %cond3A_454 : i32
        scf.if %cond3A_455 {
          %dma_wait3A_478 = arith.constant 1 : i32
          %dma_wait3A_479 = arith.constant 0 : i32
          %dma_wait3A_480 = arith.constant 0 : i32
          %dma_wait3A_481 = arith.constant 0 : i32
          %dma_wait3A_482 = arith.constant 0 : i32
          %dma_wait3A_483 = arith.constant 0 : i32
          %dma_wait3A_484 = tpu.memref_slice %arg14[%dma_wait3A_478, %dma_wait3A_481, %dma_wait3A_482, %dma_wait3A_483] : memref<2x16x8x128xf32, #tpu.memory_space<vmem>> -> memref<1x16x8x128xf32, #tpu.memory_space<vmem>>
          %dma_wait3A_485 = tpu.memref_squeeze %dma_wait3A_484 : memref<1x16x8x128xf32, #tpu.memory_space<vmem>> -> memref<16x8x128xf32, #tpu.memory_space<vmem>>
          %dma_wait3A_486 = arith.constant 0 : i32
          %dma_wait3A_487 = arith.constant 0 : i32
          %dma_wait3A_488 = arith.constant 0 : i32
          %dma_wait3A_489 = tpu.memref_slice %arg4[%dma_wait3A_479, %dma_wait3A_480, %dma_wait3A_486, %dma_wait3A_487, %dma_wait3A_488] : memref<200x8x128x8x128xf32, #tpu.memory_space<hbm>> -> memref<1x1x16x8x128xf32, #tpu.memory_space<hbm>>
          %dma_wait3A_490 = tpu.memref_squeeze %dma_wait3A_489 : memref<1x1x16x8x128xf32, #tpu.memory_space<hbm>> -> memref<16x8x128xf32, #tpu.memory_space<hbm>>
          %dma_wait3A_491 = arith.constant 0 : i32
          %dma_wait3A_492 = arith.constant 0 : i32
          %dma_wait3A_493 = arith.constant 0 : i32
          %dma_wait3A_494 = tpu.memref_slice %arg4[%dma_wait3A_479, %dma_wait3A_480, %dma_wait3A_491, %dma_wait3A_492, %dma_wait3A_493] : memref<200x8x128x8x128xf32, #tpu.memory_space<hbm>> -> memref<1x1x16x8x128xf32, #tpu.memory_space<hbm>>
          %dma_wait3A_495 = tpu.memref_squeeze %dma_wait3A_494 : memref<1x1x16x8x128xf32, #tpu.memory_space<hbm>> -> memref<16x8x128xf32, #tpu.memory_space<hbm>>
          %dma_wait3A_496 = arith.constant 0 : i32
          %dma_wait3A_497 = arith.constant 0 : i32
          %dma_wait3A_498 = arith.constant 0 : i32
          %dma_wait3A_499 = tpu.memref_slice %arg14[%dma_wait3A_478, %dma_wait3A_496, %dma_wait3A_497, %dma_wait3A_498] : memref<2x16x8x128xf32, #tpu.memory_space<vmem>> -> memref<1x16x8x128xf32, #tpu.memory_space<vmem>>
          %dma_wait3A_500 = tpu.memref_squeeze %dma_wait3A_499 : memref<1x16x8x128xf32, #tpu.memory_space<vmem>> -> memref<16x8x128xf32, #tpu.memory_space<vmem>>
          tpu.wait_dma2 semaphore(%arg19 : memref<!tpu.dma_semaphore, #tpu.memory_space<semaphore_mem>>) src(%dma_wait3A_500 : memref<16x8x128xf32, #tpu.memory_space<vmem>>) dst(%dma_wait3A_495 : memref<16x8x128xf32, #tpu.memory_space<hbm>>)
        } else {
        }
        %parallel_loop3A_456 = arith.constant 0 : i32
        %parallel_loop3A_457 = arith.constant 128 : i32
        %parallel_loop3A_458 = arith.constant 1 : i32
        scf.for %parallel_loop3A_478 = %parallel_loop3A_456 to %parallel_loop3A_457 step %parallel_loop3A_458  : i32 {
          %parallel_loop3A_479 = arith.constant 8 : i32
          %parallel_loop3A_480 = arith.divsi %parallel_loop3A_478, %parallel_loop3A_479 : i32
          %parallel_loop3A_481 = arith.constant 0 : i32
          %parallel_loop3A_482 = arith.cmpi sgt, %parallel_loop3A_478, %parallel_loop3A_481 : i32
          %parallel_loop3A_483 = arith.extui %parallel_loop3A_482 : i1 to i32
          %parallel_loop3A_484 = arith.constant 0 : i32
          %parallel_loop3A_485 = arith.cmpi slt, %parallel_loop3A_478, %parallel_loop3A_484 : i32
          %parallel_loop3A_486 = arith.extui %parallel_loop3A_485 : i1 to i32
          %parallel_loop3A_487 = arith.subi %parallel_loop3A_483, %parallel_loop3A_486 : i32
          %parallel_loop3A_488 = arith.constant 0 : i32
          %parallel_loop3A_489 = arith.cmpi sgt, %parallel_loop3A_479, %parallel_loop3A_488 : i32
          %parallel_loop3A_490 = arith.extui %parallel_loop3A_489 : i1 to i32
          %parallel_loop3A_491 = arith.constant 0 : i32
          %parallel_loop3A_492 = arith.cmpi slt, %parallel_loop3A_479, %parallel_loop3A_491 : i32
          %parallel_loop3A_493 = arith.extui %parallel_loop3A_492 : i1 to i32
          %parallel_loop3A_494 = arith.subi %parallel_loop3A_490, %parallel_loop3A_493 : i32
          %parallel_loop3A_495 = arith.cmpi ne, %parallel_loop3A_487, %parallel_loop3A_494 : i32
          %parallel_loop3A_496 = arith.remsi %parallel_loop3A_478, %parallel_loop3A_479 : i32
          %parallel_loop3A_497 = arith.constant 0 : i32
          %parallel_loop3A_498 = arith.cmpi ne, %parallel_loop3A_496, %parallel_loop3A_497 : i32
          %parallel_loop3A_499 = arith.andi %parallel_loop3A_495, %parallel_loop3A_498 : i1
          %parallel_loop3A_500 = arith.constant 1 : i32
          %parallel_loop3A_501 = arith.subi %parallel_loop3A_480, %parallel_loop3A_500 : i32
          %parallel_loop3A_502 = arith.select %parallel_loop3A_499, %parallel_loop3A_501, %parallel_loop3A_480 : i32
          %parallel_loop3A_503 = arith.constant 8 : i32
          %parallel_loop3A_504 = arith.constant 0 : i32
          %parallel_loop3A_505 = arith.cmpi eq, %parallel_loop3A_503, %parallel_loop3A_504 : i32
          %parallel_loop3A_506 = arith.constant 1 : i32
          %parallel_loop3A_507 = arith.select %parallel_loop3A_505, %parallel_loop3A_506, %parallel_loop3A_503 : i32
          %parallel_loop3A_508 = arith.remsi %parallel_loop3A_478, %parallel_loop3A_507 : i32
          %parallel_loop3A_509 = arith.constant 0 : i32
          %parallel_loop3A_510 = arith.cmpi ne, %parallel_loop3A_508, %parallel_loop3A_509 : i32
          %parallel_loop3A_511 = arith.constant 0 : i32
          %parallel_loop3A_512 = arith.cmpi slt, %parallel_loop3A_508, %parallel_loop3A_511 : i32
          %parallel_loop3A_513 = arith.constant 0 : i32
          %parallel_loop3A_514 = arith.cmpi slt, %parallel_loop3A_507, %parallel_loop3A_513 : i32
          %parallel_loop3A_515 = arith.xori %parallel_loop3A_512, %parallel_loop3A_514 : i1
          %parallel_loop3A_516 = arith.andi %parallel_loop3A_515, %parallel_loop3A_510 : i1
          %parallel_loop3A_517 = arith.addi %parallel_loop3A_508, %parallel_loop3A_507 : i32
          %parallel_loop3A_518 = arith.select %parallel_loop3A_516, %parallel_loop3A_517, %parallel_loop3A_508 : i32
          %parallel_loop3A_519 = arith.addi %mul3A_447, %parallel_loop3A_502 : i32
          %parallel_loop3A_520 = arith.constant 16 : i32
          %parallel_loop3A_521 = arith.muli %parallel_loop3A_518, %parallel_loop3A_520 : i32
          %parallel_loop3A_522 = arith.constant 0 : i32
          %parallel_loop3A_523 = arith.index_cast %parallel_loop3A_522 : i32 to index
          %parallel_loop3A_524 = arith.index_cast %parallel_loop3A_519 : i32 to index
          %parallel_loop3A_525 = arith.index_cast %parallel_loop3A_521 : i32 to index
          %parallel_loop3A_526 = tpu.vector_load %arg13[%parallel_loop3A_523, %parallel_loop3A_524, %parallel_loop3A_525] {strides = array<i32>} : memref<2x128x128xi32, #tpu.memory_space<vmem>>, vector<16xi32>,
          %parallel_loop3A_527 = tpu.vector_load_idx %arg5[%parallel_loop3A_526] : memref<5000xf32, #tpu.memory_space<vmem>>[vector<16xi32>], vector<16xf32>,
          %parallel_loop3A_528 = arith.constant 16 : i32
          %parallel_loop3A_529 = arith.muli %parallel_loop3A_518, %parallel_loop3A_528 : i32
          %parallel_loop3A_530 = arith.constant 1 : i32
          %parallel_loop3A_531 = arith.constant 0 : i32
          %parallel_loop3A_532 = arith.index_cast %parallel_loop3A_530 : i32 to index
          %parallel_loop3A_533 = arith.index_cast %parallel_loop3A_502 : i32 to index
          %parallel_loop3A_534 = arith.index_cast %parallel_loop3A_531 : i32 to index
          %parallel_loop3A_535 = arith.index_cast %parallel_loop3A_529 : i32 to index
          %parallel_loop3A_536 = tpu.vector_load %arg14[%parallel_loop3A_532, %parallel_loop3A_533, %parallel_loop3A_534, %parallel_loop3A_535] {strides = array<i32>} : memref<2x16x8x128xf32, #tpu.memory_space<vmem>>, vector<16xf32>,
          tpu.vector_store %arg14[%parallel_loop3A_532, %parallel_loop3A_533, %parallel_loop3A_534, %parallel_loop3A_535], %parallel_loop3A_527 {strides = array<i32>} : memref<2x16x8x128xf32, #tpu.memory_space<vmem>>, vector<16xf32>,
          %parallel_loop3A_537 = tpu.vector_load_idx %arg6[%parallel_loop3A_526] : memref<5000xf32, #tpu.memory_space<vmem>>[vector<16xi32>], vector<16xf32>,
          %parallel_loop3A_538 = arith.constant 16 : i32
          %parallel_loop3A_539 = arith.muli %parallel_loop3A_518, %parallel_loop3A_538 : i32
          %parallel_loop3A_540 = arith.constant 1 : i32
          %parallel_loop3A_541 = arith.constant 1 : i32
          %parallel_loop3A_542 = arith.index_cast %parallel_loop3A_540 : i32 to index
          %parallel_loop3A_543 = arith.index_cast %parallel_loop3A_502 : i32 to index
          %parallel_loop3A_544 = arith.index_cast %parallel_loop3A_541 : i32 to index
          %parallel_loop3A_545 = arith.index_cast %parallel_loop3A_539 : i32 to index
          %parallel_loop3A_546 = tpu.vector_load %arg14[%parallel_loop3A_542, %parallel_loop3A_543, %parallel_loop3A_544, %parallel_loop3A_545] {strides = array<i32>} : memref<2x16x8x128xf32, #tpu.memory_space<vmem>>, vector<16xf32>,
          tpu.vector_store %arg14[%parallel_loop3A_542, %parallel_loop3A_543, %parallel_loop3A_544, %parallel_loop3A_545], %parallel_loop3A_537 {strides = array<i32>} : memref<2x16x8x128xf32, #tpu.memory_space<vmem>>, vector<16xf32>,
          %parallel_loop3A_547 = tpu.vector_load_idx %arg7[%parallel_loop3A_526] : memref<5000xf32, #tpu.memory_space<vmem>>[vector<16xi32>], vector<16xf32>,
          %parallel_loop3A_548 = arith.constant 16 : i32
          %parallel_loop3A_549 = arith.muli %parallel_loop3A_518, %parallel_loop3A_548 : i32
          %parallel_loop3A_550 = arith.constant 1 : i32
          %parallel_loop3A_551 = arith.constant 2 : i32
          %parallel_loop3A_552 = arith.index_cast %parallel_loop3A_550 : i32 to index
          %parallel_loop3A_553 = arith.index_cast %parallel_loop3A_502 : i32 to index
          %parallel_loop3A_554 = arith.index_cast %parallel_loop3A_551 : i32 to index
          %parallel_loop3A_555 = arith.index_cast %parallel_loop3A_549 : i32 to index
          %parallel_loop3A_556 = tpu.vector_load %arg14[%parallel_loop3A_552, %parallel_loop3A_553, %parallel_loop3A_554, %parallel_loop3A_555] {strides = array<i32>} : memref<2x16x8x128xf32, #tpu.memory_space<vmem>>, vector<16xf32>,
          tpu.vector_store %arg14[%parallel_loop3A_552, %parallel_loop3A_553, %parallel_loop3A_554, %parallel_loop3A_555], %parallel_loop3A_547 {strides = array<i32>} : memref<2x16x8x128xf32, #tpu.memory_space<vmem>>, vector<16xf32>,
          %parallel_loop3A_557 = tpu.vector_load_idx %arg8[%parallel_loop3A_526] : memref<5000xf32, #tpu.memory_space<vmem>>[vector<16xi32>], vector<16xf32>,
          %parallel_loop3A_558 = arith.constant 16 : i32
          %parallel_loop3A_559 = arith.muli %parallel_loop3A_518, %parallel_loop3A_558 : i32
          %parallel_loop3A_560 = arith.constant 1 : i32
          %parallel_loop3A_561 = arith.constant 3 : i32
          %parallel_loop3A_562 = arith.index_cast %parallel_loop3A_560 : i32 to index
          %parallel_loop3A_563 = arith.index_cast %parallel_loop3A_502 : i32 to index
          %parallel_loop3A_564 = arith.index_cast %parallel_loop3A_561 : i32 to index
          %parallel_loop3A_565 = arith.index_cast %parallel_loop3A_559 : i32 to index
          %parallel_loop3A_566 = tpu.vector_load %arg14[%parallel_loop3A_562, %parallel_loop3A_563, %parallel_loop3A_564, %parallel_loop3A_565] {strides = array<i32>} : memref<2x16x8x128xf32, #tpu.memory_space<vmem>>, vector<16xf32>,
          tpu.vector_store %arg14[%parallel_loop3A_562, %parallel_loop3A_563, %parallel_loop3A_564, %parallel_loop3A_565], %parallel_loop3A_557 {strides = array<i32>} : memref<2x16x8x128xf32, #tpu.memory_space<vmem>>, vector<16xf32>,
          %parallel_loop3A_567 = tpu.vector_load_idx %arg9[%parallel_loop3A_526] : memref<5000xf32, #tpu.memory_space<vmem>>[vector<16xi32>], vector<16xf32>,
          %parallel_loop3A_568 = arith.constant 16 : i32
          %parallel_loop3A_569 = arith.muli %parallel_loop3A_518, %parallel_loop3A_568 : i32
          %parallel_loop3A_570 = arith.constant 1 : i32
          %parallel_loop3A_571 = arith.constant 4 : i32
          %parallel_loop3A_572 = arith.index_cast %parallel_loop3A_570 : i32 to index
          %parallel_loop3A_573 = arith.index_cast %parallel_loop3A_502 : i32 to index
          %parallel_loop3A_574 = arith.index_cast %parallel_loop3A_571 : i32 to index
          %parallel_loop3A_575 = arith.index_cast %parallel_loop3A_569 : i32 to index
          %parallel_loop3A_576 = tpu.vector_load %arg14[%parallel_loop3A_572, %parallel_loop3A_573, %parallel_loop3A_574, %parallel_loop3A_575] {strides = array<i32>} : memref<2x16x8x128xf32, #tpu.memory_space<vmem>>, vector<16xf32>,
          tpu.vector_store %arg14[%parallel_loop3A_572, %parallel_loop3A_573, %parallel_loop3A_574, %parallel_loop3A_575], %parallel_loop3A_567 {strides = array<i32>} : memref<2x16x8x128xf32, #tpu.memory_space<vmem>>, vector<16xf32>,
          %parallel_loop3A_577 = tpu.vector_load_idx %arg10[%parallel_loop3A_526] : memref<5000xf32, #tpu.memory_space<vmem>>[vector<16xi32>], vector<16xf32>,
          %parallel_loop3A_578 = arith.constant 16 : i32
          %parallel_loop3A_579 = arith.muli %parallel_loop3A_518, %parallel_loop3A_578 : i32
          %parallel_loop3A_580 = arith.constant 1 : i32
          %parallel_loop3A_581 = arith.constant 5 : i32
          %parallel_loop3A_582 = arith.index_cast %parallel_loop3A_580 : i32 to index
          %parallel_loop3A_583 = arith.index_cast %parallel_loop3A_502 : i32 to index
          %parallel_loop3A_584 = arith.index_cast %parallel_loop3A_581 : i32 to index
          %parallel_loop3A_585 = arith.index_cast %parallel_loop3A_579 : i32 to index
          %parallel_loop3A_586 = tpu.vector_load %arg14[%parallel_loop3A_582, %parallel_loop3A_583, %parallel_loop3A_584, %parallel_loop3A_585] {strides = array<i32>} : memref<2x16x8x128xf32, #tpu.memory_space<vmem>>, vector<16xf32>,
          tpu.vector_store %arg14[%parallel_loop3A_582, %parallel_loop3A_583, %parallel_loop3A_584, %parallel_loop3A_585], %parallel_loop3A_577 {strides = array<i32>} : memref<2x16x8x128xf32, #tpu.memory_space<vmem>>, vector<16xf32>,
          %parallel_loop3A_587 = tpu.vector_load_idx %arg11[%parallel_loop3A_526] : memref<5000xf32, #tpu.memory_space<vmem>>[vector<16xi32>], vector<16xf32>,
          %parallel_loop3A_588 = arith.constant 16 : i32
          %parallel_loop3A_589 = arith.muli %parallel_loop3A_518, %parallel_loop3A_588 : i32
          %parallel_loop3A_590 = arith.constant 1 : i32
          %parallel_loop3A_591 = arith.constant 6 : i32
          %parallel_loop3A_592 = arith.index_cast %parallel_loop3A_590 : i32 to index
          %parallel_loop3A_593 = arith.index_cast %parallel_loop3A_502 : i32 to index
          %parallel_loop3A_594 = arith.index_cast %parallel_loop3A_591 : i32 to index
          %parallel_loop3A_595 = arith.index_cast %parallel_loop3A_589 : i32 to index
          %parallel_loop3A_596 = tpu.vector_load %arg14[%parallel_loop3A_592, %parallel_loop3A_593, %parallel_loop3A_594, %parallel_loop3A_595] {strides = array<i32>} : memref<2x16x8x128xf32, #tpu.memory_space<vmem>>, vector<16xf32>,
          tpu.vector_store %arg14[%parallel_loop3A_592, %parallel_loop3A_593, %parallel_loop3A_594, %parallel_loop3A_595], %parallel_loop3A_587 {strides = array<i32>} : memref<2x16x8x128xf32, #tpu.memory_space<vmem>>, vector<16xf32>,
          %parallel_loop3A_597 = tpu.vector_load_idx %arg12[%parallel_loop3A_526] : memref<5000xf32, #tpu.memory_space<vmem>>[vector<16xi32>], vector<16xf32>,
          %parallel_loop3A_598 = arith.constant 16 : i32
          %parallel_loop3A_599 = arith.muli %parallel_loop3A_518, %parallel_loop3A_598 : i32
          %parallel_loop3A_600 = arith.constant 1 : i32
          %parallel_loop3A_601 = arith.constant 7 : i32
          %parallel_loop3A_602 = arith.index_cast %parallel_loop3A_600 : i32 to index
          %parallel_loop3A_603 = arith.index_cast %parallel_loop3A_502 : i32 to index
          %parallel_loop3A_604 = arith.index_cast %parallel_loop3A_601 : i32 to index
          %parallel_loop3A_605 = arith.index_cast %parallel_loop3A_599 : i32 to index
          %parallel_loop3A_606 = tpu.vector_load %arg14[%parallel_loop3A_602, %parallel_loop3A_603, %parallel_loop3A_604, %parallel_loop3A_605] {strides = array<i32>} : memref<2x16x8x128xf32, #tpu.memory_space<vmem>>, vector<16xf32>,
          tpu.vector_store %arg14[%parallel_loop3A_602, %parallel_loop3A_603, %parallel_loop3A_604, %parallel_loop3A_605], %parallel_loop3A_597 {strides = array<i32>} : memref<2x16x8x128xf32, #tpu.memory_space<vmem>>, vector<16xf32>,
        } {sc.loop_unroll_factor = 16 : i64, sc.parallel_access}
        %dma_start3A_459 = arith.constant 1 : i32
        %dma_start3A_460 = arith.constant 0 : i32
        %dma_start3A_461 = arith.constant 0 : i32
        %dma_start3A_462 = arith.constant 0 : i32
        %dma_start3A_463 = tpu.memref_slice %arg14[%dma_start3A_459, %dma_start3A_460, %dma_start3A_461, %dma_start3A_462] : memref<2x16x8x128xf32, #tpu.memory_space<vmem>> -> memref<1x16x8x128xf32, #tpu.memory_space<vmem>>
        %dma_start3A_464 = tpu.memref_squeeze %dma_start3A_463 : memref<1x16x8x128xf32, #tpu.memory_space<vmem>> -> memref<16x8x128xf32, #tpu.memory_space<vmem>>
        %dma_start3A_465 = arith.constant 0 : i32
        %dma_start3A_466 = arith.constant 0 : i32
        %dma_start3A_467 = tpu.memref_slice %arg4[%add3A_342, %select_n3A_9, %mul3A_447, %dma_start3A_465, %dma_start3A_466] : memref<200x8x128x8x128xf32, #tpu.memory_space<hbm>> -> memref<1x1x16x8x128xf32, #tpu.memory_space<hbm>>
        %dma_start3A_468 = tpu.memref_squeeze %dma_start3A_467 : memref<1x1x16x8x128xf32, #tpu.memory_space<hbm>> -> memref<16x8x128xf32, #tpu.memory_space<hbm>>
        %dma_start3A_469 = arith.constant 0 : i32
        %dma_start3A_470 = arith.constant 0 : i32
        %dma_start3A_471 = tpu.memref_slice %arg4[%add3A_342, %select_n3A_9, %mul3A_447, %dma_start3A_469, %dma_start3A_470] : memref<200x8x128x8x128xf32, #tpu.memory_space<hbm>> -> memref<1x1x16x8x128xf32, #tpu.memory_space<hbm>>
        %dma_start3A_472 = tpu.memref_squeeze %dma_start3A_471 : memref<1x1x16x8x128xf32, #tpu.memory_space<hbm>> -> memref<16x8x128xf32, #tpu.memory_space<hbm>>
        %dma_start3A_473 = arith.constant 0 : i32
        %dma_start3A_474 = arith.constant 0 : i32
        %dma_start3A_475 = arith.constant 0 : i32
        %dma_start3A_476 = tpu.memref_slice %arg14[%dma_start3A_459, %dma_start3A_473, %dma_start3A_474, %dma_start3A_475] : memref<2x16x8x128xf32, #tpu.memory_space<vmem>> -> memref<1x16x8x128xf32, #tpu.memory_space<vmem>>
        %dma_start3A_477 = tpu.memref_squeeze %dma_start3A_476 : memref<1x16x8x128xf32, #tpu.memory_space<vmem>> -> memref<16x8x128xf32, #tpu.memory_space<vmem>>
        tpu.enqueue_dma source(%dma_start3A_477 : memref<16x8x128xf32, #tpu.memory_space<vmem>>) target(%dma_start3A_472 : memref<16x8x128xf32, #tpu.memory_space<hbm>>) target_semaphore(%arg19 : memref<!tpu.dma_semaphore, #tpu.memory_space<semaphore_mem>>)
      }
      %scan3A_366 = arith.constant 4 : i32
      %add3A_367 = arith.constant 2 : i32
      %add3A_368 = arith.addi %add3A_342, %add3A_367 : i32
      %add3A_369 = arith.constant 50 : i32
      %add3A_370 = arith.addi %mul3A_32, %add3A_369 : i32
      %lt3A_371 = arith.cmpi slt, %add3A_368, %add3A_370 : i32
      %convert_element_type3A = arith.extui %lt3A_371 : i1 to i32
      %cond3A = arith.constant 0 : i32
      %cond3A_372 = arith.cmpi ne, %convert_element_type3A, %cond3A : i32
      scf.if %cond3A_372 {
        %add3A_408 = arith.constant 2 : i32
        %add3A_409 = arith.addi %add3A_342, %add3A_408 : i32
        %jit3A_410 = arith.constant 8 : i32
        %div3A_411 = arith.divsi %add3A_409, %jit3A_410 : i32
        %sign3A_412 = arith.constant 0 : i32
        %sign3A_413 = arith.cmpi sgt, %add3A_409, %sign3A_412 : i32
        %sign3A_414 = arith.extui %sign3A_413 : i1 to i32
        %sign3A_415 = arith.constant 0 : i32
        %sign3A_416 = arith.cmpi slt, %add3A_409, %sign3A_415 : i32
        %sign3A_417 = arith.extui %sign3A_416 : i1 to i32
        %sign3A_418 = arith.subi %sign3A_414, %sign3A_417 : i32
        %sign3A_419 = arith.constant 0 : i32
        %sign3A_420 = arith.cmpi sgt, %jit3A_410, %sign3A_419 : i32
        %sign3A_421 = arith.extui %sign3A_420 : i1 to i32
        %sign3A_422 = arith.constant 0 : i32
        %sign3A_423 = arith.cmpi slt, %jit3A_410, %sign3A_422 : i32
        %sign3A_424 = arith.extui %sign3A_423 : i1 to i32
        %sign3A_425 = arith.subi %sign3A_421, %sign3A_424 : i32
        %ne3A_426 = arith.cmpi ne, %sign3A_418, %sign3A_425 : i32
        %rem3A_427 = arith.remsi %add3A_409, %jit3A_410 : i32
        %ne3A_428 = arith.constant 0 : i32
        %ne3A_429 = arith.cmpi ne, %rem3A_427, %ne3A_428 : i32
        %and3A_430 = arith.andi %ne3A_426, %ne3A_429 : i1
        %sub3A_431 = arith.constant 1 : i32
        %sub3A_432 = arith.subi %div3A_411, %sub3A_431 : i32
        %select_n3A_433 = arith.select %and3A_430, %sub3A_432, %div3A_411 : i32
        %jit3A_434 = arith.constant 8 : i32
        %eq3A_435 = arith.constant 0 : i32
        %eq3A_436 = arith.cmpi eq, %jit3A_434, %eq3A_435 : i32
        %jit3A_437 = arith.constant 1 : i32
        %select_n3A_438 = arith.select %eq3A_436, %jit3A_437, %jit3A_434 : i32
        %rem3A_439 = arith.remsi %add3A_409, %select_n3A_438 : i32
        %ne3A_440 = arith.constant 0 : i32
        %ne3A_441 = arith.cmpi ne, %rem3A_439, %ne3A_440 : i32
        %lt3A_442 = arith.constant 0 : i32
        %lt3A_443 = arith.cmpi slt, %rem3A_439, %lt3A_442 : i32
        %lt3A_444 = arith.constant 0 : i32
        %lt3A_445 = arith.cmpi slt, %select_n3A_438, %lt3A_444 : i32
        %ne3A_446 = arith.xori %lt3A_443, %lt3A_445 : i1
        %and3A_447 = arith.andi %ne3A_446, %ne3A_441 : i1
        %add3A_448 = arith.addi %rem3A_439, %select_n3A_438 : i32
        %select_n3A_449 = arith.select %and3A_447, %add3A_448, %rem3A_439 : i32
        %dma_start3A_450 = arith.constant 0 : i32
        %dma_start3A_451 = arith.constant 0 : i32
        %dma_start3A_452 = arith.constant 0 : i32
        %dma_start3A_453 = tpu.memref_slice %arg13[%dma_start3A_450, %dma_start3A_451, %dma_start3A_452] : memref<2x128x128xi32, #tpu.memory_space<vmem>> -> memref<1x128x128xi32, #tpu.memory_space<vmem>>
        %dma_start3A_454 = tpu.memref_squeeze %dma_start3A_453 : memref<1x128x128xi32, #tpu.memory_space<vmem>> -> memref<128x128xi32, #tpu.memory_space<vmem>>
        %dma_start3A_455 = arith.constant 0 : i32
        %dma_start3A_456 = arith.constant 0 : i32
        %dma_start3A_457 = tpu.memref_slice %arg2[%select_n3A_433, %dma_start3A_455, %select_n3A_449, %dma_start3A_456] : memref<25x128x8x128xi32, #tpu.memory_space<hbm>> -> memref<1x128x1x128xi32, #tpu.memory_space<hbm>>
        %dma_start3A_458 = tpu.memref_squeeze %dma_start3A_457 : memref<1x128x1x128xi32, #tpu.memory_space<hbm>> -> memref<128x128xi32, #tpu.memory_space<hbm>>
        %dma_start3A_459 = arith.constant 0 : i32
        %dma_start3A_460 = arith.constant 0 : i32
        %dma_start3A_461 = tpu.memref_slice %arg13[%dma_start3A_450, %dma_start3A_459, %dma_start3A_460] : memref<2x128x128xi32, #tpu.memory_space<vmem>> -> memref<1x128x128xi32, #tpu.memory_space<vmem>>
        %dma_start3A_462 = tpu.memref_squeeze %dma_start3A_461 : memref<1x128x128xi32, #tpu.memory_space<vmem>> -> memref<128x128xi32, #tpu.memory_space<vmem>>
        %dma_start3A_463 = arith.constant 0 : i32
        %dma_start3A_464 = arith.constant 0 : i32
        %dma_start3A_465 = tpu.memref_slice %arg2[%select_n3A_433, %dma_start3A_463, %select_n3A_449, %dma_start3A_464] : memref<25x128x8x128xi32, #tpu.memory_space<hbm>> -> memref<1x128x1x128xi32, #tpu.memory_space<hbm>>
        %dma_start3A_466 = tpu.memref_squeeze %dma_start3A_465 : memref<1x128x1x128xi32, #tpu.memory_space<hbm>> -> memref<128x128xi32, #tpu.memory_space<hbm>>
        tpu.enqueue_dma source(%dma_start3A_466 : memref<128x128xi32, #tpu.memory_space<hbm>>) target(%dma_start3A_462 : memref<128x128xi32, #tpu.memory_space<vmem>>) target_semaphore(%arg16 : memref<!tpu.dma_semaphore, #tpu.memory_space<semaphore_mem>>)
      } else {
      }
      %add3A_373 = arith.addi %mul3A_32, %add3A_339 : i32
      %add3A_374 = arith.constant 1 : i32
      %add3A_375 = arith.addi %add3A_373, %add3A_374 : i32
      %dma_wait3A_376 = arith.constant 0 : i32
      %dma_wait3A_377 = arith.constant 0 : i32
      %dma_wait3A_378 = arith.constant 1 : i32
      %dma_wait3A_379 = arith.constant 0 : i32
      %dma_wait3A_380 = arith.constant 0 : i32
      %dma_wait3A_381 = tpu.memref_slice %arg13[%dma_wait3A_378, %dma_wait3A_379, %dma_wait3A_380] : memref<2x128x128xi32, #tpu.memory_space<vmem>> -> memref<1x128x128xi32, #tpu.memory_space<vmem>>
      %dma_wait3A_382 = tpu.memref_squeeze %dma_wait3A_381 : memref<1x128x128xi32, #tpu.memory_space<vmem>> -> memref<128x128xi32, #tpu.memory_space<vmem>>
      %dma_wait3A_383 = arith.constant 0 : i32
      %dma_wait3A_384 = arith.constant 0 : i32
      %dma_wait3A_385 = tpu.memref_slice %arg2[%dma_wait3A_376, %dma_wait3A_383, %dma_wait3A_377, %dma_wait3A_384] : memref<25x128x8x128xi32, #tpu.memory_space<hbm>> -> memref<1x128x1x128xi32, #tpu.memory_space<hbm>>
      %dma_wait3A_386 = tpu.memref_squeeze %dma_wait3A_385 : memref<1x128x1x128xi32, #tpu.memory_space<hbm>> -> memref<128x128xi32, #tpu.memory_space<hbm>>
      %dma_wait3A_387 = arith.constant 0 : i32
      %dma_wait3A_388 = arith.constant 0 : i32
      %dma_wait3A_389 = tpu.memref_slice %arg13[%dma_wait3A_378, %dma_wait3A_387, %dma_wait3A_388] : memref<2x128x128xi32, #tpu.memory_space<vmem>> -> memref<1x128x128xi32, #tpu.memory_space<vmem>>
      %dma_wait3A_390 = tpu.memref_squeeze %dma_wait3A_389 : memref<1x128x128xi32, #tpu.memory_space<vmem>> -> memref<128x128xi32, #tpu.memory_space<vmem>>
      %dma_wait3A_391 = arith.constant 0 : i32
      %dma_wait3A_392 = arith.constant 0 : i32
      %dma_wait3A_393 = tpu.memref_slice %arg2[%dma_wait3A_376, %dma_wait3A_391, %dma_wait3A_377, %dma_wait3A_392] : memref<25x128x8x128xi32, #tpu.memory_space<hbm>> -> memref<1x128x1x128xi32, #tpu.memory_space<hbm>>
      %dma_wait3A_394 = tpu.memref_squeeze %dma_wait3A_393 : memref<1x128x1x128xi32, #tpu.memory_space<hbm>> -> memref<128x128xi32, #tpu.memory_space<hbm>>
      tpu.wait_dma2 semaphore(%arg17 : memref<!tpu.dma_semaphore, #tpu.memory_space<semaphore_mem>>) src(%dma_wait3A_394 : memref<128x128xi32, #tpu.memory_space<hbm>>) dst(%dma_wait3A_390 : memref<128x128xi32, #tpu.memory_space<vmem>>)
      %scan3A_395 = arith.constant 0 : i32
      %scan3A_396 = arith.constant 4 : i32
      %scan3A_397 = arith.addi %scan3A_395, %scan3A_396 : i32
      %scan3A_398 = arith.constant 1 : i32
      scf.for %scan3A_408 = %scan3A_395 to %scan3A_397 step %scan3A_398  : i32 {
        %mul3A_409 = arith.constant 2 : i32
        %mul3A_410 = arith.muli %scan3A_408, %mul3A_409 : i32
        %add3A_411 = arith.constant 0 : i32
        %add3A_412 = arith.addi %add3A_411, %mul3A_410 : i32
        %add3A_413 = arith.constant 0 : i32
        %add3A_414 = arith.addi %add3A_412, %add3A_413 : i32
        %mul3A_415 = arith.constant 16 : i32
        %mul3A_416 = arith.muli %add3A_414, %mul3A_415 : i32
        %dma_wait3A_417 = arith.constant 0 : i32
        %dma_wait3A_418 = arith.constant 0 : i32
        %dma_wait3A_419 = arith.constant 0 : i32
        %dma_wait3A_420 = arith.constant 0 : i32
        %dma_wait3A_421 = arith.constant 0 : i32
        %dma_wait3A_422 = arith.constant 0 : i32
        %dma_wait3A_423 = tpu.memref_slice %arg14[%dma_wait3A_417, %dma_wait3A_420, %dma_wait3A_421, %dma_wait3A_422] : memref<2x16x8x128xf32, #tpu.memory_space<vmem>> -> memref<1x16x8x128xf32, #tpu.memory_space<vmem>>
        %dma_wait3A_424 = tpu.memref_squeeze %dma_wait3A_423 : memref<1x16x8x128xf32, #tpu.memory_space<vmem>> -> memref<16x8x128xf32, #tpu.memory_space<vmem>>
        %dma_wait3A_425 = arith.constant 0 : i32
        %dma_wait3A_426 = arith.constant 0 : i32
        %dma_wait3A_427 = arith.constant 0 : i32
        %dma_wait3A_428 = tpu.memref_slice %arg4[%dma_wait3A_418, %dma_wait3A_419, %dma_wait3A_425, %dma_wait3A_426, %dma_wait3A_427] : memref<200x8x128x8x128xf32, #tpu.memory_space<hbm>> -> memref<1x1x16x8x128xf32, #tpu.memory_space<hbm>>
        %dma_wait3A_429 = tpu.memref_squeeze %dma_wait3A_428 : memref<1x1x16x8x128xf32, #tpu.memory_space<hbm>> -> memref<16x8x128xf32, #tpu.memory_space<hbm>>
        %dma_wait3A_430 = arith.constant 0 : i32
        %dma_wait3A_431 = arith.constant 0 : i32
        %dma_wait3A_432 = arith.constant 0 : i32
        %dma_wait3A_433 = tpu.memref_slice %arg4[%dma_wait3A_418, %dma_wait3A_419, %dma_wait3A_430, %dma_wait3A_431, %dma_wait3A_432] : memref<200x8x128x8x128xf32, #tpu.memory_space<hbm>> -> memref<1x1x16x8x128xf32, #tpu.memory_space<hbm>>
        %dma_wait3A_434 = tpu.memref_squeeze %dma_wait3A_433 : memref<1x1x16x8x128xf32, #tpu.memory_space<hbm>> -> memref<16x8x128xf32, #tpu.memory_space<hbm>>
        %dma_wait3A_435 = arith.constant 0 : i32
        %dma_wait3A_436 = arith.constant 0 : i32
        %dma_wait3A_437 = arith.constant 0 : i32
        %dma_wait3A_438 = tpu.memref_slice %arg14[%dma_wait3A_417, %dma_wait3A_435, %dma_wait3A_436, %dma_wait3A_437] : memref<2x16x8x128xf32, #tpu.memory_space<vmem>> -> memref<1x16x8x128xf32, #tpu.memory_space<vmem>>
        %dma_wait3A_439 = tpu.memref_squeeze %dma_wait3A_438 : memref<1x16x8x128xf32, #tpu.memory_space<vmem>> -> memref<16x8x128xf32, #tpu.memory_space<vmem>>
        tpu.wait_dma2 semaphore(%arg18 : memref<!tpu.dma_semaphore, #tpu.memory_space<semaphore_mem>>) src(%dma_wait3A_439 : memref<16x8x128xf32, #tpu.memory_space<vmem>>) dst(%dma_wait3A_434 : memref<16x8x128xf32, #tpu.memory_space<hbm>>)
        %parallel_loop3A = arith.constant 0 : i32
        %parallel_loop3A_440 = arith.constant 128 : i32
        %parallel_loop3A_441 = arith.constant 1 : i32
        scf.for %parallel_loop3A_510 = %parallel_loop3A to %parallel_loop3A_440 step %parallel_loop3A_441  : i32 {
          %parallel_loop3A_511 = arith.constant 8 : i32
          %parallel_loop3A_512 = arith.divsi %parallel_loop3A_510, %parallel_loop3A_511 : i32
          %parallel_loop3A_513 = arith.constant 0 : i32
          %parallel_loop3A_514 = arith.cmpi sgt, %parallel_loop3A_510, %parallel_loop3A_513 : i32
          %parallel_loop3A_515 = arith.extui %parallel_loop3A_514 : i1 to i32
          %parallel_loop3A_516 = arith.constant 0 : i32
          %parallel_loop3A_517 = arith.cmpi slt, %parallel_loop3A_510, %parallel_loop3A_516 : i32
          %parallel_loop3A_518 = arith.extui %parallel_loop3A_517 : i1 to i32
          %parallel_loop3A_519 = arith.subi %parallel_loop3A_515, %parallel_loop3A_518 : i32
          %parallel_loop3A_520 = arith.constant 0 : i32
          %parallel_loop3A_521 = arith.cmpi sgt, %parallel_loop3A_511, %parallel_loop3A_520 : i32
          %parallel_loop3A_522 = arith.extui %parallel_loop3A_521 : i1 to i32
          %parallel_loop3A_523 = arith.constant 0 : i32
          %parallel_loop3A_524 = arith.cmpi slt, %parallel_loop3A_511, %parallel_loop3A_523 : i32
          %parallel_loop3A_525 = arith.extui %parallel_loop3A_524 : i1 to i32
          %parallel_loop3A_526 = arith.subi %parallel_loop3A_522, %parallel_loop3A_525 : i32
          %parallel_loop3A_527 = arith.cmpi ne, %parallel_loop3A_519, %parallel_loop3A_526 : i32
          %parallel_loop3A_528 = arith.remsi %parallel_loop3A_510, %parallel_loop3A_511 : i32
          %parallel_loop3A_529 = arith.constant 0 : i32
          %parallel_loop3A_530 = arith.cmpi ne, %parallel_loop3A_528, %parallel_loop3A_529 : i32
          %parallel_loop3A_531 = arith.andi %parallel_loop3A_527, %parallel_loop3A_530 : i1
          %parallel_loop3A_532 = arith.constant 1 : i32
          %parallel_loop3A_533 = arith.subi %parallel_loop3A_512, %parallel_loop3A_532 : i32
          %parallel_loop3A_534 = arith.select %parallel_loop3A_531, %parallel_loop3A_533, %parallel_loop3A_512 : i32
          %parallel_loop3A_535 = arith.constant 8 : i32
          %parallel_loop3A_536 = arith.constant 0 : i32
          %parallel_loop3A_537 = arith.cmpi eq, %parallel_loop3A_535, %parallel_loop3A_536 : i32
          %parallel_loop3A_538 = arith.constant 1 : i32
          %parallel_loop3A_539 = arith.select %parallel_loop3A_537, %parallel_loop3A_538, %parallel_loop3A_535 : i32
          %parallel_loop3A_540 = arith.remsi %parallel_loop3A_510, %parallel_loop3A_539 : i32
          %parallel_loop3A_541 = arith.constant 0 : i32
          %parallel_loop3A_542 = arith.cmpi ne, %parallel_loop3A_540, %parallel_loop3A_541 : i32
          %parallel_loop3A_543 = arith.constant 0 : i32
          %parallel_loop3A_544 = arith.cmpi slt, %parallel_loop3A_540, %parallel_loop3A_543 : i32
          %parallel_loop3A_545 = arith.constant 0 : i32
          %parallel_loop3A_546 = arith.cmpi slt, %parallel_loop3A_539, %parallel_loop3A_545 : i32
          %parallel_loop3A_547 = arith.xori %parallel_loop3A_544, %parallel_loop3A_546 : i1
          %parallel_loop3A_548 = arith.andi %parallel_loop3A_547, %parallel_loop3A_542 : i1
          %parallel_loop3A_549 = arith.addi %parallel_loop3A_540, %parallel_loop3A_539 : i32
          %parallel_loop3A_550 = arith.select %parallel_loop3A_548, %parallel_loop3A_549, %parallel_loop3A_540 : i32
          %parallel_loop3A_551 = arith.addi %mul3A_416, %parallel_loop3A_534 : i32
          %parallel_loop3A_552 = arith.constant 16 : i32
          %parallel_loop3A_553 = arith.muli %parallel_loop3A_550, %parallel_loop3A_552 : i32
          %parallel_loop3A_554 = arith.constant 1 : i32
          %parallel_loop3A_555 = arith.index_cast %parallel_loop3A_554 : i32 to index
          %parallel_loop3A_556 = arith.index_cast %parallel_loop3A_551 : i32 to index
          %parallel_loop3A_557 = arith.index_cast %parallel_loop3A_553 : i32 to index
          %parallel_loop3A_558 = tpu.vector_load %arg13[%parallel_loop3A_555, %parallel_loop3A_556, %parallel_loop3A_557] {strides = array<i32>} : memref<2x128x128xi32, #tpu.memory_space<vmem>>, vector<16xi32>,
          %parallel_loop3A_559 = tpu.vector_load_idx %arg5[%parallel_loop3A_558] : memref<5000xf32, #tpu.memory_space<vmem>>[vector<16xi32>], vector<16xf32>,
          %parallel_loop3A_560 = arith.constant 16 : i32
          %parallel_loop3A_561 = arith.muli %parallel_loop3A_550, %parallel_loop3A_560 : i32
          %parallel_loop3A_562 = arith.constant 0 : i32
          %parallel_loop3A_563 = arith.constant 0 : i32
          %parallel_loop3A_564 = arith.index_cast %parallel_loop3A_562 : i32 to index
          %parallel_loop3A_565 = arith.index_cast %parallel_loop3A_534 : i32 to index
          %parallel_loop3A_566 = arith.index_cast %parallel_loop3A_563 : i32 to index
          %parallel_loop3A_567 = arith.index_cast %parallel_loop3A_561 : i32 to index
          %parallel_loop3A_568 = tpu.vector_load %arg14[%parallel_loop3A_564, %parallel_loop3A_565, %parallel_loop3A_566, %parallel_loop3A_567] {strides = array<i32>} : memref<2x16x8x128xf32, #tpu.memory_space<vmem>>, vector<16xf32>,
          tpu.vector_store %arg14[%parallel_loop3A_564, %parallel_loop3A_565, %parallel_loop3A_566, %parallel_loop3A_567], %parallel_loop3A_559 {strides = array<i32>} : memref<2x16x8x128xf32, #tpu.memory_space<vmem>>, vector<16xf32>,
          %parallel_loop3A_569 = tpu.vector_load_idx %arg6[%parallel_loop3A_558] : memref<5000xf32, #tpu.memory_space<vmem>>[vector<16xi32>], vector<16xf32>,
          %parallel_loop3A_570 = arith.constant 16 : i32
          %parallel_loop3A_571 = arith.muli %parallel_loop3A_550, %parallel_loop3A_570 : i32
          %parallel_loop3A_572 = arith.constant 0 : i32
          %parallel_loop3A_573 = arith.constant 1 : i32
          %parallel_loop3A_574 = arith.index_cast %parallel_loop3A_572 : i32 to index
          %parallel_loop3A_575 = arith.index_cast %parallel_loop3A_534 : i32 to index
          %parallel_loop3A_576 = arith.index_cast %parallel_loop3A_573 : i32 to index
          %parallel_loop3A_577 = arith.index_cast %parallel_loop3A_571 : i32 to index
          %parallel_loop3A_578 = tpu.vector_load %arg14[%parallel_loop3A_574, %parallel_loop3A_575, %parallel_loop3A_576, %parallel_loop3A_577] {strides = array<i32>} : memref<2x16x8x128xf32, #tpu.memory_space<vmem>>, vector<16xf32>,
          tpu.vector_store %arg14[%parallel_loop3A_574, %parallel_loop3A_575, %parallel_loop3A_576, %parallel_loop3A_577], %parallel_loop3A_569 {strides = array<i32>} : memref<2x16x8x128xf32, #tpu.memory_space<vmem>>, vector<16xf32>,
          %parallel_loop3A_579 = tpu.vector_load_idx %arg7[%parallel_loop3A_558] : memref<5000xf32, #tpu.memory_space<vmem>>[vector<16xi32>], vector<16xf32>,
          %parallel_loop3A_580 = arith.constant 16 : i32
          %parallel_loop3A_581 = arith.muli %parallel_loop3A_550, %parallel_loop3A_580 : i32
          %parallel_loop3A_582 = arith.constant 0 : i32
          %parallel_loop3A_583 = arith.constant 2 : i32
          %parallel_loop3A_584 = arith.index_cast %parallel_loop3A_582 : i32 to index
          %parallel_loop3A_585 = arith.index_cast %parallel_loop3A_534 : i32 to index
          %parallel_loop3A_586 = arith.index_cast %parallel_loop3A_583 : i32 to index
          %parallel_loop3A_587 = arith.index_cast %parallel_loop3A_581 : i32 to index
          %parallel_loop3A_588 = tpu.vector_load %arg14[%parallel_loop3A_584, %parallel_loop3A_585, %parallel_loop3A_586, %parallel_loop3A_587] {strides = array<i32>} : memref<2x16x8x128xf32, #tpu.memory_space<vmem>>, vector<16xf32>,
          tpu.vector_store %arg14[%parallel_loop3A_584, %parallel_loop3A_585, %parallel_loop3A_586, %parallel_loop3A_587], %parallel_loop3A_579 {strides = array<i32>} : memref<2x16x8x128xf32, #tpu.memory_space<vmem>>, vector<16xf32>,
          %parallel_loop3A_589 = tpu.vector_load_idx %arg8[%parallel_loop3A_558] : memref<5000xf32, #tpu.memory_space<vmem>>[vector<16xi32>], vector<16xf32>,
          %parallel_loop3A_590 = arith.constant 16 : i32
          %parallel_loop3A_591 = arith.muli %parallel_loop3A_550, %parallel_loop3A_590 : i32
          %parallel_loop3A_592 = arith.constant 0 : i32
          %parallel_loop3A_593 = arith.constant 3 : i32
          %parallel_loop3A_594 = arith.index_cast %parallel_loop3A_592 : i32 to index
          %parallel_loop3A_595 = arith.index_cast %parallel_loop3A_534 : i32 to index
          %parallel_loop3A_596 = arith.index_cast %parallel_loop3A_593 : i32 to index
          %parallel_loop3A_597 = arith.index_cast %parallel_loop3A_591 : i32 to index
          %parallel_loop3A_598 = tpu.vector_load %arg14[%parallel_loop3A_594, %parallel_loop3A_595, %parallel_loop3A_596, %parallel_loop3A_597] {strides = array<i32>} : memref<2x16x8x128xf32, #tpu.memory_space<vmem>>, vector<16xf32>,
          tpu.vector_store %arg14[%parallel_loop3A_594, %parallel_loop3A_595, %parallel_loop3A_596, %parallel_loop3A_597], %parallel_loop3A_589 {strides = array<i32>} : memref<2x16x8x128xf32, #tpu.memory_space<vmem>>, vector<16xf32>,
          %parallel_loop3A_599 = tpu.vector_load_idx %arg9[%parallel_loop3A_558] : memref<5000xf32, #tpu.memory_space<vmem>>[vector<16xi32>], vector<16xf32>,
          %parallel_loop3A_600 = arith.constant 16 : i32
          %parallel_loop3A_601 = arith.muli %parallel_loop3A_550, %parallel_loop3A_600 : i32
          %parallel_loop3A_602 = arith.constant 0 : i32
          %parallel_loop3A_603 = arith.constant 4 : i32
          %parallel_loop3A_604 = arith.index_cast %parallel_loop3A_602 : i32 to index
          %parallel_loop3A_605 = arith.index_cast %parallel_loop3A_534 : i32 to index
          %parallel_loop3A_606 = arith.index_cast %parallel_loop3A_603 : i32 to index
          %parallel_loop3A_607 = arith.index_cast %parallel_loop3A_601 : i32 to index
          %parallel_loop3A_608 = tpu.vector_load %arg14[%parallel_loop3A_604, %parallel_loop3A_605, %parallel_loop3A_606, %parallel_loop3A_607] {strides = array<i32>} : memref<2x16x8x128xf32, #tpu.memory_space<vmem>>, vector<16xf32>,
          tpu.vector_store %arg14[%parallel_loop3A_604, %parallel_loop3A_605, %parallel_loop3A_606, %parallel_loop3A_607], %parallel_loop3A_599 {strides = array<i32>} : memref<2x16x8x128xf32, #tpu.memory_space<vmem>>, vector<16xf32>,
          %parallel_loop3A_609 = tpu.vector_load_idx %arg10[%parallel_loop3A_558] : memref<5000xf32, #tpu.memory_space<vmem>>[vector<16xi32>], vector<16xf32>,
          %parallel_loop3A_610 = arith.constant 16 : i32
          %parallel_loop3A_611 = arith.muli %parallel_loop3A_550, %parallel_loop3A_610 : i32
          %parallel_loop3A_612 = arith.constant 0 : i32
          %parallel_loop3A_613 = arith.constant 5 : i32
          %parallel_loop3A_614 = arith.index_cast %parallel_loop3A_612 : i32 to index
          %parallel_loop3A_615 = arith.index_cast %parallel_loop3A_534 : i32 to index
          %parallel_loop3A_616 = arith.index_cast %parallel_loop3A_613 : i32 to index
          %parallel_loop3A_617 = arith.index_cast %parallel_loop3A_611 : i32 to index
          %parallel_loop3A_618 = tpu.vector_load %arg14[%parallel_loop3A_614, %parallel_loop3A_615, %parallel_loop3A_616, %parallel_loop3A_617] {strides = array<i32>} : memref<2x16x8x128xf32, #tpu.memory_space<vmem>>, vector<16xf32>,
          tpu.vector_store %arg14[%parallel_loop3A_614, %parallel_loop3A_615, %parallel_loop3A_616, %parallel_loop3A_617], %parallel_loop3A_609 {strides = array<i32>} : memref<2x16x8x128xf32, #tpu.memory_space<vmem>>, vector<16xf32>,
          %parallel_loop3A_619 = tpu.vector_load_idx %arg11[%parallel_loop3A_558] : memref<5000xf32, #tpu.memory_space<vmem>>[vector<16xi32>], vector<16xf32>,
          %parallel_loop3A_620 = arith.constant 16 : i32
          %parallel_loop3A_621 = arith.muli %parallel_loop3A_550, %parallel_loop3A_620 : i32
          %parallel_loop3A_622 = arith.constant 0 : i32
          %parallel_loop3A_623 = arith.constant 6 : i32
          %parallel_loop3A_624 = arith.index_cast %parallel_loop3A_622 : i32 to index
          %parallel_loop3A_625 = arith.index_cast %parallel_loop3A_534 : i32 to index
          %parallel_loop3A_626 = arith.index_cast %parallel_loop3A_623 : i32 to index
          %parallel_loop3A_627 = arith.index_cast %parallel_loop3A_621 : i32 to index
          %parallel_loop3A_628 = tpu.vector_load %arg14[%parallel_loop3A_624, %parallel_loop3A_625, %parallel_loop3A_626, %parallel_loop3A_627] {strides = array<i32>} : memref<2x16x8x128xf32, #tpu.memory_space<vmem>>, vector<16xf32>,
          tpu.vector_store %arg14[%parallel_loop3A_624, %parallel_loop3A_625, %parallel_loop3A_626, %parallel_loop3A_627], %parallel_loop3A_619 {strides = array<i32>} : memref<2x16x8x128xf32, #tpu.memory_space<vmem>>, vector<16xf32>,
          %parallel_loop3A_629 = tpu.vector_load_idx %arg12[%parallel_loop3A_558] : memref<5000xf32, #tpu.memory_space<vmem>>[vector<16xi32>], vector<16xf32>,
          %parallel_loop3A_630 = arith.constant 16 : i32
          %parallel_loop3A_631 = arith.muli %parallel_loop3A_550, %parallel_loop3A_630 : i32
          %parallel_loop3A_632 = arith.constant 0 : i32
          %parallel_loop3A_633 = arith.constant 7 : i32
          %parallel_loop3A_634 = arith.index_cast %parallel_loop3A_632 : i32 to index
          %parallel_loop3A_635 = arith.index_cast %parallel_loop3A_534 : i32 to index
          %parallel_loop3A_636 = arith.index_cast %parallel_loop3A_633 : i32 to index
          %parallel_loop3A_637 = arith.index_cast %parallel_loop3A_631 : i32 to index
          %parallel_loop3A_638 = tpu.vector_load %arg14[%parallel_loop3A_634, %parallel_loop3A_635, %parallel_loop3A_636, %parallel_loop3A_637] {strides = array<i32>} : memref<2x16x8x128xf32, #tpu.memory_space<vmem>>, vector<16xf32>,
          tpu.vector_store %arg14[%parallel_loop3A_634, %parallel_loop3A_635, %parallel_loop3A_636, %parallel_loop3A_637], %parallel_loop3A_629 {strides = array<i32>} : memref<2x16x8x128xf32, #tpu.memory_space<vmem>>, vector<16xf32>,
        } {sc.loop_unroll_factor = 16 : i64, sc.parallel_access}
        %dma_start3A_442 = arith.constant 0 : i32
        %dma_start3A_443 = arith.constant 0 : i32
        %dma_start3A_444 = arith.constant 0 : i32
        %dma_start3A_445 = arith.constant 0 : i32
        %dma_start3A_446 = tpu.memref_slice %arg14[%dma_start3A_442, %dma_start3A_443, %dma_start3A_444, %dma_start3A_445] : memref<2x16x8x128xf32, #tpu.memory_space<vmem>> -> memref<1x16x8x128xf32, #tpu.memory_space<vmem>>
        %dma_start3A_447 = tpu.memref_squeeze %dma_start3A_446 : memref<1x16x8x128xf32, #tpu.memory_space<vmem>> -> memref<16x8x128xf32, #tpu.memory_space<vmem>>
        %dma_start3A_448 = arith.constant 0 : i32
        %dma_start3A_449 = arith.constant 0 : i32
        %dma_start3A_450 = tpu.memref_slice %arg4[%add3A_375, %select_n3A_9, %mul3A_416, %dma_start3A_448, %dma_start3A_449] : memref<200x8x128x8x128xf32, #tpu.memory_space<hbm>> -> memref<1x1x16x8x128xf32, #tpu.memory_space<hbm>>
        %dma_start3A_451 = tpu.memref_squeeze %dma_start3A_450 : memref<1x1x16x8x128xf32, #tpu.memory_space<hbm>> -> memref<16x8x128xf32, #tpu.memory_space<hbm>>
        %dma_start3A_452 = arith.constant 0 : i32
        %dma_start3A_453 = arith.constant 0 : i32
        %dma_start3A_454 = tpu.memref_slice %arg4[%add3A_375, %select_n3A_9, %mul3A_416, %dma_start3A_452, %dma_start3A_453] : memref<200x8x128x8x128xf32, #tpu.memory_space<hbm>> -> memref<1x1x16x8x128xf32, #tpu.memory_space<hbm>>
        %dma_start3A_455 = tpu.memref_squeeze %dma_start3A_454 : memref<1x1x16x8x128xf32, #tpu.memory_space<hbm>> -> memref<16x8x128xf32, #tpu.memory_space<hbm>>
        %dma_start3A_456 = arith.constant 0 : i32
        %dma_start3A_457 = arith.constant 0 : i32
        %dma_start3A_458 = arith.constant 0 : i32
        %dma_start3A_459 = tpu.memref_slice %arg14[%dma_start3A_442, %dma_start3A_456, %dma_start3A_457, %dma_start3A_458] : memref<2x16x8x128xf32, #tpu.memory_space<vmem>> -> memref<1x16x8x128xf32, #tpu.memory_space<vmem>>
        %dma_start3A_460 = tpu.memref_squeeze %dma_start3A_459 : memref<1x16x8x128xf32, #tpu.memory_space<vmem>> -> memref<16x8x128xf32, #tpu.memory_space<vmem>>
        tpu.enqueue_dma source(%dma_start3A_460 : memref<16x8x128xf32, #tpu.memory_space<vmem>>) target(%dma_start3A_455 : memref<16x8x128xf32, #tpu.memory_space<hbm>>) target_semaphore(%arg18 : memref<!tpu.dma_semaphore, #tpu.memory_space<semaphore_mem>>)
        %add3A_461 = arith.constant 1 : i32
        %add3A_462 = arith.addi %add3A_412, %add3A_461 : i32
        %mul3A_463 = arith.constant 16 : i32
        %mul3A_464 = arith.muli %add3A_462, %mul3A_463 : i32
        %dma_wait3A_465 = arith.constant 1 : i32
        %dma_wait3A_466 = arith.constant 0 : i32
        %dma_wait3A_467 = arith.constant 0 : i32
        %dma_wait3A_468 = arith.constant 0 : i32
        %dma_wait3A_469 = arith.constant 0 : i32
        %dma_wait3A_470 = arith.constant 0 : i32
        %dma_wait3A_471 = tpu.memref_slice %arg14[%dma_wait3A_465, %dma_wait3A_468, %dma_wait3A_469, %dma_wait3A_470] : memref<2x16x8x128xf32, #tpu.memory_space<vmem>> -> memref<1x16x8x128xf32, #tpu.memory_space<vmem>>
        %dma_wait3A_472 = tpu.memref_squeeze %dma_wait3A_471 : memref<1x16x8x128xf32, #tpu.memory_space<vmem>> -> memref<16x8x128xf32, #tpu.memory_space<vmem>>
        %dma_wait3A_473 = arith.constant 0 : i32
        %dma_wait3A_474 = arith.constant 0 : i32
        %dma_wait3A_475 = arith.constant 0 : i32
        %dma_wait3A_476 = tpu.memref_slice %arg4[%dma_wait3A_466, %dma_wait3A_467, %dma_wait3A_473, %dma_wait3A_474, %dma_wait3A_475] : memref<200x8x128x8x128xf32, #tpu.memory_space<hbm>> -> memref<1x1x16x8x128xf32, #tpu.memory_space<hbm>>
        %dma_wait3A_477 = tpu.memref_squeeze %dma_wait3A_476 : memref<1x1x16x8x128xf32, #tpu.memory_space<hbm>> -> memref<16x8x128xf32, #tpu.memory_space<hbm>>
        %dma_wait3A_478 = arith.constant 0 : i32
        %dma_wait3A_479 = arith.constant 0 : i32
        %dma_wait3A_480 = arith.constant 0 : i32
        %dma_wait3A_481 = tpu.memref_slice %arg4[%dma_wait3A_466, %dma_wait3A_467, %dma_wait3A_478, %dma_wait3A_479, %dma_wait3A_480] : memref<200x8x128x8x128xf32, #tpu.memory_space<hbm>> -> memref<1x1x16x8x128xf32, #tpu.memory_space<hbm>>
        %dma_wait3A_482 = tpu.memref_squeeze %dma_wait3A_481 : memref<1x1x16x8x128xf32, #tpu.memory_space<hbm>> -> memref<16x8x128xf32, #tpu.memory_space<hbm>>
        %dma_wait3A_483 = arith.constant 0 : i32
        %dma_wait3A_484 = arith.constant 0 : i32
        %dma_wait3A_485 = arith.constant 0 : i32
        %dma_wait3A_486 = tpu.memref_slice %arg14[%dma_wait3A_465, %dma_wait3A_483, %dma_wait3A_484, %dma_wait3A_485] : memref<2x16x8x128xf32, #tpu.memory_space<vmem>> -> memref<1x16x8x128xf32, #tpu.memory_space<vmem>>
        %dma_wait3A_487 = tpu.memref_squeeze %dma_wait3A_486 : memref<1x16x8x128xf32, #tpu.memory_space<vmem>> -> memref<16x8x128xf32, #tpu.memory_space<vmem>>
        tpu.wait_dma2 semaphore(%arg19 : memref<!tpu.dma_semaphore, #tpu.memory_space<semaphore_mem>>) src(%dma_wait3A_487 : memref<16x8x128xf32, #tpu.memory_space<vmem>>) dst(%dma_wait3A_482 : memref<16x8x128xf32, #tpu.memory_space<hbm>>)
        %parallel_loop3A_488 = arith.constant 0 : i32
        %parallel_loop3A_489 = arith.constant 128 : i32
        %parallel_loop3A_490 = arith.constant 1 : i32
        scf.for %parallel_loop3A_510 = %parallel_loop3A_488 to %parallel_loop3A_489 step %parallel_loop3A_490  : i32 {
          %parallel_loop3A_511 = arith.constant 8 : i32
          %parallel_loop3A_512 = arith.divsi %parallel_loop3A_510, %parallel_loop3A_511 : i32
          %parallel_loop3A_513 = arith.constant 0 : i32
          %parallel_loop3A_514 = arith.cmpi sgt, %parallel_loop3A_510, %parallel_loop3A_513 : i32
          %parallel_loop3A_515 = arith.extui %parallel_loop3A_514 : i1 to i32
          %parallel_loop3A_516 = arith.constant 0 : i32
          %parallel_loop3A_517 = arith.cmpi slt, %parallel_loop3A_510, %parallel_loop3A_516 : i32
          %parallel_loop3A_518 = arith.extui %parallel_loop3A_517 : i1 to i32
          %parallel_loop3A_519 = arith.subi %parallel_loop3A_515, %parallel_loop3A_518 : i32
          %parallel_loop3A_520 = arith.constant 0 : i32
          %parallel_loop3A_521 = arith.cmpi sgt, %parallel_loop3A_511, %parallel_loop3A_520 : i32
          %parallel_loop3A_522 = arith.extui %parallel_loop3A_521 : i1 to i32
          %parallel_loop3A_523 = arith.constant 0 : i32
          %parallel_loop3A_524 = arith.cmpi slt, %parallel_loop3A_511, %parallel_loop3A_523 : i32
          %parallel_loop3A_525 = arith.extui %parallel_loop3A_524 : i1 to i32
          %parallel_loop3A_526 = arith.subi %parallel_loop3A_522, %parallel_loop3A_525 : i32
          %parallel_loop3A_527 = arith.cmpi ne, %parallel_loop3A_519, %parallel_loop3A_526 : i32
          %parallel_loop3A_528 = arith.remsi %parallel_loop3A_510, %parallel_loop3A_511 : i32
          %parallel_loop3A_529 = arith.constant 0 : i32
          %parallel_loop3A_530 = arith.cmpi ne, %parallel_loop3A_528, %parallel_loop3A_529 : i32
          %parallel_loop3A_531 = arith.andi %parallel_loop3A_527, %parallel_loop3A_530 : i1
          %parallel_loop3A_532 = arith.constant 1 : i32
          %parallel_loop3A_533 = arith.subi %parallel_loop3A_512, %parallel_loop3A_532 : i32
          %parallel_loop3A_534 = arith.select %parallel_loop3A_531, %parallel_loop3A_533, %parallel_loop3A_512 : i32
          %parallel_loop3A_535 = arith.constant 8 : i32
          %parallel_loop3A_536 = arith.constant 0 : i32
          %parallel_loop3A_537 = arith.cmpi eq, %parallel_loop3A_535, %parallel_loop3A_536 : i32
          %parallel_loop3A_538 = arith.constant 1 : i32
          %parallel_loop3A_539 = arith.select %parallel_loop3A_537, %parallel_loop3A_538, %parallel_loop3A_535 : i32
          %parallel_loop3A_540 = arith.remsi %parallel_loop3A_510, %parallel_loop3A_539 : i32
          %parallel_loop3A_541 = arith.constant 0 : i32
          %parallel_loop3A_542 = arith.cmpi ne, %parallel_loop3A_540, %parallel_loop3A_541 : i32
          %parallel_loop3A_543 = arith.constant 0 : i32
          %parallel_loop3A_544 = arith.cmpi slt, %parallel_loop3A_540, %parallel_loop3A_543 : i32
          %parallel_loop3A_545 = arith.constant 0 : i32
          %parallel_loop3A_546 = arith.cmpi slt, %parallel_loop3A_539, %parallel_loop3A_545 : i32
          %parallel_loop3A_547 = arith.xori %parallel_loop3A_544, %parallel_loop3A_546 : i1
          %parallel_loop3A_548 = arith.andi %parallel_loop3A_547, %parallel_loop3A_542 : i1
          %parallel_loop3A_549 = arith.addi %parallel_loop3A_540, %parallel_loop3A_539 : i32
          %parallel_loop3A_550 = arith.select %parallel_loop3A_548, %parallel_loop3A_549, %parallel_loop3A_540 : i32
          %parallel_loop3A_551 = arith.addi %mul3A_464, %parallel_loop3A_534 : i32
          %parallel_loop3A_552 = arith.constant 16 : i32
          %parallel_loop3A_553 = arith.muli %parallel_loop3A_550, %parallel_loop3A_552 : i32
          %parallel_loop3A_554 = arith.constant 1 : i32
          %parallel_loop3A_555 = arith.index_cast %parallel_loop3A_554 : i32 to index
          %parallel_loop3A_556 = arith.index_cast %parallel_loop3A_551 : i32 to index
          %parallel_loop3A_557 = arith.index_cast %parallel_loop3A_553 : i32 to index
          %parallel_loop3A_558 = tpu.vector_load %arg13[%parallel_loop3A_555, %parallel_loop3A_556, %parallel_loop3A_557] {strides = array<i32>} : memref<2x128x128xi32, #tpu.memory_space<vmem>>, vector<16xi32>,
          %parallel_loop3A_559 = tpu.vector_load_idx %arg5[%parallel_loop3A_558] : memref<5000xf32, #tpu.memory_space<vmem>>[vector<16xi32>], vector<16xf32>,
          %parallel_loop3A_560 = arith.constant 16 : i32
          %parallel_loop3A_561 = arith.muli %parallel_loop3A_550, %parallel_loop3A_560 : i32
          %parallel_loop3A_562 = arith.constant 1 : i32
          %parallel_loop3A_563 = arith.constant 0 : i32
          %parallel_loop3A_564 = arith.index_cast %parallel_loop3A_562 : i32 to index
          %parallel_loop3A_565 = arith.index_cast %parallel_loop3A_534 : i32 to index
          %parallel_loop3A_566 = arith.index_cast %parallel_loop3A_563 : i32 to index
          %parallel_loop3A_567 = arith.index_cast %parallel_loop3A_561 : i32 to index
          %parallel_loop3A_568 = tpu.vector_load %arg14[%parallel_loop3A_564, %parallel_loop3A_565, %parallel_loop3A_566, %parallel_loop3A_567] {strides = array<i32>} : memref<2x16x8x128xf32, #tpu.memory_space<vmem>>, vector<16xf32>,
          tpu.vector_store %arg14[%parallel_loop3A_564, %parallel_loop3A_565, %parallel_loop3A_566, %parallel_loop3A_567], %parallel_loop3A_559 {strides = array<i32>} : memref<2x16x8x128xf32, #tpu.memory_space<vmem>>, vector<16xf32>,
          %parallel_loop3A_569 = tpu.vector_load_idx %arg6[%parallel_loop3A_558] : memref<5000xf32, #tpu.memory_space<vmem>>[vector<16xi32>], vector<16xf32>,
          %parallel_loop3A_570 = arith.constant 16 : i32
          %parallel_loop3A_571 = arith.muli %parallel_loop3A_550, %parallel_loop3A_570 : i32
          %parallel_loop3A_572 = arith.constant 1 : i32
          %parallel_loop3A_573 = arith.constant 1 : i32
          %parallel_loop3A_574 = arith.index_cast %parallel_loop3A_572 : i32 to index
          %parallel_loop3A_575 = arith.index_cast %parallel_loop3A_534 : i32 to index
          %parallel_loop3A_576 = arith.index_cast %parallel_loop3A_573 : i32 to index
          %parallel_loop3A_577 = arith.index_cast %parallel_loop3A_571 : i32 to index
          %parallel_loop3A_578 = tpu.vector_load %arg14[%parallel_loop3A_574, %parallel_loop3A_575, %parallel_loop3A_576, %parallel_loop3A_577] {strides = array<i32>} : memref<2x16x8x128xf32, #tpu.memory_space<vmem>>, vector<16xf32>,
          tpu.vector_store %arg14[%parallel_loop3A_574, %parallel_loop3A_575, %parallel_loop3A_576, %parallel_loop3A_577], %parallel_loop3A_569 {strides = array<i32>} : memref<2x16x8x128xf32, #tpu.memory_space<vmem>>, vector<16xf32>,
          %parallel_loop3A_579 = tpu.vector_load_idx %arg7[%parallel_loop3A_558] : memref<5000xf32, #tpu.memory_space<vmem>>[vector<16xi32>], vector<16xf32>,
          %parallel_loop3A_580 = arith.constant 16 : i32
          %parallel_loop3A_581 = arith.muli %parallel_loop3A_550, %parallel_loop3A_580 : i32
          %parallel_loop3A_582 = arith.constant 1 : i32
          %parallel_loop3A_583 = arith.constant 2 : i32
          %parallel_loop3A_584 = arith.index_cast %parallel_loop3A_582 : i32 to index
          %parallel_loop3A_585 = arith.index_cast %parallel_loop3A_534 : i32 to index
          %parallel_loop3A_586 = arith.index_cast %parallel_loop3A_583 : i32 to index
          %parallel_loop3A_587 = arith.index_cast %parallel_loop3A_581 : i32 to index
          %parallel_loop3A_588 = tpu.vector_load %arg14[%parallel_loop3A_584, %parallel_loop3A_585, %parallel_loop3A_586, %parallel_loop3A_587] {strides = array<i32>} : memref<2x16x8x128xf32, #tpu.memory_space<vmem>>, vector<16xf32>,
          tpu.vector_store %arg14[%parallel_loop3A_584, %parallel_loop3A_585, %parallel_loop3A_586, %parallel_loop3A_587], %parallel_loop3A_579 {strides = array<i32>} : memref<2x16x8x128xf32, #tpu.memory_space<vmem>>, vector<16xf32>,
          %parallel_loop3A_589 = tpu.vector_load_idx %arg8[%parallel_loop3A_558] : memref<5000xf32, #tpu.memory_space<vmem>>[vector<16xi32>], vector<16xf32>,
          %parallel_loop3A_590 = arith.constant 16 : i32
          %parallel_loop3A_591 = arith.muli %parallel_loop3A_550, %parallel_loop3A_590 : i32
          %parallel_loop3A_592 = arith.constant 1 : i32
          %parallel_loop3A_593 = arith.constant 3 : i32
          %parallel_loop3A_594 = arith.index_cast %parallel_loop3A_592 : i32 to index
          %parallel_loop3A_595 = arith.index_cast %parallel_loop3A_534 : i32 to index
          %parallel_loop3A_596 = arith.index_cast %parallel_loop3A_593 : i32 to index
          %parallel_loop3A_597 = arith.index_cast %parallel_loop3A_591 : i32 to index
          %parallel_loop3A_598 = tpu.vector_load %arg14[%parallel_loop3A_594, %parallel_loop3A_595, %parallel_loop3A_596, %parallel_loop3A_597] {strides = array<i32>} : memref<2x16x8x128xf32, #tpu.memory_space<vmem>>, vector<16xf32>,
          tpu.vector_store %arg14[%parallel_loop3A_594, %parallel_loop3A_595, %parallel_loop3A_596, %parallel_loop3A_597], %parallel_loop3A_589 {strides = array<i32>} : memref<2x16x8x128xf32, #tpu.memory_space<vmem>>, vector<16xf32>,
          %parallel_loop3A_599 = tpu.vector_load_idx %arg9[%parallel_loop3A_558] : memref<5000xf32, #tpu.memory_space<vmem>>[vector<16xi32>], vector<16xf32>,
          %parallel_loop3A_600 = arith.constant 16 : i32
          %parallel_loop3A_601 = arith.muli %parallel_loop3A_550, %parallel_loop3A_600 : i32
          %parallel_loop3A_602 = arith.constant 1 : i32
          %parallel_loop3A_603 = arith.constant 4 : i32
          %parallel_loop3A_604 = arith.index_cast %parallel_loop3A_602 : i32 to index
          %parallel_loop3A_605 = arith.index_cast %parallel_loop3A_534 : i32 to index
          %parallel_loop3A_606 = arith.index_cast %parallel_loop3A_603 : i32 to index
          %parallel_loop3A_607 = arith.index_cast %parallel_loop3A_601 : i32 to index
          %parallel_loop3A_608 = tpu.vector_load %arg14[%parallel_loop3A_604, %parallel_loop3A_605, %parallel_loop3A_606, %parallel_loop3A_607] {strides = array<i32>} : memref<2x16x8x128xf32, #tpu.memory_space<vmem>>, vector<16xf32>,
          tpu.vector_store %arg14[%parallel_loop3A_604, %parallel_loop3A_605, %parallel_loop3A_606, %parallel_loop3A_607], %parallel_loop3A_599 {strides = array<i32>} : memref<2x16x8x128xf32, #tpu.memory_space<vmem>>, vector<16xf32>,
          %parallel_loop3A_609 = tpu.vector_load_idx %arg10[%parallel_loop3A_558] : memref<5000xf32, #tpu.memory_space<vmem>>[vector<16xi32>], vector<16xf32>,
          %parallel_loop3A_610 = arith.constant 16 : i32
          %parallel_loop3A_611 = arith.muli %parallel_loop3A_550, %parallel_loop3A_610 : i32
          %parallel_loop3A_612 = arith.constant 1 : i32
          %parallel_loop3A_613 = arith.constant 5 : i32
          %parallel_loop3A_614 = arith.index_cast %parallel_loop3A_612 : i32 to index
          %parallel_loop3A_615 = arith.index_cast %parallel_loop3A_534 : i32 to index
          %parallel_loop3A_616 = arith.index_cast %parallel_loop3A_613 : i32 to index
          %parallel_loop3A_617 = arith.index_cast %parallel_loop3A_611 : i32 to index
          %parallel_loop3A_618 = tpu.vector_load %arg14[%parallel_loop3A_614, %parallel_loop3A_615, %parallel_loop3A_616, %parallel_loop3A_617] {strides = array<i32>} : memref<2x16x8x128xf32, #tpu.memory_space<vmem>>, vector<16xf32>,
          tpu.vector_store %arg14[%parallel_loop3A_614, %parallel_loop3A_615, %parallel_loop3A_616, %parallel_loop3A_617], %parallel_loop3A_609 {strides = array<i32>} : memref<2x16x8x128xf32, #tpu.memory_space<vmem>>, vector<16xf32>,
          %parallel_loop3A_619 = tpu.vector_load_idx %arg11[%parallel_loop3A_558] : memref<5000xf32, #tpu.memory_space<vmem>>[vector<16xi32>], vector<16xf32>,
          %parallel_loop3A_620 = arith.constant 16 : i32
          %parallel_loop3A_621 = arith.muli %parallel_loop3A_550, %parallel_loop3A_620 : i32
          %parallel_loop3A_622 = arith.constant 1 : i32
          %parallel_loop3A_623 = arith.constant 6 : i32
          %parallel_loop3A_624 = arith.index_cast %parallel_loop3A_622 : i32 to index
          %parallel_loop3A_625 = arith.index_cast %parallel_loop3A_534 : i32 to index
          %parallel_loop3A_626 = arith.index_cast %parallel_loop3A_623 : i32 to index
          %parallel_loop3A_627 = arith.index_cast %parallel_loop3A_621 : i32 to index
          %parallel_loop3A_628 = tpu.vector_load %arg14[%parallel_loop3A_624, %parallel_loop3A_625, %parallel_loop3A_626, %parallel_loop3A_627] {strides = array<i32>} : memref<2x16x8x128xf32, #tpu.memory_space<vmem>>, vector<16xf32>,
          tpu.vector_store %arg14[%parallel_loop3A_624, %parallel_loop3A_625, %parallel_loop3A_626, %parallel_loop3A_627], %parallel_loop3A_619 {strides = array<i32>} : memref<2x16x8x128xf32, #tpu.memory_space<vmem>>, vector<16xf32>,
          %parallel_loop3A_629 = tpu.vector_load_idx %arg12[%parallel_loop3A_558] : memref<5000xf32, #tpu.memory_space<vmem>>[vector<16xi32>], vector<16xf32>,
          %parallel_loop3A_630 = arith.constant 16 : i32
          %parallel_loop3A_631 = arith.muli %parallel_loop3A_550, %parallel_loop3A_630 : i32
          %parallel_loop3A_632 = arith.constant 1 : i32
          %parallel_loop3A_633 = arith.constant 7 : i32
          %parallel_loop3A_634 = arith.index_cast %parallel_loop3A_632 : i32 to index
          %parallel_loop3A_635 = arith.index_cast %parallel_loop3A_534 : i32 to index
          %parallel_loop3A_636 = arith.index_cast %parallel_loop3A_633 : i32 to index
          %parallel_loop3A_637 = arith.index_cast %parallel_loop3A_631 : i32 to index
          %parallel_loop3A_638 = tpu.vector_load %arg14[%parallel_loop3A_634, %parallel_loop3A_635, %parallel_loop3A_636, %parallel_loop3A_637] {strides = array<i32>} : memref<2x16x8x128xf32, #tpu.memory_space<vmem>>, vector<16xf32>,
          tpu.vector_store %arg14[%parallel_loop3A_634, %parallel_loop3A_635, %parallel_loop3A_636, %parallel_loop3A_637], %parallel_loop3A_629 {strides = array<i32>} : memref<2x16x8x128xf32, #tpu.memory_space<vmem>>, vector<16xf32>,
        } {sc.loop_unroll_factor = 16 : i64, sc.parallel_access}
        %dma_start3A_491 = arith.constant 1 : i32
        %dma_start3A_492 = arith.constant 0 : i32
        %dma_start3A_493 = arith.constant 0 : i32
        %dma_start3A_494 = arith.constant 0 : i32
        %dma_start3A_495 = tpu.memref_slice %arg14[%dma_start3A_491, %dma_start3A_492, %dma_start3A_493, %dma_start3A_494] : memref<2x16x8x128xf32, #tpu.memory_space<vmem>> -> memref<1x16x8x128xf32, #tpu.memory_space<vmem>>
        %dma_start3A_496 = tpu.memref_squeeze %dma_start3A_495 : memref<1x16x8x128xf32, #tpu.memory_space<vmem>> -> memref<16x8x128xf32, #tpu.memory_space<vmem>>
        %dma_start3A_497 = arith.constant 0 : i32
        %dma_start3A_498 = arith.constant 0 : i32
        %dma_start3A_499 = tpu.memref_slice %arg4[%add3A_375, %select_n3A_9, %mul3A_464, %dma_start3A_497, %dma_start3A_498] : memref<200x8x128x8x128xf32, #tpu.memory_space<hbm>> -> memref<1x1x16x8x128xf32, #tpu.memory_space<hbm>>
        %dma_start3A_500 = tpu.memref_squeeze %dma_start3A_499 : memref<1x1x16x8x128xf32, #tpu.memory_space<hbm>> -> memref<16x8x128xf32, #tpu.memory_space<hbm>>
        %dma_start3A_501 = arith.constant 0 : i32
        %dma_start3A_502 = arith.constant 0 : i32
        %dma_start3A_503 = tpu.memref_slice %arg4[%add3A_375, %select_n3A_9, %mul3A_464, %dma_start3A_501, %dma_start3A_502] : memref<200x8x128x8x128xf32, #tpu.memory_space<hbm>> -> memref<1x1x16x8x128xf32, #tpu.memory_space<hbm>>
        %dma_start3A_504 = tpu.memref_squeeze %dma_start3A_503 : memref<1x1x16x8x128xf32, #tpu.memory_space<hbm>> -> memref<16x8x128xf32, #tpu.memory_space<hbm>>
        %dma_start3A_505 = arith.constant 0 : i32
        %dma_start3A_506 = arith.constant 0 : i32
        %dma_start3A_507 = arith.constant 0 : i32
        %dma_start3A_508 = tpu.memref_slice %arg14[%dma_start3A_491, %dma_start3A_505, %dma_start3A_506, %dma_start3A_507] : memref<2x16x8x128xf32, #tpu.memory_space<vmem>> -> memref<1x16x8x128xf32, #tpu.memory_space<vmem>>
        %dma_start3A_509 = tpu.memref_squeeze %dma_start3A_508 : memref<1x16x8x128xf32, #tpu.memory_space<vmem>> -> memref<16x8x128xf32, #tpu.memory_space<vmem>>
        tpu.enqueue_dma source(%dma_start3A_509 : memref<16x8x128xf32, #tpu.memory_space<vmem>>) target(%dma_start3A_504 : memref<16x8x128xf32, #tpu.memory_space<hbm>>) target_semaphore(%arg19 : memref<!tpu.dma_semaphore, #tpu.memory_space<semaphore_mem>>)
      }
      %scan3A_399 = arith.constant 4 : i32
      %add3A_400 = arith.constant 2 : i32
      %add3A_401 = arith.addi %add3A_375, %add3A_400 : i32
      %add3A_402 = arith.constant 50 : i32
      %add3A_403 = arith.addi %mul3A_32, %add3A_402 : i32
      %lt3A_404 = arith.cmpi slt, %add3A_401, %add3A_403 : i32
      %convert_element_type3A_405 = arith.extui %lt3A_404 : i1 to i32
      %cond3A_406 = arith.constant 0 : i32
      %cond3A_407 = arith.cmpi ne, %convert_element_type3A_405, %cond3A_406 : i32
      scf.if %cond3A_407 {
        %add3A_408 = arith.constant 2 : i32
        %add3A_409 = arith.addi %add3A_375, %add3A_408 : i32
        %jit3A_410 = arith.constant 8 : i32
        %div3A_411 = arith.divsi %add3A_409, %jit3A_410 : i32
        %sign3A_412 = arith.constant 0 : i32
        %sign3A_413 = arith.cmpi sgt, %add3A_409, %sign3A_412 : i32
        %sign3A_414 = arith.extui %sign3A_413 : i1 to i32
        %sign3A_415 = arith.constant 0 : i32
        %sign3A_416 = arith.cmpi slt, %add3A_409, %sign3A_415 : i32
        %sign3A_417 = arith.extui %sign3A_416 : i1 to i32
        %sign3A_418 = arith.subi %sign3A_414, %sign3A_417 : i32
        %sign3A_419 = arith.constant 0 : i32
        %sign3A_420 = arith.cmpi sgt, %jit3A_410, %sign3A_419 : i32
        %sign3A_421 = arith.extui %sign3A_420 : i1 to i32
        %sign3A_422 = arith.constant 0 : i32
        %sign3A_423 = arith.cmpi slt, %jit3A_410, %sign3A_422 : i32
        %sign3A_424 = arith.extui %sign3A_423 : i1 to i32
        %sign3A_425 = arith.subi %sign3A_421, %sign3A_424 : i32
        %ne3A_426 = arith.cmpi ne, %sign3A_418, %sign3A_425 : i32
        %rem3A_427 = arith.remsi %add3A_409, %jit3A_410 : i32
        %ne3A_428 = arith.constant 0 : i32
        %ne3A_429 = arith.cmpi ne, %rem3A_427, %ne3A_428 : i32
        %and3A_430 = arith.andi %ne3A_426, %ne3A_429 : i1
        %sub3A_431 = arith.constant 1 : i32
        %sub3A_432 = arith.subi %div3A_411, %sub3A_431 : i32
        %select_n3A_433 = arith.select %and3A_430, %sub3A_432, %div3A_411 : i32
        %jit3A_434 = arith.constant 8 : i32
        %eq3A_435 = arith.constant 0 : i32
        %eq3A_436 = arith.cmpi eq, %jit3A_434, %eq3A_435 : i32
        %jit3A_437 = arith.constant 1 : i32
        %select_n3A_438 = arith.select %eq3A_436, %jit3A_437, %jit3A_434 : i32
        %rem3A_439 = arith.remsi %add3A_409, %select_n3A_438 : i32
        %ne3A_440 = arith.constant 0 : i32
        %ne3A_441 = arith.cmpi ne, %rem3A_439, %ne3A_440 : i32
        %lt3A_442 = arith.constant 0 : i32
        %lt3A_443 = arith.cmpi slt, %rem3A_439, %lt3A_442 : i32
        %lt3A_444 = arith.constant 0 : i32
        %lt3A_445 = arith.cmpi slt, %select_n3A_438, %lt3A_444 : i32
        %ne3A_446 = arith.xori %lt3A_443, %lt3A_445 : i1
        %and3A_447 = arith.andi %ne3A_446, %ne3A_441 : i1
        %add3A_448 = arith.addi %rem3A_439, %select_n3A_438 : i32
        %select_n3A_449 = arith.select %and3A_447, %add3A_448, %rem3A_439 : i32
        %dma_start3A_450 = arith.constant 1 : i32
        %dma_start3A_451 = arith.constant 0 : i32
        %dma_start3A_452 = arith.constant 0 : i32
        %dma_start3A_453 = tpu.memref_slice %arg13[%dma_start3A_450, %dma_start3A_451, %dma_start3A_452] : memref<2x128x128xi32, #tpu.memory_space<vmem>> -> memref<1x128x128xi32, #tpu.memory_space<vmem>>
        %dma_start3A_454 = tpu.memref_squeeze %dma_start3A_453 : memref<1x128x128xi32, #tpu.memory_space<vmem>> -> memref<128x128xi32, #tpu.memory_space<vmem>>
        %dma_start3A_455 = arith.constant 0 : i32
        %dma_start3A_456 = arith.constant 0 : i32
        %dma_start3A_457 = tpu.memref_slice %arg2[%select_n3A_433, %dma_start3A_455, %select_n3A_449, %dma_start3A_456] : memref<25x128x8x128xi32, #tpu.memory_space<hbm>> -> memref<1x128x1x128xi32, #tpu.memory_space<hbm>>
        %dma_start3A_458 = tpu.memref_squeeze %dma_start3A_457 : memref<1x128x1x128xi32, #tpu.memory_space<hbm>> -> memref<128x128xi32, #tpu.memory_space<hbm>>
        %dma_start3A_459 = arith.constant 0 : i32
        %dma_start3A_460 = arith.constant 0 : i32
        %dma_start3A_461 = tpu.memref_slice %arg13[%dma_start3A_450, %dma_start3A_459, %dma_start3A_460] : memref<2x128x128xi32, #tpu.memory_space<vmem>> -> memref<1x128x128xi32, #tpu.memory_space<vmem>>
        %dma_start3A_462 = tpu.memref_squeeze %dma_start3A_461 : memref<1x128x128xi32, #tpu.memory_space<vmem>> -> memref<128x128xi32, #tpu.memory_space<vmem>>
        %dma_start3A_463 = arith.constant 0 : i32
        %dma_start3A_464 = arith.constant 0 : i32
        %dma_start3A_465 = tpu.memref_slice %arg2[%select_n3A_433, %dma_start3A_463, %select_n3A_449, %dma_start3A_464] : memref<25x128x8x128xi32, #tpu.memory_space<hbm>> -> memref<1x128x1x128xi32, #tpu.memory_space<hbm>>
        %dma_start3A_466 = tpu.memref_squeeze %dma_start3A_465 : memref<1x128x1x128xi32, #tpu.memory_space<hbm>> -> memref<128x128xi32, #tpu.memory_space<hbm>>
        tpu.enqueue_dma source(%dma_start3A_466 : memref<128x128xi32, #tpu.memory_space<hbm>>) target(%dma_start3A_462 : memref<128x128xi32, #tpu.memory_space<vmem>>) target_semaphore(%arg17 : memref<!tpu.dma_semaphore, #tpu.memory_space<semaphore_mem>>)
      } else {
      }
    }
    %scan3A_288 = arith.constant 25 : i32
    %dma_wait3A_289 = arith.constant 0 : i32
    %dma_wait3A_290 = arith.constant 0 : i32
    %dma_wait3A_291 = arith.constant 0 : i32
    %dma_wait3A_292 = arith.constant 0 : i32
    %dma_wait3A_293 = arith.constant 0 : i32
    %dma_wait3A_294 = arith.constant 0 : i32
    %dma_wait3A_295 = tpu.memref_slice %arg14[%dma_wait3A_289, %dma_wait3A_292, %dma_wait3A_293, %dma_wait3A_294] : memref<2x16x8x128xf32, #tpu.memory_space<vmem>> -> memref<1x16x8x128xf32, #tpu.memory_space<vmem>>
    %dma_wait3A_296 = tpu.memref_squeeze %dma_wait3A_295 : memref<1x16x8x128xf32, #tpu.memory_space<vmem>> -> memref<16x8x128xf32, #tpu.memory_space<vmem>>
    %dma_wait3A_297 = arith.constant 0 : i32
    %dma_wait3A_298 = arith.constant 0 : i32
    %dma_wait3A_299 = arith.constant 0 : i32
    %dma_wait3A_300 = tpu.memref_slice %arg4[%dma_wait3A_290, %dma_wait3A_291, %dma_wait3A_297, %dma_wait3A_298, %dma_wait3A_299] : memref<200x8x128x8x128xf32, #tpu.memory_space<hbm>> -> memref<1x1x16x8x128xf32, #tpu.memory_space<hbm>>
    %dma_wait3A_301 = tpu.memref_squeeze %dma_wait3A_300 : memref<1x1x16x8x128xf32, #tpu.memory_space<hbm>> -> memref<16x8x128xf32, #tpu.memory_space<hbm>>
    %dma_wait3A_302 = arith.constant 0 : i32
    %dma_wait3A_303 = arith.constant 0 : i32
    %dma_wait3A_304 = arith.constant 0 : i32
    %dma_wait3A_305 = tpu.memref_slice %arg4[%dma_wait3A_290, %dma_wait3A_291, %dma_wait3A_302, %dma_wait3A_303, %dma_wait3A_304] : memref<200x8x128x8x128xf32, #tpu.memory_space<hbm>> -> memref<1x1x16x8x128xf32, #tpu.memory_space<hbm>>
    %dma_wait3A_306 = tpu.memref_squeeze %dma_wait3A_305 : memref<1x1x16x8x128xf32, #tpu.memory_space<hbm>> -> memref<16x8x128xf32, #tpu.memory_space<hbm>>
    %dma_wait3A_307 = arith.constant 0 : i32
    %dma_wait3A_308 = arith.constant 0 : i32
    %dma_wait3A_309 = arith.constant 0 : i32
    %dma_wait3A_310 = tpu.memref_slice %arg14[%dma_wait3A_289, %dma_wait3A_307, %dma_wait3A_308, %dma_wait3A_309] : memref<2x16x8x128xf32, #tpu.memory_space<vmem>> -> memref<1x16x8x128xf32, #tpu.memory_space<vmem>>
    %dma_wait3A_311 = tpu.memref_squeeze %dma_wait3A_310 : memref<1x16x8x128xf32, #tpu.memory_space<vmem>> -> memref<16x8x128xf32, #tpu.memory_space<vmem>>
    tpu.wait_dma2 semaphore(%arg18 : memref<!tpu.dma_semaphore, #tpu.memory_space<semaphore_mem>>) src(%dma_wait3A_311 : memref<16x8x128xf32, #tpu.memory_space<vmem>>) dst(%dma_wait3A_306 : memref<16x8x128xf32, #tpu.memory_space<hbm>>)
    %dma_wait3A_312 = arith.constant 1 : i32
    %dma_wait3A_313 = arith.constant 0 : i32
    %dma_wait3A_314 = arith.constant 0 : i32
    %dma_wait3A_315 = arith.constant 0 : i32
    %dma_wait3A_316 = arith.constant 0 : i32
    %dma_wait3A_317 = arith.constant 0 : i32
    %dma_wait3A_318 = tpu.memref_slice %arg14[%dma_wait3A_312, %dma_wait3A_315, %dma_wait3A_316, %dma_wait3A_317] : memref<2x16x8x128xf32, #tpu.memory_space<vmem>> -> memref<1x16x8x128xf32, #tpu.memory_space<vmem>>
    %dma_wait3A_319 = tpu.memref_squeeze %dma_wait3A_318 : memref<1x16x8x128xf32, #tpu.memory_space<vmem>> -> memref<16x8x128xf32, #tpu.memory_space<vmem>>
    %dma_wait3A_320 = arith.constant 0 : i32
    %dma_wait3A_321 = arith.constant 0 : i32
    %dma_wait3A_322 = arith.constant 0 : i32
    %dma_wait3A_323 = tpu.memref_slice %arg4[%dma_wait3A_313, %dma_wait3A_314, %dma_wait3A_320, %dma_wait3A_321, %dma_wait3A_322] : memref<200x8x128x8x128xf32, #tpu.memory_space<hbm>> -> memref<1x1x16x8x128xf32, #tpu.memory_space<hbm>>
    %dma_wait3A_324 = tpu.memref_squeeze %dma_wait3A_323 : memref<1x1x16x8x128xf32, #tpu.memory_space<hbm>> -> memref<16x8x128xf32, #tpu.memory_space<hbm>>
    %dma_wait3A_325 = arith.constant 0 : i32
    %dma_wait3A_326 = arith.constant 0 : i32
    %dma_wait3A_327 = arith.constant 0 : i32
    %dma_wait3A_328 = tpu.memref_slice %arg4[%dma_wait3A_313, %dma_wait3A_314, %dma_wait3A_325, %dma_wait3A_326, %dma_wait3A_327] : memref<200x8x128x8x128xf32, #tpu.memory_space<hbm>> -> memref<1x1x16x8x128xf32, #tpu.memory_space<hbm>>
    %dma_wait3A_329 = tpu.memref_squeeze %dma_wait3A_328 : memref<1x1x16x8x128xf32, #tpu.memory_space<hbm>> -> memref<16x8x128xf32, #tpu.memory_space<hbm>>
    %dma_wait3A_330 = arith.constant 0 : i32
    %dma_wait3A_331 = arith.constant 0 : i32
    %dma_wait3A_332 = arith.constant 0 : i32
    %dma_wait3A_333 = tpu.memref_slice %arg14[%dma_wait3A_312, %dma_wait3A_330, %dma_wait3A_331, %dma_wait3A_332] : memref<2x16x8x128xf32, #tpu.memory_space<vmem>> -> memref<1x16x8x128xf32, #tpu.memory_space<vmem>>
    %dma_wait3A_334 = tpu.memref_squeeze %dma_wait3A_333 : memref<1x16x8x128xf32, #tpu.memory_space<vmem>> -> memref<16x8x128xf32, #tpu.memory_space<vmem>>
    tpu.wait_dma2 semaphore(%arg19 : memref<!tpu.dma_semaphore, #tpu.memory_space<semaphore_mem>>) src(%dma_wait3A_334 : memref<16x8x128xf32, #tpu.memory_space<vmem>>) dst(%dma_wait3A_329 : memref<16x8x128xf32, #tpu.memory_space<hbm>>)
    return
  }
}

</mosaic_0001>

<sc_bundles>
// kernel: kernel.3.cloned.1.call-start
scs
__scs_entry_jumppad:
0x0: {  	(pc) =	sbr.rel $0x88, $3  }
0x1: {  	(tag) =	ssettag $0x0;
	lr =	simm.s32 $0x1  }
0x2: {  	[smem:$0x3F9F] =	sst lr;
	_ =	strace $0xD0000000  }
0x3: {  	_ = 	snop  }
0x4: {  	_ = 	snop  }
0x5: {  	_ = 	snop  }
0x6: {  	_ = 	snop  }
0x7: {  	_ = 	snop  }
__scs_overlays_trampoline_lowered:
0x8: {  	[smem:$0x3FAE] =	sst s0  }
0x9: {  	[smem:$0x3FAF] =	sst s1  }
0xa: {  	[smem:$0x3FB0] =	sst s2  }
0xb: {  	[smem:$0x3FB1] =	sst s3  }
0xc: {  	[smem:$0x3FB2] =	sst s4  }
0xd: {  	[smem:$0x3FB3] =	sst s5  }
0xe: {  	[smem:$0x3FB4] =	sst s6  }
0xf: {  	[smem:$0x3FB5] =	sst s7  }
0x10: {  	[smem:$0x3FB6] =	sst s8  }
0x11: {  	[smem:$0x3FB7] =	sst s9;
	s0 =	simm.s32 @!p0 $0x0  }
0x12: {  	s1 =	sld [smem:$0x3F9D];
	s0 =	simm.s32 @p0 $0x1  }
0x13: {  	[smem:$0x3FB8] =	sst s0;
	s0 =	simm.s32 @!p1 $0x0  }
0x14: {  	s2 =	sld [smem:$0x3F9C];
	s0 =	simm.s32 @p1 $0x1  }
0x15: {  	[smem:$0x3FB9] =	sst s0;
	s0 =	simm.s32 @!p2 $0x0  }
0x16: {  	s3 =	sld [smem:$0x3FDB];
	s0 =	simm.s32 @p2 $0x1  }
0x17: {  	s4 =	simm.s32 $0x1BF5;
	[smem:$0x3FBB] =	sst s0  }
0x18: {  	s0 =	sld [smem:$0x3F9E];
	_ =	swait.ge [sflag:s4], $0x0  }
0x19: {  	s7 =	sld [smem:$0x3F9F]  }
0x1a: {  	s8 =	sadd.s32 $0xFFFFE003, lr  }
0x1b: {  	s9 =	sadd.s32 $0xFFFFFEF7, lr;
	s5 =	simm.s32 $0xFFFFFFFF;
	p2 =	slt.u32 s8, $0xFFFFF086  }
0x1c: {  	p1 =	slt.u32 s9, $0xF7A;
	s5 =	simm.s32 @!p2 $0x0  }
0x1d: {  	s5 =	simm.s32 @p1 $0x1;
	p0 =	seq.s32 s7, s2  }
0x1e: {  	s7 =	smul.u32 @!p0 $0xF7A, s2;
	p2 =	seq.s32 @!p0 s5, $0x0  }
0x1f: {  	s9 =	smul.u32 $0xF7A, s1;
	s8 =	simm.s32 @!p0 $0x1BF5;
	p2 =	por !p2, p0  }
0x20: {  	[sflag:s8] =	ssyncset.s32 @!p0 $0xFFFFF086;
	s6 =	sadd.s32 @!p0 s3, s7;
	s7 =	simm.s32 @!p0 $0x108  }
0x21: {  	s3 =	sadd.s32 s3, s9;
	s6 =	sadd.s32 @!p0 $0x88, s6;
	s7 =	simm.s32 @p2 $0x1082  }
0x22: {  	[simem:s7], [sflag:s8] =	dma.local @!p0 [hbm:s6], $0xF7A  }
0x23: {  	s9 =	sor.u32 $0xD0000000, s2;
	s6 =	simm.s32 $0x108;
	_ =	swait.ge @!p0 [sflag:s8], $0x0  }
0x24: {  	s3 =	sadd.s32 $0x88, s3;
	s6 =	simm.s32 @!p1 $0x1082;
	[sflag:s4] =	ssyncset.s32 $0xFFFFF086  }
0x25: {  	[simem:s6], [sflag:s4] =	dma.local [hbm:s3], $0xF7A  }
0x26: {  	[smem:$0x3F9F] =	sst s1;
	(tag) =	ssettag s2;
	_ =	strace s9  }
0x27: {  	s1 =	sld [smem:$0x3FAF]  }
0x28: {  	s2 =	sld [smem:$0x3FB0]  }
0x29: {  	s4 =	sld [smem:$0x3FB2]  }
0x2a: {  	p0 =	seq.s32 s5, $0x0;
	s5 =	sld [smem:$0x3FB3]  }
0x2b: {  	s6 =	sld [smem:$0x3FB4]  }
0x2c: {  	s7 =	sld [smem:$0x3FB5]  }
0x2d: {  	s3 =	simm.s32 $0x108;
	s8 =	sld [smem:$0x3FB6]  }
0x2e: {  	s3 =	simm.s32 @!p0 $0x1082;
	s9 =	sld [smem:$0x3FB7]  }
0x2f: {  	lr =	sadd.s32 s0, s3;
	s0 =	sld [smem:$0x3FAE]  }
0x30: {  	s3 =	sld [smem:$0x3FB1]  }
0x31: {  	[smem:$0x3FBA] =	sst s10  }
0x32: {  	s10 =	sld [smem:$0x3FB8];
	_ =	sdelay $0x3  }
0x33: {  	p0 =	seq.s32 s10, $0x1;
	s10 =	sld [smem:$0x3FBA];
	_ =	sdelay $0x3  }
0x34: {  	[smem:$0x3FBA] =	sst s10  }
0x35: {  	s10 =	sld [smem:$0x3FB9];
	_ =	sdelay $0x3  }
0x36: {  	p1 =	seq.s32 s10, $0x1;
	s10 =	sld [smem:$0x3FBA];
	_ =	sdelay $0x3  }
0x37: {  	[smem:$0x3FBA] =	sst s10  }
0x38: {  	s10 =	sld [smem:$0x3FBB]  }
0x39: {  	_ = 	snop;
	(pc) =	sbr.ind lr, $3  }
0x3a: {  	_ = 	snop  }
0x3b: {  	_ = 	snop  }
0x3c: {  	p2 =	seq.s32 s10, $0x1;
	s10 =	sld [smem:$0x3FBA]  }
0x3d: {  	_ =	shalt  }
0x3e: {  	_ =	shalt  }
0x3f: {  	_ =	shalt  }
0x40: {  	_ =	shalt  }
0x41: {  	_ =	shalt  }
0x42: {  	_ =	shalt  }
0x43: {  	_ =	shalt  }
0x44: {  	_ =	shalt  }
0x45: {  	_ =	shalt  }
0x46: {  	_ =	shalt  }
0x47: {  	_ =	shalt  }
0x48: {  	_ =	shalt  }
0x49: {  	_ =	shalt  }
0x4a: {  	_ =	shalt  }
0x4b: {  	_ =	shalt  }
0x4c: {  	_ =	shalt  }
0x4d: {  	_ =	shalt  }
0x4e: {  	_ =	shalt  }
0x4f: {  	_ =	shalt  }
0x50: {  	_ =	shalt  }
0x51: {  	_ =	shalt  }
0x52: {  	_ =	shalt  }
0x53: {  	_ =	shalt  }
0x54: {  	_ =	shalt  }
0x55: {  	_ =	shalt  }
0x56: {  	_ =	shalt  }
0x57: {  	_ =	shalt  }
0x58: {  	_ =	shalt  }
0x59: {  	_ =	shalt  }
0x5a: {  	_ =	shalt  }
0x5b: {  	_ =	shalt  }
0x5c: {  	_ =	shalt  }
0x5d: {  	_ =	shalt  }
0x5e: {  	_ =	shalt  }
0x5f: {  	_ =	shalt  }
0x60: {  	_ =	shalt  }
0x61: {  	_ =	shalt  }
0x62: {  	_ =	shalt  }
0x63: {  	_ =	shalt  }
0x64: {  	_ =	shalt  }
0x65: {  	_ =	shalt  }
0x66: {  	_ =	shalt  }
0x67: {  	_ =	shalt  }
0x68: {  	_ =	shalt  }
0x69: {  	_ =	shalt  }
0x6a: {  	_ =	shalt  }
0x6b: {  	_ =	shalt  }
0x6c: {  	_ =	shalt  }
0x6d: {  	_ =	shalt  }
0x6e: {  	_ =	shalt  }
0x6f: {  	_ =	shalt  }
0x70: {  	_ =	shalt  }
0x71: {  	_ =	shalt  }
0x72: {  	_ =	shalt  }
0x73: {  	_ =	shalt  }
0x74: {  	_ =	shalt  }
0x75: {  	_ =	shalt  }
0x76: {  	_ =	shalt  }
0x77: {  	_ =	shalt  }
0x78: {  	_ =	shalt  }
0x79: {  	_ =	shalt  }
0x7a: {  	_ =	shalt  }
0x7b: {  	_ =	shalt  }
0x7c: {  	_ =	shalt  }
0x7d: {  	_ =	shalt  }
0x7e: {  	_ =	shalt  }
0x7f: {  	_ =	shalt  }
0x80: {  	_ =	shalt  }
0x81: {  	_ =	shalt  }
0x82: {  	_ =	shalt  }
0x83: {  	_ =	shalt  }
0x84: {  	_ =	shalt  }
0x85: {  	_ =	shalt  }
0x86: {  	_ =	shalt  }
0x87: {  	_ =	shalt  }
.Lfunc_end0:
.L_simem_size_0:
called_computation_lowered:
.L_overlay_start_0:
0x88: {  	s2 =	sld [smem:$0x3FD9]  }
0x89: {  	s3 =	sld [smem:$0x3FFE];
	_ =	sdelay $0x1  }
0x8a: {  	s1 =	srdreg.scid  }
0x8b: {  	s0 =	sand.u32 $0x1, s1  }
0x8c: {  	s17 =	sshll.u32 s0, $0xA;
	s2 =	sadd.s32 s3, s2  }
0x8d: {  	s2 =	sadd.s32 s2, s17  }
0x8e: {  	[smem:$0x3FC6] =	sst s2  }
0x8f: {  	_ = 	snop  }
0x90: {  	s2 =	sld [smem:$0x3FC9]  }
0x91: {  	s18 =	sld [smem:$0x3FD0];
	(tm) =	ssettm $0x1  }
0x92: {  	s4 =	sld [smem:$0x3FFB];
	_ =	sdelay $0x3  }
0x93: {  	_ =	strace s4  }
0x94: {  	s4 =	sld [smem:$0x3FFC];
	_ =	sdelay $0x3  }
0x95: {  	_ =	strace s4  }
0x96: {  	s4 =	sld [smem:$0x3FFD];
	_ =	sdelay $0x3  }
0x97: {  	_ =	strace s4  }
0x98: {  	_ =	strace $0x8FFFFFFF  }
0x99: {  	s19 =	sld [smem:$0x3FDB];
	_ =	sdelay $0x1  }
0x9a: {  	s5 =	simm.s32 $_scs_section_size  }
0x9b: {  	s6 =	simm.s32 $_size__tile_overlayer_lowered;
	s7 =	simm.s32 $_tile_overlayer_lowered  }
0x9c: {  	s22 =	simm.s32 $0x1BFF;
	s21 =	sshll.u32 s7, $0x1;
	s4 =	sadd.s32 s5, s19  }
0x9d: {  	s8 =	simm.s32 $0x0;
	s20 =	sshll.u32 s6, $0x1;
	s6 =	sadd.s32 s21, s4  }
0x9e: {  	[timem:s8], [sflag:s22] =	dma.local [hbm:s6], s20  }
0x9f: {  	_ =	swait.ge [sflag:s22], s20  }
0xa0: {  	s5 =	ssub.s32 $0x0, s20;
	[sflag:s22] =	ssyncset.done $0x0  }
0xa1: {  	[sflag:s22] =	ssyncadd.s32 s5;
	_ =	sdelay $0x1  }
0xa2: {  	s23 =	simm.s32 $0x1B8B  }
0xa3: {  	_ =	swait.ge [sflag:s23], $0x1  }
0xa4: {  	[sflag:s23] =	ssyncset.done $0x0  }
0xa5: {  	s25 =	simm.s32 $0x1B8E;
	s24 =	sld [smem:$0x3FFE];
	[sflag:s23] =	ssyncadd.s32 $0xFFFFFFFF  }
0xa6: {  	s26 =	simm.s32 $execute0_lowered;
	[smem:$0x3FD2] =	sst s25  }
0xa7: {  	s6 =	sshll.u32 s26, $0x1;
	_ =	strace $0x80000046;
	[dreg:$0x1] =	wrdreg $0xFFFFFFFF  }
0xa8: {  	s28 =	simm.s32 $_size_execute0_lowered;
	s4 =	sadd.s32 s4, s6;
	[dreg:$0x0] =	wrdreg $0x0  }
0xa9: {  	s6 =	sshll.u32 s28, $0x1;
	[dreg:$0x2] =	wrdreg s4  }
0xaa: {  	[dreg:$0x3] =	wrdreg s6  }
0xab: {  	[dreg:$0x4] =	wrdreg $0xC0  }
0xac: {  	_ =	task [dreg:s8], $0x5FFFF  }
0xad: {  	[dreg:$0x1] =	wrdreg $0xFFFFFFFF  }
0xae: {  	[dreg:$0x0] =	wrdreg $0x60  }
0xaf: {  	[dreg:$0x2] =	wrdreg s2  }
0xb0: {  	[dreg:$0x3] =	wrdreg s24  }
0xb1: {  	[dreg:$0x4] =	wrdreg s18  }
0xb2: {  	[dreg:$0x5] =	wrdreg $0x9  }
0xb3: {  	_ =	task.clear_ibuf [dreg:s8], $0x6FFFF;
	_ =	strace $0x90000046  }
0xb4: {  	s29 =	simm.s32 $0x9;
	_ =	strace $0x80000048  }
0xb5: {  	_ =	swait.ge [sflag:s29], $0x1  }
0xb6: {  	[sflag:s29] =	ssyncadd.s32 $0xFFFFFFFF  }
0xb7: {  	_ =	strace $0x90000048  }
0xb8: {  	_ =	sfence  }
0xb9: {  	s30 =	sld [smem:$0x0];
	_ =	sdelay $0x2  }
0xba: {  	s31 =	sshll.u32 s1, $0xD;
	s1 =	sshrl.u32 s1, $0x2  }
0xbb: {  	s3 =	sand.u32 $0x4000, s31;
	s1 =	sadd.s32 s1, s30  }
0xbc: {  	s0 =	sor.u32 s3, s0;
	s1 =	sshll.u32 s1, $0x11  }
0xbd: {  	s0 =	sor.u32 s1, s0  }
0xbe: {  	s0 =	sadd.s32 $0x8F2B, s0  }
0xbf: {  	[sflag:s0] =	ssyncadd.remote.s32 $0x1  }
0xc0: {  	_ =	sfence.sel $0xFFFF  }
0xc1: {  	[dreg:$0x0] =	wrdreg $0xFFFFFFFF;
	(pc) =	sbr.abs _section_cstart, $3  }
0xc2: {  	[dreg:$0x1] =	wrdreg $0xFFFFFFFF  }
0xc3: {  	_ =	task.clear_ibuf [dreg:s8], $0x2FFFF;
	_ =	strace $0x9FFFFFFF  }
0xc4: {  	(tm) =	ssettm $0x7FFFFFFF  }
0xc5: {  	_ =	shalt  }
tec
execute0_lowered:
.L_overlay_start_1:
0x0: {  	(tag) =	ssettag $0x1  }
0x1: {  	s2 =	rddreg [dreg:$0x0]  }
0x2: {  	s0 =	rddreg [dreg:$0x1]  }
0x3: {  	s3 =	rddreg [dreg:$0x2]  }
0x4: {  	s9 =	stileid.u32;
	s1 =	srdreg.scid  }
0x5: {  	s4 =	simm.s32 $0x0;
	s30 =	simm.s32 $0x11C40;
	s31 =	simm.s32 $0x15C40  }
0x6: {  	s28 =	simm.s32 $0x3;
	s29 =	simm.s32 $0x4;
	s5 =	sshll.u32 s9, $0x1  }
0x7: {  	s1 =	sand.u32 $0x1, s1;
	[smem:$0x7FF] =	sst s4;
	s9 =	sshrl.u32 s9, $0x2  }
0x8: {  	s0 =	sadd.s32 $0x400, s0;
	s5 =	sand.u32 $0x6, s5;
	s11 =	smul.u32 $0xC8000, s9  }
0x9: {  	_ =	strace $0x80000047;
	s6 =	sor.u32 s1, s5;
	s5 =	smul.u32 $0x32, s9  }
0xa: {  	s1 =	ssub.s32 $0x2, s1;
	s9 =	sshll.u32 s9, $0x8;
	s7 =	smul.u32 $0x9C40, s6  }
0xb: {  	s19 =	sshrl.u32 s1, $0x1;
	s8 =	smul.u32 $0x1388, s6;
	s11 =	sand.u32 $0x3E0000, s11  }
0xc: {  	s16 =	sshll.u32 s6, $0x11;
	s6 =	simm.s32 $0x5;
	s1 =	ssub.s32 s1, s19  }
0xd: {  	s9 =	sor.u32 s9, s11;
	s17 =	sadd.s32 $0x32, s5;
	s18 =	sor.u32 $0x100000, s16  }
0xe: {  	s10 =	sadd.s32 $0x1388, s7;
	s8 =	sadd.s32 s0, s8;
	s21 =	sshrl.u32 s7, $0x3  }
0xf: {  	s22 =	sadd.s32 $0x3A98, s7;
	s24 =	sadd.s32 $0x61A8, s7;
	s7 =	sadd.s32 $0x88B8, s7  }
0x10: {  	s9 =	sshrl.u32 s9, $0x3;
	s26 =	smax.u32 s1, $0x1;
	s1 =	simm.s32 $0x2  }
0x11: {  	[dreg:$0x4] =	wrdreg s8;
	s20 =	sshrl.u32 s10, $0x3;
	s10 =	sshrl.u32 s22, $0x3  }
0x12: {  	s7 =	sshrl.u32 s7, $0x3;
	s25 =	sadd.s32 s2, s9;
	[dreg:$0xe] =	wrdreg s26  }
0x13: {  	s22 =	simm.s32 $0x3A98;
	s8 =	sadd.s32 s0, s20;
	[dreg:$0xc] =	wrdreg s25  }
0x14: {  	s10 =	sadd.s32 s0, s10;
	[dreg:$0x5] =	wrdreg s8;
	s8 =	sadd.s32 s0, s21  }
0x15: {  	s26 =	simm.s32 $0x88B8;
	[dreg:$0x7] =	wrdreg s10;
	s12 =	sadd.s32 $0x4E2, s8  }
0x16: {  	s10 =	sshrl.u32 s24, $0x3;
	s23 =	sadd.s32 $0x9C4, s8;
	[dreg:$0x6] =	wrdreg s12  }
0x17: {  	s20 =	simm.s32 $0x1388;
	s10 =	sadd.s32 s0, s10;
	[dreg:$0x8] =	wrdreg s23  }
0x18: {  	s21 =	simm.s32 $0x2710;
	s8 =	sadd.s32 $0xEA6, s8;
	[dreg:$0x9] =	wrdreg s10  }
0x19: {  	s24 =	simm.s32 $0x61A8;
	s0 =	sadd.s32 s0, s7;
	[dreg:$0xa] =	wrdreg s8  }
0x1a: {  	s7 =	simm.s32 $0x0;
	[dreg:$0xb] =	wrdreg s0;
	s0 =	sadd.s32 $0x10, s25  }
0x1b: {  	s23 =	simm.s32 $0x4E20;
	s25 =	simm.s32 $0x7530;
	[dreg:$0xd] =	wrdreg s0  }
.LBB2_1:
0x1c: {  	[dreg:$0xf] =	wrdreg s7  }
0x1d: {  	s0 =	rddreg [dreg:$0x4]  }
0x1e: {  	s15 =	rddreg [dreg:$0x5]  }
0x1f: {  	[tilespmem:s4], [sflag:$0x1] =	stream.linear.gather [hbm4b:s0+s4], $0x1388, $0x38;
	[tilespmem:$0x19C40] =	vst v63  }
0x20: {  	s19 =	rddreg [dreg:$0x6]  }
0x21: {  	[tilespmem:s20], [sflag:$0x1] =	stream.linear.gather [hbm4b:s15+s4], $0x1388, $0x38;
	[tilespmem:$0x19C40] =	vst v63  }
0x22: {  	s7 =	rddreg [dreg:$0x7]  }
0x23: {  	[tilespmem:s21], [sflag:$0x1] =	stream.linear.gather [hbm4b:s19+s4], $0x1388, $0x38;
	[tilespmem:$0x19C40] =	vst v63  }
0x24: {  	s8 =	rddreg [dreg:$0x8]  }
0x25: {  	[tilespmem:s22], [sflag:$0x1] =	stream.linear.gather [hbm4b:s7+s4], $0x1388, $0x38;
	[tilespmem:$0x19C40] =	vst v63  }
0x26: {  	s9 =	rddreg [dreg:$0x9]  }
0x27: {  	[tilespmem:s23], [sflag:$0x1] =	stream.linear.gather [hbm4b:s8+s4], $0x1388, $0x38;
	[tilespmem:$0x19C40] =	vst v63  }
0x28: {  	s10 =	rddreg [dreg:$0xa]  }
0x29: {  	[tilespmem:s24], [sflag:$0x1] =	stream.linear.gather [hbm4b:s9+s4], $0x1388, $0x38;
	[tilespmem:$0x19C40] =	vst v63  }
0x2a: {  	s11 =	rddreg [dreg:$0xb]  }
0x2b: {  	[tilespmem:s25], [sflag:$0x1] =	stream.linear.gather [hbm4b:s10+s4], $0x1388, $0x38;
	[tilespmem:$0x19C40] =	vst v63  }
0x2c: {  	s12 =	rddreg [dreg:$0xc]  }
0x2d: {  	[tilespmem:s26], [sflag:$0x1] =	stream.linear.gather [hbm4b:s11+s4], $0x1388, $0x38;
	[tilespmem:$0x19C40] =	vst v63  }
0x2e: {  	s13 =	simm.s32 $0x80;
	s8 =	simm.s32 $0x400;
	s9 =	simm.s32 $0x9C40  }
0x2f: {  	[tilespmem:s9], [sflag:$0x2] =	stream.strided.gather [hbm4b:s12+s13], $0x4000, s8, s13, $0x38;
	[tilespmem:$0x19C40] =	vst v63  }
0x30: {  	s14 =	rddreg [dreg:$0xd];
	s15 =	simm.s32 $0xDC40;
	s19 =	simm.s32 $0x1  }
0x31: {  	[tilespmem:s15], [sflag:$0x3] =	stream.strided.gather [hbm4b:s14+s13], $0x4000, s8, s13, $0x38;
	[tilespmem:$0x19C40] =	vst v63  }
0x32: {  	_ =	swait.ge [sflag:s19], $0x1388  }
0x33: {  	[sflag:s19] =	ssyncset.done $0x0  }
0x34: {  	[sflag:s19] =	ssyncadd.s32 $0xFFFFEC78  }
0x35: {  	_ =	swait.ge [sflag:s19], $0x1388  }
0x36: {  	[sflag:s19] =	ssyncset.done $0x0  }
0x37: {  	[sflag:s19] =	ssyncadd.s32 $0xFFFFEC78  }
0x38: {  	_ =	swait.ge [sflag:s19], $0x1388  }
0x39: {  	[sflag:s19] =	ssyncset.done $0x0  }
0x3a: {  	[sflag:s19] =	ssyncadd.s32 $0xFFFFEC78  }
0x3b: {  	_ =	swait.ge [sflag:s19], $0x1388  }
0x3c: {  	[sflag:s19] =	ssyncset.done $0x0  }
0x3d: {  	[sflag:s19] =	ssyncadd.s32 $0xFFFFEC78  }
0x3e: {  	_ =	swait.ge [sflag:s19], $0x1388  }
0x3f: {  	[sflag:s19] =	ssyncset.done $0x0  }
0x40: {  	[sflag:s19] =	ssyncadd.s32 $0xFFFFEC78  }
0x41: {  	_ =	swait.ge [sflag:s19], $0x1388  }
0x42: {  	[sflag:s19] =	ssyncset.done $0x0  }
0x43: {  	[sflag:s19] =	ssyncadd.s32 $0xFFFFEC78  }
0x44: {  	_ =	swait.ge [sflag:s19], $0x1388  }
0x45: {  	[sflag:s19] =	ssyncset.done $0x0  }
0x46: {  	[sflag:s19] =	ssyncadd.s32 $0xFFFFEC78  }
0x47: {  	_ =	swait.ge [sflag:s19], $0x1388  }
0x48: {  	[sflag:s19] =	ssyncset.done $0x0  }
0x49: {  	s8 =	simm.s32 $0x0;
	[sflag:s19] =	ssyncadd.s32 $0xFFFFEC78  }
.LBB2_2:
0x4a: {  	s0 =	sshll.u32 s8, $0x1  }
0x4b: {  	_ =	swait.ge [sflag:s1], $0x4000;
	s12 =	simm.s32 $0x0;
	s9 =	sadd.s32 s5, s0  }
0x4c: {  	s13 =	simm.s32 $0x9CC0;
	[sflag:s1] =	ssyncset.done $0x0;
	s10 =	sshll.u32 s9, $0x14  }
0x4d: {  	s15 =	simm.s32 $0xA530;
	[sflag:s1] =	ssyncadd.s32 $0xFFFFC000;
	s11 =	sor.u32 s16, s10  }
.LBB2_3:
0x4e: {  	s0 =	sor.u32 s8, s12  }
0x4f: {  	p0 =	seq.s32 s0, $0x0  }
0x50: {  	s0 =	simm.s32 @!p0 $0x4  }
0x51: {  	_ =	swait.ge @!p0 [sflag:s0], $0x4000  }
0x52: {  	[sflag:s0] =	ssyncset.done @!p0 $0x0  }
0x53: {  	[sflag:s0] =	ssyncadd.s32 @!p0 $0xFFFFC000  }
0x54: {  	v15 =	vld [tilespmem:s13+$0x70]  }
0x55: {  	v13 =	vld [tilespmem:s13+$0xFFFFFF90]  }
0x56: {  	v12 =	vld [tilespmem:s13+$0xFFFFFFA0]  }
0x57: {  	v11 =	vld [tilespmem:s13+$0xFFFFFFB0]  }
0x58: {  	v10 =	vld [tilespmem:s13+$0xFFFFFFC0]  }
0x59: {  	v9 =	vld [tilespmem:s13+$0xFFFFFFD0]  }
0x5a: {  	v8 =	vld [tilespmem:s13+$0xFFFFFFE0]  }
0x5b: {  	v6 =	vld [tilespmem:s13+$0xFFFFFFF0]  }
0x5c: {  	v7 =	vld [tilespmem:s13+$0x0]  }
0x5d: {  	v5 =	vld [tilespmem:s13+$0x10]  }
0x5e: {  	v4 =	vld [tilespmem:s13+$0x20]  }
0x5f: {  	v2 =	vld [tilespmem:s13+$0x30]  }
0x60: {  	v3 =	vld [tilespmem:s13+$0x40]  }
0x61: {  	v1 =	vld [tilespmem:s13+$0x50]  }
0x62: {  	v14 =	vld [tilespmem:s13+$0xFFFFFF80]  }
0x63: {  	v0 =	vld.idx.msk [tilespmem:v15+s4+$0x0], $0xffff  }
0x64: {  	v17 =	vld.idx.msk [tilespmem:v13+s4+$0x0], $0xffff  }
0x65: {  	v18 =	vld.idx.msk [tilespmem:v12+s4+$0x0], $0xffff  }
0x66: {  	v19 =	vld.idx.msk [tilespmem:v11+s4+$0x0], $0xffff  }
0x67: {  	v20 =	vld.idx.msk [tilespmem:v10+s4+$0x0], $0xffff  }
0x68: {  	v21 =	vld.idx.msk [tilespmem:v9+s4+$0x0], $0xffff  }
0x69: {  	s14 =	simm.s32 $0x12040;
	v47 =	vld.idx.msk [tilespmem:v8+s4+$0x0], $0xffff  }
0x6a: {  	v22 =	vld.idx.msk [tilespmem:v14+s4+$0x0], $0xffff;
	[tilespmem:s14+$0x70] =	vst v0  }
0x6b: {  	v48 =	vld.idx.msk [tilespmem:v6+s4+$0x0], $0xffff;
	[tilespmem:s14+$0xFFFFFC10] =	vst v17  }
0x6c: {  	v49 =	vld.idx.msk [tilespmem:v7+s4+$0x0], $0xffff;
	[tilespmem:s14+$0xFFFFFC20] =	vst v18  }
0x6d: {  	v50 =	vld.idx.msk [tilespmem:v5+s4+$0x0], $0xffff;
	[tilespmem:s14+$0xFFFFFC30] =	vst v19  }
0x6e: {  	v51 =	vld.idx.msk [tilespmem:v4+s4+$0x0], $0xffff;
	[tilespmem:s14+$0xFFFFFC40] =	vst v20  }
0x6f: {  	v52 =	vld.idx.msk [tilespmem:v2+s4+$0x0], $0xffff;
	[tilespmem:s14+$0xFFFFFC50] =	vst v21  }
0x70: {  	v53 =	vld.idx.msk [tilespmem:v3+s4+$0x0], $0xffff;
	[tilespmem:s14+$0xFFFFFC60] =	vst v47  }
0x71: {  	v54 =	vld.idx.msk [tilespmem:v1+s4+$0x0], $0xffff;
	[tilespmem:s14+$0xFFFFFC00] =	vst v22  }
0x72: {  	v0 =	vld [tilespmem:s13+$0x60];
	[tilespmem:s14+$0xFFFFFC70] =	vst v48  }
0x73: {  	[tilespmem:s14+$0x0] =	vst v49;
	v16 =	vld.idx.msk [tilespmem:v15+s20+$0x0], $0xffff  }
0x74: {  	[tilespmem:s14+$0x10] =	vst v50;
	v22 =	vld.idx.msk [tilespmem:v14+s20+$0x0], $0xffff  }
0x75: {  	[tilespmem:s14+$0x20] =	vst v51;
	v56 =	vld.idx.msk [tilespmem:v13+s20+$0x0], $0xffff  }
0x76: {  	[tilespmem:s14+$0x30] =	vst v52;
	v57 =	vld.idx.msk [tilespmem:v12+s20+$0x0], $0xffff  }
0x77: {  	[tilespmem:s14+$0x40] =	vst v53;
	v58 =	vld.idx.msk [tilespmem:v11+s20+$0x0], $0xffff  }
0x78: {  	[tilespmem:s14+$0x50] =	vst v54;
	v59 =	vld.idx.msk [tilespmem:v10+s20+$0x0], $0xffff  }
0x79: {  	v60 =	vld.idx.msk [tilespmem:v9+s20+$0x0], $0xffff;
	[tilespmem:s14+$0xF0] =	vst v16  }
0x7a: {  	v61 =	vld.idx.msk [tilespmem:v8+s20+$0x0], $0xffff;
	[tilespmem:s14+$0xFFFFFC80] =	vst v22  }
0x7b: {  	v62 =	vld.idx.msk [tilespmem:v6+s20+$0x0], $0xffff;
	[tilespmem:s14+$0xFFFFFC90] =	vst v56  }
0x7c: {  	v63 =	vld.idx.msk [tilespmem:v7+s20+$0x0], $0xffff;
	[tilespmem:s14+$0xFFFFFCA0] =	vst v57  }
0x7d: {  	v24 =	vld.idx.msk [tilespmem:v5+s20+$0x0], $0xffff;
	[tilespmem:s14+$0xFFFFFCB0] =	vst v58  }
0x7e: {  	v25 =	vld.idx.msk [tilespmem:v4+s20+$0x0], $0xffff;
	[tilespmem:s14+$0xFFFFFCC0] =	vst v59  }
0x7f: {  	v26 =	vld.idx.msk [tilespmem:v2+s20+$0x0], $0xffff;
	[tilespmem:s14+$0xFFFFFCD0] =	vst v60  }
0x80: {  	v27 =	vld.idx.msk [tilespmem:v3+s20+$0x0], $0xffff;
	[tilespmem:s14+$0xFFFFFCE0] =	vst v61  }
0x81: {  	v28 =	vld.idx.msk [tilespmem:v1+s20+$0x0], $0xffff;
	[tilespmem:s14+$0xFFFFFCF0] =	vst v62  }
0x82: {  	[tilespmem:s14+$0x80] =	vst v63;
	v16 =	vld.idx.msk [tilespmem:v15+s21+$0x0], $0xffff  }
0x83: {  	[tilespmem:s14+$0x90] =	vst v24;
	v30 =	vld.idx.msk [tilespmem:v14+s21+$0x0], $0xffff  }
0x84: {  	[tilespmem:s14+$0xA0] =	vst v25;
	v31 =	vld.idx.msk [tilespmem:v13+s21+$0x0], $0xffff  }
0x85: {  	[tilespmem:s14+$0xB0] =	vst v26;
	v32 =	vld.idx.msk [tilespmem:v12+s21+$0x0], $0xffff  }
0x86: {  	[tilespmem:s14+$0xC0] =	vst v27;
	v33 =	vld.idx.msk [tilespmem:v11+s21+$0x0], $0xffff  }
0x87: {  	[tilespmem:s14+$0xD0] =	vst v28;
	v34 =	vld.idx.msk [tilespmem:v10+s21+$0x0], $0xffff  }
0x88: {  	v35 =	vld.idx.msk [tilespmem:v9+s21+$0x0], $0xffff;
	[tilespmem:s14+$0x170] =	vst v16  }
0x89: {  	v36 =	vld.idx.msk [tilespmem:v8+s21+$0x0], $0xffff;
	[tilespmem:s14+$0xFFFFFD00] =	vst v30  }
0x8a: {  	v37 =	vld.idx.msk [tilespmem:v6+s21+$0x0], $0xffff;
	[tilespmem:s14+$0xFFFFFD10] =	vst v31  }
0x8b: {  	v38 =	vld.idx.msk [tilespmem:v7+s21+$0x0], $0xffff;
	[tilespmem:s14+$0xFFFFFD20] =	vst v32  }
0x8c: {  	v39 =	vld.idx.msk [tilespmem:v5+s21+$0x0], $0xffff;
	[tilespmem:s14+$0xFFFFFD30] =	vst v33  }
0x8d: {  	v40 =	vld.idx.msk [tilespmem:v4+s21+$0x0], $0xffff;
	[tilespmem:s14+$0xFFFFFD40] =	vst v34  }
0x8e: {  	v41 =	vld.idx.msk [tilespmem:v2+s21+$0x0], $0xffff;
	[tilespmem:s14+$0xFFFFFD50] =	vst v35  }
0x8f: {  	v42 =	vld.idx.msk [tilespmem:v3+s21+$0x0], $0xffff;
	[tilespmem:s14+$0xFFFFFD60] =	vst v36  }
0x90: {  	v43 =	vld.idx.msk [tilespmem:v1+s21+$0x0], $0xffff;
	[tilespmem:s14+$0xFFFFFD70] =	vst v37  }
0x91: {  	v55 =	vld.idx.msk [tilespmem:v0+s4+$0x0], $0xffff;
	[tilespmem:s14+$0x100] =	vst v38  }
0x92: {  	[tilespmem:s14+$0x110] =	vst v39;
	v16 =	vld.idx.msk [tilespmem:v15+s22+$0x0], $0xffff  }
0x93: {  	[tilespmem:s14+$0x120] =	vst v40;
	v45 =	vld.idx.msk [tilespmem:v14+s22+$0x0], $0xffff  }
0x94: {  	[tilespmem:s14+$0x130] =	vst v41;
	v46 =	vld.idx.msk [tilespmem:v13+s22+$0x0], $0xffff  }
0x95: {  	[tilespmem:s14+$0x140] =	vst v42;
	v47 =	vld.idx.msk [tilespmem:v12+s22+$0x0], $0xffff  }
0x96: {  	[tilespmem:s14+$0x150] =	vst v43;
	v48 =	vld.idx.msk [tilespmem:v11+s22+$0x0], $0xffff  }
0x97: {  	[tilespmem:s14+$0x60] =	vst v55;
	v49 =	vld.idx.msk [tilespmem:v10+s22+$0x0], $0xffff  }
0x98: {  	v50 =	vld.idx.msk [tilespmem:v9+s22+$0x0], $0xffff;
	[tilespmem:s14+$0x1F0] =	vst v16  }
0x99: {  	v51 =	vld.idx.msk [tilespmem:v8+s22+$0x0], $0xffff;
	[tilespmem:s14+$0xFFFFFD80] =	vst v45  }
0x9a: {  	v52 =	vld.idx.msk [tilespmem:v6+s22+$0x0], $0xffff;
	[tilespmem:s14+$0xFFFFFD90] =	vst v46  }
0x9b: {  	v53 =	vld.idx.msk [tilespmem:v7+s22+$0x0], $0xffff;
	[tilespmem:s14+$0xFFFFFDA0] =	vst v47  }
0x9c: {  	v54 =	vld.idx.msk [tilespmem:v5+s22+$0x0], $0xffff;
	[tilespmem:s14+$0xFFFFFDB0] =	vst v48  }
0x9d: {  	v55 =	vld.idx.msk [tilespmem:v4+s22+$0x0], $0xffff;
	[tilespmem:s14+$0xFFFFFDC0] =	vst v49  }
0x9e: {  	v56 =	vld.idx.msk [tilespmem:v2+s22+$0x0], $0xffff;
	[tilespmem:s14+$0xFFFFFDD0] =	vst v50  }
0x9f: {  	v57 =	vld.idx.msk [tilespmem:v3+s22+$0x0], $0xffff;
	[tilespmem:s14+$0xFFFFFDE0] =	vst v51  }
0xa0: {  	v58 =	vld.idx.msk [tilespmem:v1+s22+$0x0], $0xffff;
	[tilespmem:s14+$0xFFFFFDF0] =	vst v52  }
0xa1: {  	v29 =	vld.idx.msk [tilespmem:v0+s20+$0x0], $0xffff;
	[tilespmem:s14+$0x180] =	vst v53  }
0xa2: {  	[tilespmem:s14+$0x190] =	vst v54;
	v16 =	vld.idx.msk [tilespmem:v15+s23+$0x0], $0xffff  }
0xa3: {  	[tilespmem:s14+$0x1A0] =	vst v55;
	v60 =	vld.idx.msk [tilespmem:v14+s23+$0x0], $0xffff  }
0xa4: {  	[tilespmem:s14+$0x1B0] =	vst v56;
	v61 =	vld.idx.msk [tilespmem:v13+s23+$0x0], $0xffff  }
0xa5: {  	[tilespmem:s14+$0x1C0] =	vst v57;
	v62 =	vld.idx.msk [tilespmem:v12+s23+$0x0], $0xffff  }
0xa6: {  	[tilespmem:s14+$0x1D0] =	vst v58;
	v63 =	vld.idx.msk [tilespmem:v11+s23+$0x0], $0xffff  }
0xa7: {  	[tilespmem:s14+$0xE0] =	vst v29;
	v24 =	vld.idx.msk [tilespmem:v10+s23+$0x0], $0xffff  }
0xa8: {  	v25 =	vld.idx.msk [tilespmem:v9+s23+$0x0], $0xffff;
	[tilespmem:s14+$0x270] =	vst v16  }
0xa9: {  	v26 =	vld.idx.msk [tilespmem:v8+s23+$0x0], $0xffff;
	[tilespmem:s14+$0xFFFFFE00] =	vst v60  }
0xaa: {  	v27 =	vld.idx.msk [tilespmem:v6+s23+$0x0], $0xffff;
	[tilespmem:s14+$0xFFFFFE10] =	vst v61  }
0xab: {  	v28 =	vld.idx.msk [tilespmem:v7+s23+$0x0], $0xffff;
	[tilespmem:s14+$0xFFFFFE20] =	vst v62  }
0xac: {  	v29 =	vld.idx.msk [tilespmem:v5+s23+$0x0], $0xffff;
	[tilespmem:s14+$0xFFFFFE30] =	vst v63  }
0xad: {  	v30 =	vld.idx.msk [tilespmem:v4+s23+$0x0], $0xffff;
	[tilespmem:s14+$0xFFFFFE40] =	vst v24  }
0xae: {  	v31 =	vld.idx.msk [tilespmem:v2+s23+$0x0], $0xffff;
	[tilespmem:s14+$0xFFFFFE50] =	vst v25  }
0xaf: {  	v32 =	vld.idx.msk [tilespmem:v3+s23+$0x0], $0xffff;
	[tilespmem:s14+$0xFFFFFE60] =	vst v26  }
0xb0: {  	v33 =	vld.idx.msk [tilespmem:v1+s23+$0x0], $0xffff;
	[tilespmem:s14+$0xFFFFFE70] =	vst v27  }
0xb1: {  	v44 =	vld.idx.msk [tilespmem:v0+s21+$0x0], $0xffff;
	[tilespmem:s14+$0x200] =	vst v28  }
0xb2: {  	[tilespmem:s14+$0x210] =	vst v29;
	v16 =	vld.idx.msk [tilespmem:v15+s24+$0x0], $0xffff  }
0xb3: {  	[tilespmem:s14+$0x220] =	vst v30;
	v21 =	vld.idx.msk [tilespmem:v14+s24+$0x0], $0xffff  }
0xb4: {  	[tilespmem:s14+$0x230] =	vst v31;
	v35 =	vld.idx.msk [tilespmem:v13+s24+$0x0], $0xffff  }
0xb5: {  	[tilespmem:s14+$0x240] =	vst v32;
	v36 =	vld.idx.msk [tilespmem:v12+s24+$0x0], $0xffff  }
0xb6: {  	[tilespmem:s14+$0x250] =	vst v33;
	v37 =	vld.idx.msk [tilespmem:v11+s24+$0x0], $0xffff  }
0xb7: {  	[tilespmem:s14+$0x160] =	vst v44;
	v38 =	vld.idx.msk [tilespmem:v10+s24+$0x0], $0xffff  }
0xb8: {  	v39 =	vld.idx.msk [tilespmem:v9+s24+$0x0], $0xffff;
	[tilespmem:s14+$0x2F0] =	vst v16  }
0xb9: {  	v40 =	vld.idx.msk [tilespmem:v8+s24+$0x0], $0xffff;
	[tilespmem:s14+$0xFFFFFE80] =	vst v21  }
0xba: {  	v41 =	vld.idx.msk [tilespmem:v6+s24+$0x0], $0xffff;
	[tilespmem:s14+$0xFFFFFE90] =	vst v35  }
0xbb: {  	v42 =	vld.idx.msk [tilespmem:v7+s24+$0x0], $0xffff;
	[tilespmem:s14+$0xFFFFFEA0] =	vst v36  }
0xbc: {  	v43 =	vld.idx.msk [tilespmem:v5+s24+$0x0], $0xffff;
	[tilespmem:s14+$0xFFFFFEB0] =	vst v37  }
0xbd: {  	v44 =	vld.idx.msk [tilespmem:v4+s24+$0x0], $0xffff;
	[tilespmem:s14+$0xFFFFFEC0] =	vst v38  }
0xbe: {  	v45 =	vld.idx.msk [tilespmem:v2+s24+$0x0], $0xffff;
	[tilespmem:s14+$0xFFFFFED0] =	vst v39  }
0xbf: {  	v46 =	vld.idx.msk [tilespmem:v3+s24+$0x0], $0xffff;
	[tilespmem:s14+$0xFFFFFEE0] =	vst v40  }
0xc0: {  	v47 =	vld.idx.msk [tilespmem:v1+s24+$0x0], $0xffff;
	[tilespmem:s14+$0xFFFFFEF0] =	vst v41  }
0xc1: {  	v59 =	vld.idx.msk [tilespmem:v0+s22+$0x0], $0xffff;
	[tilespmem:s14+$0x280] =	vst v42  }
0xc2: {  	[tilespmem:s14+$0x290] =	vst v43;
	v16 =	vld.idx.msk [tilespmem:v15+s25+$0x0], $0xffff  }
0xc3: {  	[tilespmem:s14+$0x2A0] =	vst v44;
	v21 =	vld.idx.msk [tilespmem:v14+s25+$0x0], $0xffff  }
0xc4: {  	[tilespmem:s14+$0x2B0] =	vst v45;
	v49 =	vld.idx.msk [tilespmem:v13+s25+$0x0], $0xffff  }
0xc5: {  	[tilespmem:s14+$0x2C0] =	vst v46;
	v50 =	vld.idx.msk [tilespmem:v12+s25+$0x0], $0xffff  }
0xc6: {  	[tilespmem:s14+$0x2D0] =	vst v47;
	v51 =	vld.idx.msk [tilespmem:v11+s25+$0x0], $0xffff  }
0xc7: {  	[tilespmem:s14+$0x1E0] =	vst v59;
	v52 =	vld.idx.msk [tilespmem:v10+s25+$0x0], $0xffff  }
0xc8: {  	v53 =	vld.idx.msk [tilespmem:v9+s25+$0x0], $0xffff;
	[tilespmem:s14+$0x370] =	vst v16  }
0xc9: {  	v54 =	vld.idx.msk [tilespmem:v8+s25+$0x0], $0xffff;
	[tilespmem:s14+$0xFFFFFF00] =	vst v21  }
0xca: {  	v55 =	vld.idx.msk [tilespmem:v6+s25+$0x0], $0xffff;
	[tilespmem:s14+$0xFFFFFF10] =	vst v49  }
0xcb: {  	v56 =	vld.idx.msk [tilespmem:v7+s25+$0x0], $0xffff;
	[tilespmem:s14+$0xFFFFFF20] =	vst v50  }
0xcc: {  	v57 =	vld.idx.msk [tilespmem:v5+s25+$0x0], $0xffff;
	[tilespmem:s14+$0xFFFFFF30] =	vst v51  }
0xcd: {  	v58 =	vld.idx.msk [tilespmem:v4+s25+$0x0], $0xffff;
	[tilespmem:s14+$0xFFFFFF40] =	vst v52  }
0xce: {  	v59 =	vld.idx.msk [tilespmem:v2+s25+$0x0], $0xffff;
	[tilespmem:s14+$0xFFFFFF50] =	vst v53  }
0xcf: {  	v60 =	vld.idx.msk [tilespmem:v3+s25+$0x0], $0xffff;
	[tilespmem:s14+$0xFFFFFF60] =	vst v54  }
0xd0: {  	v61 =	vld.idx.msk [tilespmem:v1+s25+$0x0], $0xffff;
	[tilespmem:s14+$0xFFFFFF70] =	vst v55  }
0xd1: {  	v34 =	vld.idx.msk [tilespmem:v0+s23+$0x0], $0xffff;
	[tilespmem:s14+$0x300] =	vst v56  }
0xd2: {  	[tilespmem:s14+$0x310] =	vst v57;
	v15 =	vld.idx.msk [tilespmem:v15+s26+$0x0], $0xffff  }
0xd3: {  	[tilespmem:s14+$0x320] =	vst v58;
	v14 =	vld.idx.msk [tilespmem:v14+s26+$0x0], $0xffff  }
0xd4: {  	[tilespmem:s14+$0x330] =	vst v59;
	v13 =	vld.idx.msk [tilespmem:v13+s26+$0x0], $0xffff  }
0xd5: {  	[tilespmem:s14+$0x340] =	vst v60;
	v12 =	vld.idx.msk [tilespmem:v12+s26+$0x0], $0xffff  }
0xd6: {  	[tilespmem:s14+$0x260] =	vst v34;
	v11 =	vld.idx.msk [tilespmem:v11+s26+$0x0], $0xffff  }
0xd7: {  	[tilespmem:s14+$0x350] =	vst v61;
	v48 =	vld.idx.msk [tilespmem:v0+s24+$0x0], $0xffff  }
0xd8: {  	v10 =	vld.idx.msk [tilespmem:v10+s26+$0x0], $0xffff;
	[tilespmem:s14+$0x3F0] =	vst v15  }
0xd9: {  	v9 =	vld.idx.msk [tilespmem:v9+s26+$0x0], $0xffff;
	[tilespmem:s14+$0xFFFFFF80] =	vst v14  }
0xda: {  	v8 =	vld.idx.msk [tilespmem:v8+s26+$0x0], $0xffff;
	[tilespmem:s14+$0xFFFFFF90] =	vst v13  }
0xdb: {  	v63 =	vld.idx.msk [tilespmem:v6+s26+$0x0], $0xffff;
	[tilespmem:s14+$0xFFFFFFA0] =	vst v12  }
0xdc: {  	v7 =	vld.idx.msk [tilespmem:v7+s26+$0x0], $0xffff;
	[tilespmem:s14+$0x2E0] =	vst v48  }
0xdd: {  	[tilespmem:s14+$0xFFFFFFB0] =	vst v11;
	v62 =	vld.idx.msk [tilespmem:v0+s25+$0x0], $0xffff  }
0xde: {  	v5 =	vld.idx.msk [tilespmem:v5+s26+$0x0], $0xffff;
	[tilespmem:s14+$0xFFFFFFC0] =	vst v10  }
0xdf: {  	v6 =	vld.idx.msk [tilespmem:v4+s26+$0x0], $0xffff;
	[tilespmem:s14+$0xFFFFFFD0] =	vst v9  }
0xe0: {  	v2 =	vld.idx.msk [tilespmem:v2+s26+$0x0], $0xffff;
	[tilespmem:s14+$0xFFFFFFE0] =	vst v8  }
0xe1: {  	v3 =	vld.idx.msk [tilespmem:v3+s26+$0x0], $0xffff;
	[tilespmem:s14+$0xFFFFFFF0] =	vst v63  }
0xe2: {  	v1 =	vld.idx.msk [tilespmem:v1+s26+$0x0], $0xffff;
	[tilespmem:s14+$0x360] =	vst v62  }
0xe3: {  	s19 =	sshll.u32 s12, $0x5;
	s7 =	simm.s32 $0x0;
	s0 =	sadd.s32 $0x100, s13;
	[tilespmem:s14+$0x380] =	vst v7;
	v0 =	vld.idx.msk [tilespmem:v0+s26+$0x0], $0xffff  }
.LBB2_4:
0xe4: {  	v15 =	vld [tilespmem:s0+$0x70];
	s7 =	sadd.s32 $0x10, s7;
	[tilespmem:s14+$0x390] =	vst v5  }
0xe5: {  	v7 =	vld [tilespmem:s0+$0xFFFFFF90];
	p1 =	slt.u32 s7, $0x70;
	[tilespmem:s14+$0x3A0] =	vst v6  }
0xe6: {  	v10 =	vld [tilespmem:s0+$0xFFFFFFA0];
	[tilespmem:s14+$0x3B0] =	vst v2  }
0xe7: {  	v11 =	vld [tilespmem:s0+$0xFFFFFFB0];
	[tilespmem:s14+$0x3C0] =	vst v3  }
0xe8: {  	v12 =	vld [tilespmem:s0+$0xFFFFFFC0];
	[tilespmem:s14+$0x3D0] =	vst v1  }
0xe9: {  	v13 =	vld [tilespmem:s0+$0xFFFFFFD0];
	[tilespmem:s14+$0x3E0] =	vst v0  }
0xea: {  	v8 =	vld [tilespmem:s0+$0xFFFFFFE0]  }
0xeb: {  	v5 =	vld [tilespmem:s0+$0xFFFFFFF0]  }
0xec: {  	v4 =	vld.idx.msk [tilespmem:v15+s4+$0x0], $0xffff  }
0xed: {  	v9 =	vld [tilespmem:s0+$0x0]  }
0xee: {  	v6 =	vld [tilespmem:s0+$0x10]  }
0xef: {  	v3 =	vld [tilespmem:s0+$0x20]  }
0xf0: {  	v2 =	vld [tilespmem:s0+$0x30]  }
0xf1: {  	s14 =	sadd.s32 $0x800, s14;
	v0 =	vld [tilespmem:s0+$0x40]  }
0xf2: {  	v1 =	vld [tilespmem:s0+$0x50];
	[tilespmem:s14+$0x70] =	vst v4  }
0xf3: {  	v16 =	vld.idx.msk [tilespmem:v15+s20+$0x0], $0xffff  }
0xf4: {  	v4 =	vld [tilespmem:s0+$0x60]  }
0xf5: {  	v14 =	vld [tilespmem:s0+$0xFFFFFF80]  }
0xf6: {  	v17 =	vld.idx.msk [tilespmem:v7+s4+$0x0], $0xffff  }
0xf7: {  	v18 =	vld.idx.msk [tilespmem:v10+s4+$0x0], $0xffff  }
0xf8: {  	v19 =	vld.idx.msk [tilespmem:v11+s4+$0x0], $0xffff  }
0xf9: {  	v20 =	vld.idx.msk [tilespmem:v12+s4+$0x0], $0xffff;
	[tilespmem:s14+$0xF0] =	vst v16  }
0xfa: {  	v16 =	vld.idx.msk [tilespmem:v15+s21+$0x0], $0xffff  }
0xfb: {  	v21 =	vld.idx.msk [tilespmem:v13+s4+$0x0], $0xffff  }
0xfc: {  	[tilespmem:s14+$0xFFFFFC10] =	vst v17;
	v17 =	vld.idx.msk [tilespmem:v8+s4+$0x0], $0xffff  }
0xfd: {  	v22 =	vld.idx.msk [tilespmem:v14+s4+$0x0], $0xffff;
	[tilespmem:s14+$0xFFFFFC20] =	vst v18  }
0xfe: {  	[tilespmem:s14+$0xFFFFFC30] =	vst v19;
	v18 =	vld.idx.msk [tilespmem:v5+s4+$0x0], $0xffff  }
0xff: {  	[tilespmem:s14+$0xFFFFFC40] =	vst v20;
	v19 =	vld.idx.msk [tilespmem:v9+s4+$0x0], $0xffff  }
0x100: {  	v20 =	vld.idx.msk [tilespmem:v6+s4+$0x0], $0xffff;
	[tilespmem:s14+$0x170] =	vst v16  }
0x101: {  	[tilespmem:s14+$0xFFFFFC50] =	vst v21;
	v16 =	vld.idx.msk [tilespmem:v15+s22+$0x0], $0xffff  }
0x102: {  	[tilespmem:s14+$0xFFFFFC60] =	vst v17;
	v17 =	vld.idx.msk [tilespmem:v3+s4+$0x0], $0xffff  }
0x103: {  	[tilespmem:s14+$0xFFFFFC00] =	vst v22;
	v21 =	vld.idx.msk [tilespmem:v2+s4+$0x0], $0xffff  }
0x104: {  	[tilespmem:s14+$0xFFFFFC70] =	vst v18;
	v18 =	vld.idx.msk [tilespmem:v0+s4+$0x0], $0xffff  }
0x105: {  	[tilespmem:s14+$0x0] =	vst v19;
	v19 =	vld.idx.msk [tilespmem:v1+s4+$0x0], $0xffff  }
0x106: {  	[tilespmem:s14+$0x10] =	vst v20;
	v20 =	vld.idx.msk [tilespmem:v4+s4+$0x0], $0xffff  }
0x107: {  	v22 =	vld.idx.msk [tilespmem:v14+s20+$0x0], $0xffff;
	[tilespmem:s14+$0x1F0] =	vst v16  }
0x108: {  	[tilespmem:s14+$0x20] =	vst v17;
	v16 =	vld.idx.msk [tilespmem:v15+s23+$0x0], $0xffff  }
0x109: {  	v17 =	vld.idx.msk [tilespmem:v7+s20+$0x0], $0xffff;
	[tilespmem:s14+$0x30] =	vst v21  }
0x10a: {  	v21 =	vld.idx.msk [tilespmem:v10+s20+$0x0], $0xffff;
	[tilespmem:s14+$0x40] =	vst v18  }
0x10b: {  	v18 =	vld.idx.msk [tilespmem:v11+s20+$0x0], $0xffff;
	[tilespmem:s14+$0x50] =	vst v19  }
0x10c: {  	v19 =	vld.idx.msk [tilespmem:v12+s20+$0x0], $0xffff;
	[tilespmem:s14+$0x60] =	vst v20  }
0x10d: {  	[tilespmem:s14+$0xFFFFFC80] =	vst v22;
	v20 =	vld.idx.msk [tilespmem:v13+s20+$0x0], $0xffff  }
0x10e: {  	v22 =	vld.idx.msk [tilespmem:v8+s20+$0x0], $0xffff;
	[tilespmem:s14+$0x270] =	vst v16  }
0x10f: {  	[tilespmem:s14+$0xFFFFFC90] =	vst v17;
	v16 =	vld.idx.msk [tilespmem:v15+s24+$0x0], $0xffff  }
0x110: {  	[tilespmem:s14+$0xFFFFFCA0] =	vst v21;
	v17 =	vld.idx.msk [tilespmem:v5+s20+$0x0], $0xffff  }
0x111: {  	[tilespmem:s14+$0xFFFFFCB0] =	vst v18;
	v18 =	vld.idx.msk [tilespmem:v9+s20+$0x0], $0xffff  }
0x112: {  	[tilespmem:s14+$0xFFFFFCC0] =	vst v19;
	v19 =	vld.idx.msk [tilespmem:v6+s20+$0x0], $0xffff  }
0x113: {  	[tilespmem:s14+$0xFFFFFCD0] =	vst v20;
	v20 =	vld.idx.msk [tilespmem:v3+s20+$0x0], $0xffff  }
0x114: {  	[tilespmem:s14+$0xFFFFFCE0] =	vst v22;
	v21 =	vld.idx.msk [tilespmem:v2+s20+$0x0], $0xffff  }
0x115: {  	v22 =	vld.idx.msk [tilespmem:v0+s20+$0x0], $0xffff;
	[tilespmem:s14+$0x2F0] =	vst v16  }
0x116: {  	[tilespmem:s14+$0xFFFFFCF0] =	vst v17;
	v16 =	vld.idx.msk [tilespmem:v15+s25+$0x0], $0xffff  }
0x117: {  	[tilespmem:s14+$0x80] =	vst v18;
	v17 =	vld.idx.msk [tilespmem:v1+s20+$0x0], $0xffff  }
0x118: {  	[tilespmem:s14+$0x90] =	vst v19;
	v18 =	vld.idx.msk [tilespmem:v4+s20+$0x0], $0xffff  }
0x119: {  	v19 =	vld.idx.msk [tilespmem:v14+s21+$0x0], $0xffff;
	[tilespmem:s14+$0xA0] =	vst v20  }
0x11a: {  	v20 =	vld.idx.msk [tilespmem:v7+s21+$0x0], $0xffff;
	[tilespmem:s14+$0xB0] =	vst v21  }
0x11b: {  	v21 =	vld.idx.msk [tilespmem:v10+s21+$0x0], $0xffff;
	[tilespmem:s14+$0xC0] =	vst v22  }
0x11c: {  	v22 =	vld.idx.msk [tilespmem:v11+s21+$0x0], $0xffff;
	[tilespmem:s14+$0x370] =	vst v16  }
0x11d: {  	[tilespmem:s14+$0xD0] =	vst v17;
	v15 =	vld.idx.msk [tilespmem:v15+s26+$0x0], $0xffff  }
0x11e: {  	v16 =	vld.idx.msk [tilespmem:v12+s21+$0x0], $0xffff;
	[tilespmem:s14+$0xE0] =	vst v18  }
0x11f: {  	[tilespmem:s14+$0xFFFFFD00] =	vst v19;
	v17 =	vld.idx.msk [tilespmem:v13+s21+$0x0], $0xffff  }
0x120: {  	[tilespmem:s14+$0xFFFFFD10] =	vst v20;
	v18 =	vld.idx.msk [tilespmem:v8+s21+$0x0], $0xffff  }
0x121: {  	[tilespmem:s14+$0xFFFFFD20] =	vst v21;
	v19 =	vld.idx.msk [tilespmem:v5+s21+$0x0], $0xffff  }
0x122: {  	[tilespmem:s14+$0xFFFFFD30] =	vst v22;
	v20 =	vld.idx.msk [tilespmem:v9+s21+$0x0], $0xffff  }
0x123: {  	v21 =	vld.idx.msk [tilespmem:v6+s21+$0x0], $0xffff;
	[tilespmem:s14+$0x3F0] =	vst v15  }
0x124: {  	[tilespmem:s14+$0xFFFFFD40] =	vst v16;
	v15 =	vld.idx.msk [tilespmem:v3+s21+$0x0], $0xffff  }
0x125: {  	[tilespmem:s14+$0xFFFFFD50] =	vst v17;
	v16 =	vld.idx.msk [tilespmem:v2+s21+$0x0], $0xffff  }
0x126: {  	[tilespmem:s14+$0xFFFFFD60] =	vst v18;
	v17 =	vld.idx.msk [tilespmem:v0+s21+$0x0], $0xffff  }
0x127: {  	[tilespmem:s14+$0xFFFFFD70] =	vst v19;
	v18 =	vld.idx.msk [tilespmem:v1+s21+$0x0], $0xffff  }
0x128: {  	[tilespmem:s14+$0x100] =	vst v20;
	v19 =	vld.idx.msk [tilespmem:v4+s21+$0x0], $0xffff  }
0x129: {  	v20 =	vld.idx.msk [tilespmem:v14+s22+$0x0], $0xffff;
	[tilespmem:s14+$0x110] =	vst v21  }
0x12a: {  	v21 =	vld.idx.msk [tilespmem:v7+s22+$0x0], $0xffff;
	[tilespmem:s14+$0x120] =	vst v15  }
0x12b: {  	v15 =	vld.idx.msk [tilespmem:v10+s22+$0x0], $0xffff;
	[tilespmem:s14+$0x130] =	vst v16  }
0x12c: {  	v16 =	vld.idx.msk [tilespmem:v11+s22+$0x0], $0xffff;
	[tilespmem:s14+$0x140] =	vst v17  }
0x12d: {  	v17 =	vld.idx.msk [tilespmem:v12+s22+$0x0], $0xffff;
	[tilespmem:s14+$0x150] =	vst v18  }
0x12e: {  	v18 =	vld.idx.msk [tilespmem:v13+s22+$0x0], $0xffff;
	[tilespmem:s14+$0x160] =	vst v19  }
0x12f: {  	[tilespmem:s14+$0xFFFFFD80] =	vst v20;
	v19 =	vld.idx.msk [tilespmem:v8+s22+$0x0], $0xffff  }
0x130: {  	[tilespmem:s14+$0xFFFFFD90] =	vst v21;
	v20 =	vld.idx.msk [tilespmem:v5+s22+$0x0], $0xffff  }
0x131: {  	[tilespmem:s14+$0xFFFFFDA0] =	vst v15;
	v15 =	vld.idx.msk [tilespmem:v9+s22+$0x0], $0xffff  }
0x132: {  	[tilespmem:s14+$0xFFFFFDB0] =	vst v16;
	v16 =	vld.idx.msk [tilespmem:v6+s22+$0x0], $0xffff  }
0x133: {  	[tilespmem:s14+$0xFFFFFDC0] =	vst v17;
	v17 =	vld.idx.msk [tilespmem:v3+s22+$0x0], $0xffff  }
0x134: {  	[tilespmem:s14+$0xFFFFFDD0] =	vst v18;
	v18 =	vld.idx.msk [tilespmem:v2+s22+$0x0], $0xffff  }
0x135: {  	[tilespmem:s14+$0xFFFFFDE0] =	vst v19;
	v19 =	vld.idx.msk [tilespmem:v0+s22+$0x0], $0xffff  }
0x136: {  	[tilespmem:s14+$0xFFFFFDF0] =	vst v20;
	v20 =	vld.idx.msk [tilespmem:v1+s22+$0x0], $0xffff  }
0x137: {  	[tilespmem:s14+$0x180] =	vst v15;
	v15 =	vld.idx.msk [tilespmem:v4+s22+$0x0], $0xffff  }
0x138: {  	v21 =	vld.idx.msk [tilespmem:v14+s23+$0x0], $0xffff;
	[tilespmem:s14+$0x190] =	vst v16  }
0x139: {  	v16 =	vld.idx.msk [tilespmem:v7+s23+$0x0], $0xffff;
	[tilespmem:s14+$0x1A0] =	vst v17  }
0x13a: {  	v17 =	vld.idx.msk [tilespmem:v10+s23+$0x0], $0xffff;
	[tilespmem:s14+$0x1B0] =	vst v18  }
0x13b: {  	v18 =	vld.idx.msk [tilespmem:v11+s23+$0x0], $0xffff;
	[tilespmem:s14+$0x1C0] =	vst v19  }
0x13c: {  	v19 =	vld.idx.msk [tilespmem:v12+s23+$0x0], $0xffff;
	[tilespmem:s14+$0x1D0] =	vst v20  }
0x13d: {  	v20 =	vld.idx.msk [tilespmem:v13+s23+$0x0], $0xffff;
	[tilespmem:s14+$0x1E0] =	vst v15  }
0x13e: {  	[tilespmem:s14+$0xFFFFFE00] =	vst v21;
	v15 =	vld.idx.msk [tilespmem:v8+s23+$0x0], $0xffff  }
0x13f: {  	[tilespmem:s14+$0xFFFFFE10] =	vst v16;
	v16 =	vld.idx.msk [tilespmem:v5+s23+$0x0], $0xffff  }
0x140: {  	[tilespmem:s14+$0xFFFFFE20] =	vst v17;
	v17 =	vld.idx.msk [tilespmem:v9+s23+$0x0], $0xffff  }
0x141: {  	[tilespmem:s14+$0xFFFFFE30] =	vst v18;
	v18 =	vld.idx.msk [tilespmem:v6+s23+$0x0], $0xffff  }
0x142: {  	[tilespmem:s14+$0xFFFFFE40] =	vst v19;
	v19 =	vld.idx.msk [tilespmem:v3+s23+$0x0], $0xffff  }
0x143: {  	[tilespmem:s14+$0xFFFFFE50] =	vst v20;
	v20 =	vld.idx.msk [tilespmem:v2+s23+$0x0], $0xffff  }
0x144: {  	[tilespmem:s14+$0xFFFFFE60] =	vst v15;
	v15 =	vld.idx.msk [tilespmem:v0+s23+$0x0], $0xffff  }
0x145: {  	[tilespmem:s14+$0xFFFFFE70] =	vst v16;
	v16 =	vld.idx.msk [tilespmem:v1+s23+$0x0], $0xffff  }
0x146: {  	[tilespmem:s14+$0x200] =	vst v17;
	v17 =	vld.idx.msk [tilespmem:v4+s23+$0x0], $0xffff  }
0x147: {  	v21 =	vld.idx.msk [tilespmem:v14+s24+$0x0], $0xffff;
	[tilespmem:s14+$0x210] =	vst v18  }
0x148: {  	v18 =	vld.idx.msk [tilespmem:v7+s24+$0x0], $0xffff;
	[tilespmem:s14+$0x220] =	vst v19  }
0x149: {  	v19 =	vld.idx.msk [tilespmem:v10+s24+$0x0], $0xffff;
	[tilespmem:s14+$0x230] =	vst v20  }
0x14a: {  	v20 =	vld.idx.msk [tilespmem:v11+s24+$0x0], $0xffff;
	[tilespmem:s14+$0x240] =	vst v15  }
0x14b: {  	v15 =	vld.idx.msk [tilespmem:v12+s24+$0x0], $0xffff;
	[tilespmem:s14+$0x250] =	vst v16  }
0x14c: {  	v16 =	vld.idx.msk [tilespmem:v13+s24+$0x0], $0xffff;
	[tilespmem:s14+$0x260] =	vst v17  }
0x14d: {  	[tilespmem:s14+$0xFFFFFE80] =	vst v21;
	v17 =	vld.idx.msk [tilespmem:v8+s24+$0x0], $0xffff  }
0x14e: {  	[tilespmem:s14+$0xFFFFFE90] =	vst v18;
	v18 =	vld.idx.msk [tilespmem:v5+s24+$0x0], $0xffff  }
0x14f: {  	[tilespmem:s14+$0xFFFFFEA0] =	vst v19;
	v19 =	vld.idx.msk [tilespmem:v9+s24+$0x0], $0xffff  }
0x150: {  	[tilespmem:s14+$0xFFFFFEB0] =	vst v20;
	v20 =	vld.idx.msk [tilespmem:v6+s24+$0x0], $0xffff  }
0x151: {  	[tilespmem:s14+$0xFFFFFEC0] =	vst v15;
	v15 =	vld.idx.msk [tilespmem:v3+s24+$0x0], $0xffff  }
0x152: {  	[tilespmem:s14+$0xFFFFFED0] =	vst v16;
	v16 =	vld.idx.msk [tilespmem:v2+s24+$0x0], $0xffff  }
0x153: {  	[tilespmem:s14+$0xFFFFFEE0] =	vst v17;
	v17 =	vld.idx.msk [tilespmem:v0+s24+$0x0], $0xffff  }
0x154: {  	[tilespmem:s14+$0xFFFFFEF0] =	vst v18;
	v18 =	vld.idx.msk [tilespmem:v1+s24+$0x0], $0xffff  }
0x155: {  	[tilespmem:s14+$0x280] =	vst v19;
	v19 =	vld.idx.msk [tilespmem:v4+s24+$0x0], $0xffff  }
0x156: {  	v21 =	vld.idx.msk [tilespmem:v14+s25+$0x0], $0xffff;
	[tilespmem:s14+$0x290] =	vst v20  }
0x157: {  	v20 =	vld.idx.msk [tilespmem:v7+s25+$0x0], $0xffff;
	[tilespmem:s14+$0x2A0] =	vst v15  }
0x158: {  	v15 =	vld.idx.msk [tilespmem:v10+s25+$0x0], $0xffff;
	[tilespmem:s14+$0x2B0] =	vst v16  }
0x159: {  	v16 =	vld.idx.msk [tilespmem:v11+s25+$0x0], $0xffff;
	[tilespmem:s14+$0x2C0] =	vst v17  }
0x15a: {  	v17 =	vld.idx.msk [tilespmem:v12+s25+$0x0], $0xffff;
	[tilespmem:s14+$0x2D0] =	vst v18  }
0x15b: {  	v18 =	vld.idx.msk [tilespmem:v13+s25+$0x0], $0xffff;
	[tilespmem:s14+$0x2E0] =	vst v19  }
0x15c: {  	[tilespmem:s14+$0xFFFFFF00] =	vst v21;
	v19 =	vld.idx.msk [tilespmem:v8+s25+$0x0], $0xffff  }
0x15d: {  	[tilespmem:s14+$0xFFFFFF10] =	vst v20;
	v20 =	vld.idx.msk [tilespmem:v5+s25+$0x0], $0xffff  }
0x15e: {  	[tilespmem:s14+$0xFFFFFF20] =	vst v15;
	v15 =	vld.idx.msk [tilespmem:v9+s25+$0x0], $0xffff  }
0x15f: {  	[tilespmem:s14+$0xFFFFFF30] =	vst v16;
	v16 =	vld.idx.msk [tilespmem:v6+s25+$0x0], $0xffff  }
0x160: {  	[tilespmem:s14+$0xFFFFFF40] =	vst v17;
	v17 =	vld.idx.msk [tilespmem:v3+s25+$0x0], $0xffff  }
0x161: {  	[tilespmem:s14+$0xFFFFFF50] =	vst v18;
	v18 =	vld.idx.msk [tilespmem:v2+s25+$0x0], $0xffff  }
0x162: {  	[tilespmem:s14+$0xFFFFFF60] =	vst v19;
	v19 =	vld.idx.msk [tilespmem:v0+s25+$0x0], $0xffff  }
0x163: {  	[tilespmem:s14+$0xFFFFFF70] =	vst v20;
	v20 =	vld.idx.msk [tilespmem:v1+s25+$0x0], $0xffff  }
0x164: {  	[tilespmem:s14+$0x300] =	vst v15;
	v15 =	vld.idx.msk [tilespmem:v4+s25+$0x0], $0xffff  }
0x165: {  	v14 =	vld.idx.msk [tilespmem:v14+s26+$0x0], $0xffff;
	[tilespmem:s14+$0x310] =	vst v16  }
0x166: {  	v7 =	vld.idx.msk [tilespmem:v7+s26+$0x0], $0xffff;
	[tilespmem:s14+$0x320] =	vst v17  }
0x167: {  	v10 =	vld.idx.msk [tilespmem:v10+s26+$0x0], $0xffff;
	[tilespmem:s14+$0x330] =	vst v18  }
0x168: {  	v11 =	vld.idx.msk [tilespmem:v11+s26+$0x0], $0xffff;
	[tilespmem:s14+$0x340] =	vst v19  }
0x169: {  	v12 =	vld.idx.msk [tilespmem:v12+s26+$0x0], $0xffff;
	[tilespmem:s14+$0x350] =	vst v20  }
0x16a: {  	v13 =	vld.idx.msk [tilespmem:v13+s26+$0x0], $0xffff;
	[tilespmem:s14+$0x360] =	vst v15  }
0x16b: {  	[tilespmem:s14+$0xFFFFFF80] =	vst v14;
	v8 =	vld.idx.msk [tilespmem:v8+s26+$0x0], $0xffff  }
0x16c: {  	[tilespmem:s14+$0xFFFFFF90] =	vst v7;
	v7 =	vld.idx.msk [tilespmem:v5+s26+$0x0], $0xffff  }
0x16d: {  	[tilespmem:s14+$0xFFFFFFA0] =	vst v10;
	v9 =	vld.idx.msk [tilespmem:v9+s26+$0x0], $0xffff  }
0x16e: {  	[tilespmem:s14+$0xFFFFFFB0] =	vst v11;
	v5 =	vld.idx.msk [tilespmem:v6+s26+$0x0], $0xffff  }
.Ltmp0:
0x16f: {  	[tilespmem:s14+$0xFFFFFFC0] =	vst v12;
	v6 =	vld.idx.msk [tilespmem:v3+s26+$0x0], $0xffff;
	(pc) =	sbr.rel @p1 .LBB2_4-.Ltmp0, $4  }
0x170: {  	[tilespmem:s14+$0xFFFFFFD0] =	vst v13;
	v2 =	vld.idx.msk [tilespmem:v2+s26+$0x0], $0xffff  }
0x171: {  	[tilespmem:s14+$0xFFFFFFE0] =	vst v8;
	v3 =	vld.idx.msk [tilespmem:v0+s26+$0x0], $0xffff  }
0x172: {  	[tilespmem:s14+$0xFFFFFFF0] =	vst v7;
	v1 =	vld.idx.msk [tilespmem:v1+s26+$0x0], $0xffff  }
0x173: {  	s0 =	sadd.s32 $0x100, s0;
	[tilespmem:s14+$0x380] =	vst v9;
	v0 =	vld.idx.msk [tilespmem:v4+s26+$0x0], $0xffff  }
0x174: {  	[tilespmem:s14+$0x390] =	vst v5  }
0x175: {  	[tilespmem:s14+$0x3A0] =	vst v6  }
0x176: {  	s0 =	sshll.u32 s12, $0xF;
	[tilespmem:s14+$0x3B0] =	vst v2  }
0x177: {  	s0 =	sadd.s32 s11, s0;
	[tilespmem:s14+$0x3C0] =	vst v3  }
0x178: {  	s0 =	sshrl.u32 s0, $0x3;
	[tilespmem:s14+$0x3D0] =	vst v1  }
0x179: {  	s0 =	sadd.s32 s3, s0;
	[tilespmem:s14+$0x3E0] =	vst v0  }
0x17a: {  	[hbm4b:s0+s4] =	stream.linear.scatter [tilespmem:s30], [sflag:$0x4], $0x4000, $0x38;
	[tilespmem:$0x19C40] =	vst v63  }
0x17b: {  	s0 =	simm.s32 @!p0 $0x5  }
0x17c: {  	_ =	swait.ge @!p0 [sflag:s0], $0x4000  }
0x17d: {  	[sflag:s0] =	ssyncset.done @!p0 $0x0  }
0x17e: {  	[sflag:s0] =	ssyncadd.s32 @!p0 $0xFFFFC000  }
0x17f: {  	v15 =	vld [tilespmem:s15+$0x0]  }
0x180: {  	v13 =	vld [tilespmem:s15+$0xFFFFFF20]  }
0x181: {  	v12 =	vld [tilespmem:s15+$0xFFFFFF30]  }
0x182: {  	v11 =	vld [tilespmem:s15+$0xFFFFFF40]  }
0x183: {  	v10 =	vld [tilespmem:s15+$0xFFFFFF50]  }
0x184: {  	v9 =	vld [tilespmem:s15+$0xFFFFFF60]  }
0x185: {  	v8 =	vld [tilespmem:s15+$0xFFFFFF70]  }
0x186: {  	v6 =	vld [tilespmem:s15+$0xFFFFFF80]  }
0x187: {  	v7 =	vld [tilespmem:s15+$0xFFFFFF90]  }
0x188: {  	v5 =	vld [tilespmem:s15+$0xFFFFFFA0]  }
0x189: {  	v4 =	vld [tilespmem:s15+$0xFFFFFFB0]  }
0x18a: {  	v2 =	vld [tilespmem:s15+$0xFFFFFFC0]  }
0x18b: {  	v3 =	vld [tilespmem:s15+$0xFFFFFFD0]  }
0x18c: {  	v1 =	vld [tilespmem:s15+$0xFFFFFFE0]  }
0x18d: {  	v14 =	vld [tilespmem:s15+$0xFFFFFF10]  }
0x18e: {  	v0 =	vld.idx.msk [tilespmem:v15+s4+$0x0], $0xffff  }
0x18f: {  	v17 =	vld.idx.msk [tilespmem:v13+s4+$0x0], $0xffff  }
0x190: {  	v18 =	vld.idx.msk [tilespmem:v12+s4+$0x0], $0xffff  }
0x191: {  	v19 =	vld.idx.msk [tilespmem:v11+s4+$0x0], $0xffff  }
0x192: {  	v20 =	vld.idx.msk [tilespmem:v10+s4+$0x0], $0xffff  }
0x193: {  	v21 =	vld.idx.msk [tilespmem:v9+s4+$0x0], $0xffff  }
0x194: {  	s14 =	simm.s32 $0x16430;
	v47 =	vld.idx.msk [tilespmem:v8+s4+$0x0], $0xffff  }
0x195: {  	v22 =	vld.idx.msk [tilespmem:v14+s4+$0x0], $0xffff;
	[tilespmem:s14+$0xFFFFFC80] =	vst v0  }
0x196: {  	v48 =	vld.idx.msk [tilespmem:v6+s4+$0x0], $0xffff;
	[tilespmem:s14+$0xFFFFF820] =	vst v17  }
0x197: {  	v49 =	vld.idx.msk [tilespmem:v7+s4+$0x0], $0xffff;
	[tilespmem:s14+$0xFFFFF830] =	vst v18  }
0x198: {  	v50 =	vld.idx.msk [tilespmem:v5+s4+$0x0], $0xffff;
	[tilespmem:s14+$0xFFFFF840] =	vst v19  }
0x199: {  	v51 =	vld.idx.msk [tilespmem:v4+s4+$0x0], $0xffff;
	[tilespmem:s14+$0xFFFFF850] =	vst v20  }
0x19a: {  	v52 =	vld.idx.msk [tilespmem:v2+s4+$0x0], $0xffff;
	[tilespmem:s14+$0xFFFFF860] =	vst v21  }
0x19b: {  	v53 =	vld.idx.msk [tilespmem:v3+s4+$0x0], $0xffff;
	[tilespmem:s14+$0xFFFFF870] =	vst v47  }
0x19c: {  	v54 =	vld.idx.msk [tilespmem:v1+s4+$0x0], $0xffff;
	[tilespmem:s14+$0xFFFFF810] =	vst v22  }
0x19d: {  	v0 =	vld [tilespmem:s15+$0xFFFFFFF0];
	[tilespmem:s14+$0xFFFFF880] =	vst v48  }
0x19e: {  	[tilespmem:s14+$0xFFFFFC10] =	vst v49;
	v16 =	vld.idx.msk [tilespmem:v15+s20+$0x0], $0xffff  }
0x19f: {  	[tilespmem:s14+$0xFFFFFC20] =	vst v50;
	v22 =	vld.idx.msk [tilespmem:v14+s20+$0x0], $0xffff  }
0x1a0: {  	[tilespmem:s14+$0xFFFFFC30] =	vst v51;
	v56 =	vld.idx.msk [tilespmem:v13+s20+$0x0], $0xffff  }
0x1a1: {  	[tilespmem:s14+$0xFFFFFC40] =	vst v52;
	v57 =	vld.idx.msk [tilespmem:v12+s20+$0x0], $0xffff  }
0x1a2: {  	[tilespmem:s14+$0xFFFFFC50] =	vst v53;
	v58 =	vld.idx.msk [tilespmem:v11+s20+$0x0], $0xffff  }
0x1a3: {  	[tilespmem:s14+$0xFFFFFC60] =	vst v54;
	v59 =	vld.idx.msk [tilespmem:v10+s20+$0x0], $0xffff  }
0x1a4: {  	v60 =	vld.idx.msk [tilespmem:v9+s20+$0x0], $0xffff;
	[tilespmem:s14+$0xFFFFFD00] =	vst v16  }
0x1a5: {  	v61 =	vld.idx.msk [tilespmem:v8+s20+$0x0], $0xffff;
	[tilespmem:s14+$0xFFFFF890] =	vst v22  }
0x1a6: {  	v62 =	vld.idx.msk [tilespmem:v6+s20+$0x0], $0xffff;
	[tilespmem:s14+$0xFFFFF8A0] =	vst v56  }
0x1a7: {  	v63 =	vld.idx.msk [tilespmem:v7+s20+$0x0], $0xffff;
	[tilespmem:s14+$0xFFFFF8B0] =	vst v57  }
0x1a8: {  	v24 =	vld.idx.msk [tilespmem:v5+s20+$0x0], $0xffff;
	[tilespmem:s14+$0xFFFFF8C0] =	vst v58  }
0x1a9: {  	v25 =	vld.idx.msk [tilespmem:v4+s20+$0x0], $0xffff;
	[tilespmem:s14+$0xFFFFF8D0] =	vst v59  }
0x1aa: {  	v26 =	vld.idx.msk [tilespmem:v2+s20+$0x0], $0xffff;
	[tilespmem:s14+$0xFFFFF8E0] =	vst v60  }
0x1ab: {  	v27 =	vld.idx.msk [tilespmem:v3+s20+$0x0], $0xffff;
	[tilespmem:s14+$0xFFFFF8F0] =	vst v61  }
0x1ac: {  	v28 =	vld.idx.msk [tilespmem:v1+s20+$0x0], $0xffff;
	[tilespmem:s14+$0xFFFFF900] =	vst v62  }
0x1ad: {  	[tilespmem:s14+$0xFFFFFC90] =	vst v63;
	v16 =	vld.idx.msk [tilespmem:v15+s21+$0x0], $0xffff  }
0x1ae: {  	[tilespmem:s14+$0xFFFFFCA0] =	vst v24;
	v30 =	vld.idx.msk [tilespmem:v14+s21+$0x0], $0xffff  }
0x1af: {  	[tilespmem:s14+$0xFFFFFCB0] =	vst v25;
	v31 =	vld.idx.msk [tilespmem:v13+s21+$0x0], $0xffff  }
0x1b0: {  	[tilespmem:s14+$0xFFFFFCC0] =	vst v26;
	v32 =	vld.idx.msk [tilespmem:v12+s21+$0x0], $0xffff  }
0x1b1: {  	[tilespmem:s14+$0xFFFFFCD0] =	vst v27;
	v33 =	vld.idx.msk [tilespmem:v11+s21+$0x0], $0xffff  }
0x1b2: {  	[tilespmem:s14+$0xFFFFFCE0] =	vst v28;
	v34 =	vld.idx.msk [tilespmem:v10+s21+$0x0], $0xffff  }
0x1b3: {  	v35 =	vld.idx.msk [tilespmem:v9+s21+$0x0], $0xffff;
	[tilespmem:s14+$0xFFFFFD80] =	vst v16  }
0x1b4: {  	v36 =	vld.idx.msk [tilespmem:v8+s21+$0x0], $0xffff;
	[tilespmem:s14+$0xFFFFF910] =	vst v30  }
0x1b5: {  	v37 =	vld.idx.msk [tilespmem:v6+s21+$0x0], $0xffff;
	[tilespmem:s14+$0xFFFFF920] =	vst v31  }
0x1b6: {  	v38 =	vld.idx.msk [tilespmem:v7+s21+$0x0], $0xffff;
	[tilespmem:s14+$0xFFFFF930] =	vst v32  }
0x1b7: {  	v39 =	vld.idx.msk [tilespmem:v5+s21+$0x0], $0xffff;
	[tilespmem:s14+$0xFFFFF940] =	vst v33  }
0x1b8: {  	v40 =	vld.idx.msk [tilespmem:v4+s21+$0x0], $0xffff;
	[tilespmem:s14+$0xFFFFF950] =	vst v34  }
0x1b9: {  	v41 =	vld.idx.msk [tilespmem:v2+s21+$0x0], $0xffff;
	[tilespmem:s14+$0xFFFFF960] =	vst v35  }
0x1ba: {  	v42 =	vld.idx.msk [tilespmem:v3+s21+$0x0], $0xffff;
	[tilespmem:s14+$0xFFFFF970] =	vst v36  }
0x1bb: {  	v43 =	vld.idx.msk [tilespmem:v1+s21+$0x0], $0xffff;
	[tilespmem:s14+$0xFFFFF980] =	vst v37  }
0x1bc: {  	v55 =	vld.idx.msk [tilespmem:v0+s4+$0x0], $0xffff;
	[tilespmem:s14+$0xFFFFFD10] =	vst v38  }
0x1bd: {  	[tilespmem:s14+$0xFFFFFD20] =	vst v39;
	v16 =	vld.idx.msk [tilespmem:v15+s22+$0x0], $0xffff  }
0x1be: {  	[tilespmem:s14+$0xFFFFFD30] =	vst v40;
	v45 =	vld.idx.msk [tilespmem:v14+s22+$0x0], $0xffff  }
0x1bf: {  	[tilespmem:s14+$0xFFFFFD40] =	vst v41;
	v46 =	vld.idx.msk [tilespmem:v13+s22+$0x0], $0xffff  }
0x1c0: {  	[tilespmem:s14+$0xFFFFFD50] =	vst v42;
	v47 =	vld.idx.msk [tilespmem:v12+s22+$0x0], $0xffff  }
0x1c1: {  	[tilespmem:s14+$0xFFFFFD60] =	vst v43;
	v48 =	vld.idx.msk [tilespmem:v11+s22+$0x0], $0xffff  }
0x1c2: {  	[tilespmem:s14+$0xFFFFFC70] =	vst v55;
	v49 =	vld.idx.msk [tilespmem:v10+s22+$0x0], $0xffff  }
0x1c3: {  	v50 =	vld.idx.msk [tilespmem:v9+s22+$0x0], $0xffff;
	[tilespmem:s14+$0xFFFFFE00] =	vst v16  }
0x1c4: {  	v51 =	vld.idx.msk [tilespmem:v8+s22+$0x0], $0xffff;
	[tilespmem:s14+$0xFFFFF990] =	vst v45  }
0x1c5: {  	v52 =	vld.idx.msk [tilespmem:v6+s22+$0x0], $0xffff;
	[tilespmem:s14+$0xFFFFF9A0] =	vst v46  }
0x1c6: {  	v53 =	vld.idx.msk [tilespmem:v7+s22+$0x0], $0xffff;
	[tilespmem:s14+$0xFFFFF9B0] =	vst v47  }
0x1c7: {  	v54 =	vld.idx.msk [tilespmem:v5+s22+$0x0], $0xffff;
	[tilespmem:s14+$0xFFFFF9C0] =	vst v48  }
0x1c8: {  	v55 =	vld.idx.msk [tilespmem:v4+s22+$0x0], $0xffff;
	[tilespmem:s14+$0xFFFFF9D0] =	vst v49  }
0x1c9: {  	v56 =	vld.idx.msk [tilespmem:v2+s22+$0x0], $0xffff;
	[tilespmem:s14+$0xFFFFF9E0] =	vst v50  }
0x1ca: {  	v57 =	vld.idx.msk [tilespmem:v3+s22+$0x0], $0xffff;
	[tilespmem:s14+$0xFFFFF9F0] =	vst v51  }
0x1cb: {  	v58 =	vld.idx.msk [tilespmem:v1+s22+$0x0], $0xffff;
	[tilespmem:s14+$0xFFFFFA00] =	vst v52  }
0x1cc: {  	v29 =	vld.idx.msk [tilespmem:v0+s20+$0x0], $0xffff;
	[tilespmem:s14+$0xFFFFFD90] =	vst v53  }
0x1cd: {  	[tilespmem:s14+$0xFFFFFDA0] =	vst v54;
	v16 =	vld.idx.msk [tilespmem:v15+s23+$0x0], $0xffff  }
0x1ce: {  	[tilespmem:s14+$0xFFFFFDB0] =	vst v55;
	v60 =	vld.idx.msk [tilespmem:v14+s23+$0x0], $0xffff  }
0x1cf: {  	[tilespmem:s14+$0xFFFFFDC0] =	vst v56;
	v61 =	vld.idx.msk [tilespmem:v13+s23+$0x0], $0xffff  }
0x1d0: {  	[tilespmem:s14+$0xFFFFFDD0] =	vst v57;
	v62 =	vld.idx.msk [tilespmem:v12+s23+$0x0], $0xffff  }
0x1d1: {  	[tilespmem:s14+$0xFFFFFDE0] =	vst v58;
	v63 =	vld.idx.msk [tilespmem:v11+s23+$0x0], $0xffff  }
0x1d2: {  	[tilespmem:s14+$0xFFFFFCF0] =	vst v29;
	v24 =	vld.idx.msk [tilespmem:v10+s23+$0x0], $0xffff  }
0x1d3: {  	v25 =	vld.idx.msk [tilespmem:v9+s23+$0x0], $0xffff;
	[tilespmem:s14+$0xFFFFFE80] =	vst v16  }
0x1d4: {  	v26 =	vld.idx.msk [tilespmem:v8+s23+$0x0], $0xffff;
	[tilespmem:s14+$0xFFFFFA10] =	vst v60  }
0x1d5: {  	v27 =	vld.idx.msk [tilespmem:v6+s23+$0x0], $0xffff;
	[tilespmem:s14+$0xFFFFFA20] =	vst v61  }
0x1d6: {  	v28 =	vld.idx.msk [tilespmem:v7+s23+$0x0], $0xffff;
	[tilespmem:s14+$0xFFFFFA30] =	vst v62  }
0x1d7: {  	v29 =	vld.idx.msk [tilespmem:v5+s23+$0x0], $0xffff;
	[tilespmem:s14+$0xFFFFFA40] =	vst v63  }
0x1d8: {  	v30 =	vld.idx.msk [tilespmem:v4+s23+$0x0], $0xffff;
	[tilespmem:s14+$0xFFFFFA50] =	vst v24  }
0x1d9: {  	v31 =	vld.idx.msk [tilespmem:v2+s23+$0x0], $0xffff;
	[tilespmem:s14+$0xFFFFFA60] =	vst v25  }
0x1da: {  	v32 =	vld.idx.msk [tilespmem:v3+s23+$0x0], $0xffff;
	[tilespmem:s14+$0xFFFFFA70] =	vst v26  }
0x1db: {  	v33 =	vld.idx.msk [tilespmem:v1+s23+$0x0], $0xffff;
	[tilespmem:s14+$0xFFFFFA80] =	vst v27  }
0x1dc: {  	v44 =	vld.idx.msk [tilespmem:v0+s21+$0x0], $0xffff;
	[tilespmem:s14+$0xFFFFFE10] =	vst v28  }
0x1dd: {  	[tilespmem:s14+$0xFFFFFE20] =	vst v29;
	v16 =	vld.idx.msk [tilespmem:v15+s24+$0x0], $0xffff  }
0x1de: {  	[tilespmem:s14+$0xFFFFFE30] =	vst v30;
	v21 =	vld.idx.msk [tilespmem:v14+s24+$0x0], $0xffff  }
0x1df: {  	[tilespmem:s14+$0xFFFFFE40] =	vst v31;
	v35 =	vld.idx.msk [tilespmem:v13+s24+$0x0], $0xffff  }
0x1e0: {  	[tilespmem:s14+$0xFFFFFE50] =	vst v32;
	v36 =	vld.idx.msk [tilespmem:v12+s24+$0x0], $0xffff  }
0x1e1: {  	[tilespmem:s14+$0xFFFFFE60] =	vst v33;
	v37 =	vld.idx.msk [tilespmem:v11+s24+$0x0], $0xffff  }
0x1e2: {  	[tilespmem:s14+$0xFFFFFD70] =	vst v44;
	v38 =	vld.idx.msk [tilespmem:v10+s24+$0x0], $0xffff  }
0x1e3: {  	v39 =	vld.idx.msk [tilespmem:v9+s24+$0x0], $0xffff;
	[tilespmem:s14+$0xFFFFFF00] =	vst v16  }
0x1e4: {  	v40 =	vld.idx.msk [tilespmem:v8+s24+$0x0], $0xffff;
	[tilespmem:s14+$0xFFFFFA90] =	vst v21  }
0x1e5: {  	v41 =	vld.idx.msk [tilespmem:v6+s24+$0x0], $0xffff;
	[tilespmem:s14+$0xFFFFFAA0] =	vst v35  }
0x1e6: {  	v42 =	vld.idx.msk [tilespmem:v7+s24+$0x0], $0xffff;
	[tilespmem:s14+$0xFFFFFAB0] =	vst v36  }
0x1e7: {  	v43 =	vld.idx.msk [tilespmem:v5+s24+$0x0], $0xffff;
	[tilespmem:s14+$0xFFFFFAC0] =	vst v37  }
0x1e8: {  	v44 =	vld.idx.msk [tilespmem:v4+s24+$0x0], $0xffff;
	[tilespmem:s14+$0xFFFFFAD0] =	vst v38  }
0x1e9: {  	v45 =	vld.idx.msk [tilespmem:v2+s24+$0x0], $0xffff;
	[tilespmem:s14+$0xFFFFFAE0] =	vst v39  }
0x1ea: {  	v46 =	vld.idx.msk [tilespmem:v3+s24+$0x0], $0xffff;
	[tilespmem:s14+$0xFFFFFAF0] =	vst v40  }
0x1eb: {  	v47 =	vld.idx.msk [tilespmem:v1+s24+$0x0], $0xffff;
	[tilespmem:s14+$0xFFFFFB00] =	vst v41  }
0x1ec: {  	v59 =	vld.idx.msk [tilespmem:v0+s22+$0x0], $0xffff;
	[tilespmem:s14+$0xFFFFFE90] =	vst v42  }
0x1ed: {  	[tilespmem:s14+$0xFFFFFEA0] =	vst v43;
	v16 =	vld.idx.msk [tilespmem:v15+s25+$0x0], $0xffff  }
0x1ee: {  	[tilespmem:s14+$0xFFFFFEB0] =	vst v44;
	v21 =	vld.idx.msk [tilespmem:v14+s25+$0x0], $0xffff  }
0x1ef: {  	[tilespmem:s14+$0xFFFFFEC0] =	vst v45;
	v49 =	vld.idx.msk [tilespmem:v13+s25+$0x0], $0xffff  }
0x1f0: {  	[tilespmem:s14+$0xFFFFFED0] =	vst v46;
	v50 =	vld.idx.msk [tilespmem:v12+s25+$0x0], $0xffff  }
0x1f1: {  	[tilespmem:s14+$0xFFFFFEE0] =	vst v47;
	v51 =	vld.idx.msk [tilespmem:v11+s25+$0x0], $0xffff  }
0x1f2: {  	[tilespmem:s14+$0xFFFFFDF0] =	vst v59;
	v52 =	vld.idx.msk [tilespmem:v10+s25+$0x0], $0xffff  }
0x1f3: {  	v53 =	vld.idx.msk [tilespmem:v9+s25+$0x0], $0xffff;
	[tilespmem:s14+$0xFFFFFF80] =	vst v16  }
0x1f4: {  	v54 =	vld.idx.msk [tilespmem:v8+s25+$0x0], $0xffff;
	[tilespmem:s14+$0xFFFFFB10] =	vst v21  }
0x1f5: {  	v55 =	vld.idx.msk [tilespmem:v6+s25+$0x0], $0xffff;
	[tilespmem:s14+$0xFFFFFB20] =	vst v49  }
0x1f6: {  	v56 =	vld.idx.msk [tilespmem:v7+s25+$0x0], $0xffff;
	[tilespmem:s14+$0xFFFFFB30] =	vst v50  }
0x1f7: {  	v57 =	vld.idx.msk [tilespmem:v5+s25+$0x0], $0xffff;
	[tilespmem:s14+$0xFFFFFB40] =	vst v51  }
0x1f8: {  	v58 =	vld.idx.msk [tilespmem:v4+s25+$0x0], $0xffff;
	[tilespmem:s14+$0xFFFFFB50] =	vst v52  }
0x1f9: {  	v59 =	vld.idx.msk [tilespmem:v2+s25+$0x0], $0xffff;
	[tilespmem:s14+$0xFFFFFB60] =	vst v53  }
0x1fa: {  	v60 =	vld.idx.msk [tilespmem:v3+s25+$0x0], $0xffff;
	[tilespmem:s14+$0xFFFFFB70] =	vst v54  }
0x1fb: {  	v61 =	vld.idx.msk [tilespmem:v1+s25+$0x0], $0xffff;
	[tilespmem:s14+$0xFFFFFB80] =	vst v55  }
0x1fc: {  	v34 =	vld.idx.msk [tilespmem:v0+s23+$0x0], $0xffff;
	[tilespmem:s14+$0xFFFFFF10] =	vst v56  }
0x1fd: {  	[tilespmem:s14+$0xFFFFFF20] =	vst v57;
	v15 =	vld.idx.msk [tilespmem:v15+s26+$0x0], $0xffff  }
0x1fe: {  	[tilespmem:s14+$0xFFFFFF30] =	vst v58;
	v14 =	vld.idx.msk [tilespmem:v14+s26+$0x0], $0xffff  }
0x1ff: {  	[tilespmem:s14+$0xFFFFFF40] =	vst v59;
	v13 =	vld.idx.msk [tilespmem:v13+s26+$0x0], $0xffff  }
0x200: {  	[tilespmem:s14+$0xFFFFFF50] =	vst v60;
	v12 =	vld.idx.msk [tilespmem:v12+s26+$0x0], $0xffff  }
0x201: {  	[tilespmem:s14+$0xFFFFFE70] =	vst v34;
	v11 =	vld.idx.msk [tilespmem:v11+s26+$0x0], $0xffff  }
0x202: {  	[tilespmem:s14+$0xFFFFFF60] =	vst v61;
	v48 =	vld.idx.msk [tilespmem:v0+s24+$0x0], $0xffff  }
0x203: {  	v10 =	vld.idx.msk [tilespmem:v10+s26+$0x0], $0xffff;
	[tilespmem:s14+$0x0] =	vst v15  }
0x204: {  	v9 =	vld.idx.msk [tilespmem:v9+s26+$0x0], $0xffff;
	[tilespmem:s14+$0xFFFFFB90] =	vst v14  }
0x205: {  	v8 =	vld.idx.msk [tilespmem:v8+s26+$0x0], $0xffff;
	[tilespmem:s14+$0xFFFFFBA0] =	vst v13  }
0x206: {  	v63 =	vld.idx.msk [tilespmem:v6+s26+$0x0], $0xffff;
	[tilespmem:s14+$0xFFFFFBB0] =	vst v12  }
0x207: {  	v7 =	vld.idx.msk [tilespmem:v7+s26+$0x0], $0xffff;
	[tilespmem:s14+$0xFFFFFEF0] =	vst v48  }
0x208: {  	[tilespmem:s14+$0xFFFFFBC0] =	vst v11;
	v62 =	vld.idx.msk [tilespmem:v0+s25+$0x0], $0xffff  }
0x209: {  	v5 =	vld.idx.msk [tilespmem:v5+s26+$0x0], $0xffff;
	[tilespmem:s14+$0xFFFFFBD0] =	vst v10  }
0x20a: {  	v6 =	vld.idx.msk [tilespmem:v4+s26+$0x0], $0xffff;
	[tilespmem:s14+$0xFFFFFBE0] =	vst v9  }
0x20b: {  	v2 =	vld.idx.msk [tilespmem:v2+s26+$0x0], $0xffff;
	[tilespmem:s14+$0xFFFFFBF0] =	vst v8  }
0x20c: {  	v3 =	vld.idx.msk [tilespmem:v3+s26+$0x0], $0xffff;
	[tilespmem:s14+$0xFFFFFC00] =	vst v63  }
0x20d: {  	v1 =	vld.idx.msk [tilespmem:v1+s26+$0x0], $0xffff;
	[tilespmem:s14+$0xFFFFFF70] =	vst v62  }
0x20e: {  	s19 =	sor.u32 $0x10, s19;
	s7 =	simm.s32 $0x0;
	s0 =	sadd.s32 $0x100, s15;
	[tilespmem:s14+$0xFFFFFF90] =	vst v7;
	v0 =	vld.idx.msk [tilespmem:v0+s26+$0x0], $0xffff  }
.LBB2_6:
0x20f: {  	v15 =	vld [tilespmem:s0+$0x0];
	s7 =	sadd.s32 $0x10, s7;
	[tilespmem:s14+$0xFFFFFFA0] =	vst v5  }
0x210: {  	v7 =	vld [tilespmem:s0+$0xFFFFFF20];
	p0 =	slt.u32 s7, $0x70;
	[tilespmem:s14+$0xFFFFFFB0] =	vst v6  }
0x211: {  	v10 =	vld [tilespmem:s0+$0xFFFFFF30];
	[tilespmem:s14+$0xFFFFFFC0] =	vst v2  }
0x212: {  	v11 =	vld [tilespmem:s0+$0xFFFFFF40];
	[tilespmem:s14+$0xFFFFFFD0] =	vst v3  }
0x213: {  	v12 =	vld [tilespmem:s0+$0xFFFFFF50];
	[tilespmem:s14+$0xFFFFFFE0] =	vst v1  }
0x214: {  	v13 =	vld [tilespmem:s0+$0xFFFFFF60];
	[tilespmem:s14+$0xFFFFFFF0] =	vst v0  }
0x215: {  	v8 =	vld [tilespmem:s0+$0xFFFFFF70]  }
0x216: {  	v5 =	vld [tilespmem:s0+$0xFFFFFF80]  }
0x217: {  	v4 =	vld.idx.msk [tilespmem:v15+s4+$0x0], $0xffff  }
0x218: {  	v9 =	vld [tilespmem:s0+$0xFFFFFF90]  }
0x219: {  	v6 =	vld [tilespmem:s0+$0xFFFFFFA0]  }
0x21a: {  	v3 =	vld [tilespmem:s0+$0xFFFFFFB0]  }
0x21b: {  	v2 =	vld [tilespmem:s0+$0xFFFFFFC0]  }
0x21c: {  	s14 =	sadd.s32 $0x800, s14;
	v0 =	vld [tilespmem:s0+$0xFFFFFFD0]  }
0x21d: {  	v1 =	vld [tilespmem:s0+$0xFFFFFFE0];
	[tilespmem:s14+$0xFFFFFC80] =	vst v4  }
0x21e: {  	v16 =	vld.idx.msk [tilespmem:v15+s20+$0x0], $0xffff  }
0x21f: {  	v4 =	vld [tilespmem:s0+$0xFFFFFFF0]  }
0x220: {  	v14 =	vld [tilespmem:s0+$0xFFFFFF10]  }
0x221: {  	v17 =	vld.idx.msk [tilespmem:v7+s4+$0x0], $0xffff  }
0x222: {  	v18 =	vld.idx.msk [tilespmem:v10+s4+$0x0], $0xffff  }
0x223: {  	v19 =	vld.idx.msk [tilespmem:v11+s4+$0x0], $0xffff  }
0x224: {  	v20 =	vld.idx.msk [tilespmem:v12+s4+$0x0], $0xffff;
	[tilespmem:s14+$0xFFFFFD00] =	vst v16  }
0x225: {  	v16 =	vld.idx.msk [tilespmem:v15+s21+$0x0], $0xffff  }
0x226: {  	v21 =	vld.idx.msk [tilespmem:v13+s4+$0x0], $0xffff  }
0x227: {  	[tilespmem:s14+$0xFFFFF820] =	vst v17;
	v17 =	vld.idx.msk [tilespmem:v8+s4+$0x0], $0xffff  }
0x228: {  	v22 =	vld.idx.msk [tilespmem:v14+s4+$0x0], $0xffff;
	[tilespmem:s14+$0xFFFFF830] =	vst v18  }
0x229: {  	[tilespmem:s14+$0xFFFFF840] =	vst v19;
	v18 =	vld.idx.msk [tilespmem:v5+s4+$0x0], $0xffff  }
0x22a: {  	[tilespmem:s14+$0xFFFFF850] =	vst v20;
	v19 =	vld.idx.msk [tilespmem:v9+s4+$0x0], $0xffff  }
0x22b: {  	v20 =	vld.idx.msk [tilespmem:v6+s4+$0x0], $0xffff;
	[tilespmem:s14+$0xFFFFFD80] =	vst v16  }
0x22c: {  	[tilespmem:s14+$0xFFFFF860] =	vst v21;
	v16 =	vld.idx.msk [tilespmem:v15+s22+$0x0], $0xffff  }
0x22d: {  	[tilespmem:s14+$0xFFFFF870] =	vst v17;
	v17 =	vld.idx.msk [tilespmem:v3+s4+$0x0], $0xffff  }
0x22e: {  	[tilespmem:s14+$0xFFFFF810] =	vst v22;
	v21 =	vld.idx.msk [tilespmem:v2+s4+$0x0], $0xffff  }
0x22f: {  	[tilespmem:s14+$0xFFFFF880] =	vst v18;
	v18 =	vld.idx.msk [tilespmem:v0+s4+$0x0], $0xffff  }
0x230: {  	[tilespmem:s14+$0xFFFFFC10] =	vst v19;
	v19 =	vld.idx.msk [tilespmem:v1+s4+$0x0], $0xffff  }
0x231: {  	[tilespmem:s14+$0xFFFFFC20] =	vst v20;
	v20 =	vld.idx.msk [tilespmem:v4+s4+$0x0], $0xffff  }
0x232: {  	v22 =	vld.idx.msk [tilespmem:v14+s20+$0x0], $0xffff;
	[tilespmem:s14+$0xFFFFFE00] =	vst v16  }
0x233: {  	[tilespmem:s14+$0xFFFFFC30] =	vst v17;
	v16 =	vld.idx.msk [tilespmem:v15+s23+$0x0], $0xffff  }
0x234: {  	v17 =	vld.idx.msk [tilespmem:v7+s20+$0x0], $0xffff;
	[tilespmem:s14+$0xFFFFFC40] =	vst v21  }
0x235: {  	v21 =	vld.idx.msk [tilespmem:v10+s20+$0x0], $0xffff;
	[tilespmem:s14+$0xFFFFFC50] =	vst v18  }
0x236: {  	v18 =	vld.idx.msk [tilespmem:v11+s20+$0x0], $0xffff;
	[tilespmem:s14+$0xFFFFFC60] =	vst v19  }
0x237: {  	v19 =	vld.idx.msk [tilespmem:v12+s20+$0x0], $0xffff;
	[tilespmem:s14+$0xFFFFFC70] =	vst v20  }
0x238: {  	[tilespmem:s14+$0xFFFFF890] =	vst v22;
	v20 =	vld.idx.msk [tilespmem:v13+s20+$0x0], $0xffff  }
0x239: {  	v22 =	vld.idx.msk [tilespmem:v8+s20+$0x0], $0xffff;
	[tilespmem:s14+$0xFFFFFE80] =	vst v16  }
0x23a: {  	[tilespmem:s14+$0xFFFFF8A0] =	vst v17;
	v16 =	vld.idx.msk [tilespmem:v15+s24+$0x0], $0xffff  }
0x23b: {  	[tilespmem:s14+$0xFFFFF8B0] =	vst v21;
	v17 =	vld.idx.msk [tilespmem:v5+s20+$0x0], $0xffff  }
0x23c: {  	[tilespmem:s14+$0xFFFFF8C0] =	vst v18;
	v18 =	vld.idx.msk [tilespmem:v9+s20+$0x0], $0xffff  }
0x23d: {  	[tilespmem:s14+$0xFFFFF8D0] =	vst v19;
	v19 =	vld.idx.msk [tilespmem:v6+s20+$0x0], $0xffff  }
0x23e: {  	[tilespmem:s14+$0xFFFFF8E0] =	vst v20;
	v20 =	vld.idx.msk [tilespmem:v3+s20+$0x0], $0xffff  }
0x23f: {  	[tilespmem:s14+$0xFFFFF8F0] =	vst v22;
	v21 =	vld.idx.msk [tilespmem:v2+s20+$0x0], $0xffff  }
0x240: {  	v22 =	vld.idx.msk [tilespmem:v0+s20+$0x0], $0xffff;
	[tilespmem:s14+$0xFFFFFF00] =	vst v16  }
0x241: {  	[tilespmem:s14+$0xFFFFF900] =	vst v17;
	v16 =	vld.idx.msk [tilespmem:v15+s25+$0x0], $0xffff  }
0x242: {  	[tilespmem:s14+$0xFFFFFC90] =	vst v18;
	v17 =	vld.idx.msk [tilespmem:v1+s20+$0x0], $0xffff  }
0x243: {  	[tilespmem:s14+$0xFFFFFCA0] =	vst v19;
	v18 =	vld.idx.msk [tilespmem:v4+s20+$0x0], $0xffff  }
0x244: {  	v19 =	vld.idx.msk [tilespmem:v14+s21+$0x0], $0xffff;
	[tilespmem:s14+$0xFFFFFCB0] =	vst v20  }
0x245: {  	v20 =	vld.idx.msk [tilespmem:v7+s21+$0x0], $0xffff;
	[tilespmem:s14+$0xFFFFFCC0] =	vst v21  }
0x246: {  	v21 =	vld.idx.msk [tilespmem:v10+s21+$0x0], $0xffff;
	[tilespmem:s14+$0xFFFFFCD0] =	vst v22  }
0x247: {  	v22 =	vld.idx.msk [tilespmem:v11+s21+$0x0], $0xffff;
	[tilespmem:s14+$0xFFFFFF80] =	vst v16  }
0x248: {  	[tilespmem:s14+$0xFFFFFCE0] =	vst v17;
	v15 =	vld.idx.msk [tilespmem:v15+s26+$0x0], $0xffff  }
0x249: {  	v16 =	vld.idx.msk [tilespmem:v12+s21+$0x0], $0xffff;
	[tilespmem:s14+$0xFFFFFCF0] =	vst v18  }
0x24a: {  	[tilespmem:s14+$0xFFFFF910] =	vst v19;
	v17 =	vld.idx.msk [tilespmem:v13+s21+$0x0], $0xffff  }
0x24b: {  	[tilespmem:s14+$0xFFFFF920] =	vst v20;
	v18 =	vld.idx.msk [tilespmem:v8+s21+$0x0], $0xffff  }
0x24c: {  	[tilespmem:s14+$0xFFFFF930] =	vst v21;
	v19 =	vld.idx.msk [tilespmem:v5+s21+$0x0], $0xffff  }
0x24d: {  	[tilespmem:s14+$0xFFFFF940] =	vst v22;
	v20 =	vld.idx.msk [tilespmem:v9+s21+$0x0], $0xffff  }
0x24e: {  	v21 =	vld.idx.msk [tilespmem:v6+s21+$0x0], $0xffff;
	[tilespmem:s14+$0x0] =	vst v15  }
0x24f: {  	[tilespmem:s14+$0xFFFFF950] =	vst v16;
	v15 =	vld.idx.msk [tilespmem:v3+s21+$0x0], $0xffff  }
0x250: {  	[tilespmem:s14+$0xFFFFF960] =	vst v17;
	v16 =	vld.idx.msk [tilespmem:v2+s21+$0x0], $0xffff  }
0x251: {  	[tilespmem:s14+$0xFFFFF970] =	vst v18;
	v17 =	vld.idx.msk [tilespmem:v0+s21+$0x0], $0xffff  }
0x252: {  	[tilespmem:s14+$0xFFFFF980] =	vst v19;
	v18 =	vld.idx.msk [tilespmem:v1+s21+$0x0], $0xffff  }
0x253: {  	[tilespmem:s14+$0xFFFFFD10] =	vst v20;
	v19 =	vld.idx.msk [tilespmem:v4+s21+$0x0], $0xffff  }
0x254: {  	v20 =	vld.idx.msk [tilespmem:v14+s22+$0x0], $0xffff;
	[tilespmem:s14+$0xFFFFFD20] =	vst v21  }
0x255: {  	v21 =	vld.idx.msk [tilespmem:v7+s22+$0x0], $0xffff;
	[tilespmem:s14+$0xFFFFFD30] =	vst v15  }
0x256: {  	v15 =	vld.idx.msk [tilespmem:v10+s22+$0x0], $0xffff;
	[tilespmem:s14+$0xFFFFFD40] =	vst v16  }
0x257: {  	v16 =	vld.idx.msk [tilespmem:v11+s22+$0x0], $0xffff;
	[tilespmem:s14+$0xFFFFFD50] =	vst v17  }
0x258: {  	v17 =	vld.idx.msk [tilespmem:v12+s22+$0x0], $0xffff;
	[tilespmem:s14+$0xFFFFFD60] =	vst v18  }
0x259: {  	v18 =	vld.idx.msk [tilespmem:v13+s22+$0x0], $0xffff;
	[tilespmem:s14+$0xFFFFFD70] =	vst v19  }
0x25a: {  	[tilespmem:s14+$0xFFFFF990] =	vst v20;
	v19 =	vld.idx.msk [tilespmem:v8+s22+$0x0], $0xffff  }
0x25b: {  	[tilespmem:s14+$0xFFFFF9A0] =	vst v21;
	v20 =	vld.idx.msk [tilespmem:v5+s22+$0x0], $0xffff  }
0x25c: {  	[tilespmem:s14+$0xFFFFF9B0] =	vst v15;
	v15 =	vld.idx.msk [tilespmem:v9+s22+$0x0], $0xffff  }
0x25d: {  	[tilespmem:s14+$0xFFFFF9C0] =	vst v16;
	v16 =	vld.idx.msk [tilespmem:v6+s22+$0x0], $0xffff  }
0x25e: {  	[tilespmem:s14+$0xFFFFF9D0] =	vst v17;
	v17 =	vld.idx.msk [tilespmem:v3+s22+$0x0], $0xffff  }
0x25f: {  	[tilespmem:s14+$0xFFFFF9E0] =	vst v18;
	v18 =	vld.idx.msk [tilespmem:v2+s22+$0x0], $0xffff  }
0x260: {  	[tilespmem:s14+$0xFFFFF9F0] =	vst v19;
	v19 =	vld.idx.msk [tilespmem:v0+s22+$0x0], $0xffff  }
0x261: {  	[tilespmem:s14+$0xFFFFFA00] =	vst v20;
	v20 =	vld.idx.msk [tilespmem:v1+s22+$0x0], $0xffff  }
0x262: {  	[tilespmem:s14+$0xFFFFFD90] =	vst v15;
	v15 =	vld.idx.msk [tilespmem:v4+s22+$0x0], $0xffff  }
0x263: {  	v21 =	vld.idx.msk [tilespmem:v14+s23+$0x0], $0xffff;
	[tilespmem:s14+$0xFFFFFDA0] =	vst v16  }
0x264: {  	v16 =	vld.idx.msk [tilespmem:v7+s23+$0x0], $0xffff;
	[tilespmem:s14+$0xFFFFFDB0] =	vst v17  }
0x265: {  	v17 =	vld.idx.msk [tilespmem:v10+s23+$0x0], $0xffff;
	[tilespmem:s14+$0xFFFFFDC0] =	vst v18  }
0x266: {  	v18 =	vld.idx.msk [tilespmem:v11+s23+$0x0], $0xffff;
	[tilespmem:s14+$0xFFFFFDD0] =	vst v19  }
0x267: {  	v19 =	vld.idx.msk [tilespmem:v12+s23+$0x0], $0xffff;
	[tilespmem:s14+$0xFFFFFDE0] =	vst v20  }
0x268: {  	v20 =	vld.idx.msk [tilespmem:v13+s23+$0x0], $0xffff;
	[tilespmem:s14+$0xFFFFFDF0] =	vst v15  }
0x269: {  	[tilespmem:s14+$0xFFFFFA10] =	vst v21;
	v15 =	vld.idx.msk [tilespmem:v8+s23+$0x0], $0xffff  }
0x26a: {  	[tilespmem:s14+$0xFFFFFA20] =	vst v16;
	v16 =	vld.idx.msk [tilespmem:v5+s23+$0x0], $0xffff  }
0x26b: {  	[tilespmem:s14+$0xFFFFFA30] =	vst v17;
	v17 =	vld.idx.msk [tilespmem:v9+s23+$0x0], $0xffff  }
0x26c: {  	[tilespmem:s14+$0xFFFFFA40] =	vst v18;
	v18 =	vld.idx.msk [tilespmem:v6+s23+$0x0], $0xffff  }
0x26d: {  	[tilespmem:s14+$0xFFFFFA50] =	vst v19;
	v19 =	vld.idx.msk [tilespmem:v3+s23+$0x0], $0xffff  }
0x26e: {  	[tilespmem:s14+$0xFFFFFA60] =	vst v20;
	v20 =	vld.idx.msk [tilespmem:v2+s23+$0x0], $0xffff  }
0x26f: {  	[tilespmem:s14+$0xFFFFFA70] =	vst v15;
	v15 =	vld.idx.msk [tilespmem:v0+s23+$0x0], $0xffff  }
0x270: {  	[tilespmem:s14+$0xFFFFFA80] =	vst v16;
	v16 =	vld.idx.msk [tilespmem:v1+s23+$0x0], $0xffff  }
0x271: {  	[tilespmem:s14+$0xFFFFFE10] =	vst v17;
	v17 =	vld.idx.msk [tilespmem:v4+s23+$0x0], $0xffff  }
0x272: {  	v21 =	vld.idx.msk [tilespmem:v14+s24+$0x0], $0xffff;
	[tilespmem:s14+$0xFFFFFE20] =	vst v18  }
0x273: {  	v18 =	vld.idx.msk [tilespmem:v7+s24+$0x0], $0xffff;
	[tilespmem:s14+$0xFFFFFE30] =	vst v19  }
0x274: {  	v19 =	vld.idx.msk [tilespmem:v10+s24+$0x0], $0xffff;
	[tilespmem:s14+$0xFFFFFE40] =	vst v20  }
0x275: {  	v20 =	vld.idx.msk [tilespmem:v11+s24+$0x0], $0xffff;
	[tilespmem:s14+$0xFFFFFE50] =	vst v15  }
0x276: {  	v15 =	vld.idx.msk [tilespmem:v12+s24+$0x0], $0xffff;
	[tilespmem:s14+$0xFFFFFE60] =	vst v16  }
0x277: {  	v16 =	vld.idx.msk [tilespmem:v13+s24+$0x0], $0xffff;
	[tilespmem:s14+$0xFFFFFE70] =	vst v17  }
0x278: {  	[tilespmem:s14+$0xFFFFFA90] =	vst v21;
	v17 =	vld.idx.msk [tilespmem:v8+s24+$0x0], $0xffff  }
0x279: {  	[tilespmem:s14+$0xFFFFFAA0] =	vst v18;
	v18 =	vld.idx.msk [tilespmem:v5+s24+$0x0], $0xffff  }
0x27a: {  	[tilespmem:s14+$0xFFFFFAB0] =	vst v19;
	v19 =	vld.idx.msk [tilespmem:v9+s24+$0x0], $0xffff  }
0x27b: {  	[tilespmem:s14+$0xFFFFFAC0] =	vst v20;
	v20 =	vld.idx.msk [tilespmem:v6+s24+$0x0], $0xffff  }
0x27c: {  	[tilespmem:s14+$0xFFFFFAD0] =	vst v15;
	v15 =	vld.idx.msk [tilespmem:v3+s24+$0x0], $0xffff  }
0x27d: {  	[tilespmem:s14+$0xFFFFFAE0] =	vst v16;
	v16 =	vld.idx.msk [tilespmem:v2+s24+$0x0], $0xffff  }
0x27e: {  	[tilespmem:s14+$0xFFFFFAF0] =	vst v17;
	v17 =	vld.idx.msk [tilespmem:v0+s24+$0x0], $0xffff  }
0x27f: {  	[tilespmem:s14+$0xFFFFFB00] =	vst v18;
	v18 =	vld.idx.msk [tilespmem:v1+s24+$0x0], $0xffff  }
0x280: {  	[tilespmem:s14+$0xFFFFFE90] =	vst v19;
	v19 =	vld.idx.msk [tilespmem:v4+s24+$0x0], $0xffff  }
0x281: {  	v21 =	vld.idx.msk [tilespmem:v14+s25+$0x0], $0xffff;
	[tilespmem:s14+$0xFFFFFEA0] =	vst v20  }
0x282: {  	v20 =	vld.idx.msk [tilespmem:v7+s25+$0x0], $0xffff;
	[tilespmem:s14+$0xFFFFFEB0] =	vst v15  }
0x283: {  	v15 =	vld.idx.msk [tilespmem:v10+s25+$0x0], $0xffff;
	[tilespmem:s14+$0xFFFFFEC0] =	vst v16  }
0x284: {  	v16 =	vld.idx.msk [tilespmem:v11+s25+$0x0], $0xffff;
	[tilespmem:s14+$0xFFFFFED0] =	vst v17  }
0x285: {  	v17 =	vld.idx.msk [tilespmem:v12+s25+$0x0], $0xffff;
	[tilespmem:s14+$0xFFFFFEE0] =	vst v18  }
0x286: {  	v18 =	vld.idx.msk [tilespmem:v13+s25+$0x0], $0xffff;
	[tilespmem:s14+$0xFFFFFEF0] =	vst v19  }
0x287: {  	[tilespmem:s14+$0xFFFFFB10] =	vst v21;
	v19 =	vld.idx.msk [tilespmem:v8+s25+$0x0], $0xffff  }
0x288: {  	[tilespmem:s14+$0xFFFFFB20] =	vst v20;
	v20 =	vld.idx.msk [tilespmem:v5+s25+$0x0], $0xffff  }
0x289: {  	[tilespmem:s14+$0xFFFFFB30] =	vst v15;
	v15 =	vld.idx.msk [tilespmem:v9+s25+$0x0], $0xffff  }
0x28a: {  	[tilespmem:s14+$0xFFFFFB40] =	vst v16;
	v16 =	vld.idx.msk [tilespmem:v6+s25+$0x0], $0xffff  }
0x28b: {  	[tilespmem:s14+$0xFFFFFB50] =	vst v17;
	v17 =	vld.idx.msk [tilespmem:v3+s25+$0x0], $0xffff  }
0x28c: {  	[tilespmem:s14+$0xFFFFFB60] =	vst v18;
	v18 =	vld.idx.msk [tilespmem:v2+s25+$0x0], $0xffff  }
0x28d: {  	[tilespmem:s14+$0xFFFFFB70] =	vst v19;
	v19 =	vld.idx.msk [tilespmem:v0+s25+$0x0], $0xffff  }
0x28e: {  	[tilespmem:s14+$0xFFFFFB80] =	vst v20;
	v20 =	vld.idx.msk [tilespmem:v1+s25+$0x0], $0xffff  }
0x28f: {  	[tilespmem:s14+$0xFFFFFF10] =	vst v15;
	v15 =	vld.idx.msk [tilespmem:v4+s25+$0x0], $0xffff  }
0x290: {  	v14 =	vld.idx.msk [tilespmem:v14+s26+$0x0], $0xffff;
	[tilespmem:s14+$0xFFFFFF20] =	vst v16  }
0x291: {  	v7 =	vld.idx.msk [tilespmem:v7+s26+$0x0], $0xffff;
	[tilespmem:s14+$0xFFFFFF30] =	vst v17  }
0x292: {  	v10 =	vld.idx.msk [tilespmem:v10+s26+$0x0], $0xffff;
	[tilespmem:s14+$0xFFFFFF40] =	vst v18  }
0x293: {  	v11 =	vld.idx.msk [tilespmem:v11+s26+$0x0], $0xffff;
	[tilespmem:s14+$0xFFFFFF50] =	vst v19  }
0x294: {  	v12 =	vld.idx.msk [tilespmem:v12+s26+$0x0], $0xffff;
	[tilespmem:s14+$0xFFFFFF60] =	vst v20  }
0x295: {  	v13 =	vld.idx.msk [tilespmem:v13+s26+$0x0], $0xffff;
	[tilespmem:s14+$0xFFFFFF70] =	vst v15  }
0x296: {  	[tilespmem:s14+$0xFFFFFB90] =	vst v14;
	v8 =	vld.idx.msk [tilespmem:v8+s26+$0x0], $0xffff  }
0x297: {  	[tilespmem:s14+$0xFFFFFBA0] =	vst v7;
	v7 =	vld.idx.msk [tilespmem:v5+s26+$0x0], $0xffff  }
0x298: {  	[tilespmem:s14+$0xFFFFFBB0] =	vst v10;
	v9 =	vld.idx.msk [tilespmem:v9+s26+$0x0], $0xffff  }
0x299: {  	[tilespmem:s14+$0xFFFFFBC0] =	vst v11;
	v5 =	vld.idx.msk [tilespmem:v6+s26+$0x0], $0xffff  }
.Ltmp1:
0x29a: {  	[tilespmem:s14+$0xFFFFFBD0] =	vst v12;
	v6 =	vld.idx.msk [tilespmem:v3+s26+$0x0], $0xffff;
	(pc) =	sbr.rel @p0 .LBB2_6-.Ltmp1, $4  }
0x29b: {  	[tilespmem:s14+$0xFFFFFBE0] =	vst v13;
	v2 =	vld.idx.msk [tilespmem:v2+s26+$0x0], $0xffff  }
0x29c: {  	[tilespmem:s14+$0xFFFFFBF0] =	vst v8;
	v3 =	vld.idx.msk [tilespmem:v0+s26+$0x0], $0xffff  }
0x29d: {  	[tilespmem:s14+$0xFFFFFC00] =	vst v7;
	v1 =	vld.idx.msk [tilespmem:v1+s26+$0x0], $0xffff  }
0x29e: {  	s0 =	sadd.s32 $0x100, s0;
	[tilespmem:s14+$0xFFFFFF90] =	vst v9;
	v0 =	vld.idx.msk [tilespmem:v4+s26+$0x0], $0xffff  }
0x29f: {  	[tilespmem:s14+$0xFFFFFFA0] =	vst v5;
	s12 =	sadd.s32 $0x1, s12  }
0x2a0: {  	[tilespmem:s14+$0xFFFFFFB0] =	vst v6;
	p0 =	sne.s32 s12, $0x4  }
.Ltmp2:
0x2a1: {  	s0 =	sshll.u32 s19, $0xA;
	[tilespmem:s14+$0xFFFFFFC0] =	vst v2;
	(pc) =	sbr.rel @p0 .LBB2_3-.Ltmp2, $4  }
0x2a2: {  	s0 =	sadd.s32 s11, s0;
	[tilespmem:s14+$0xFFFFFFD0] =	vst v3  }
0x2a3: {  	s0 =	sshrl.u32 s0, $0x3;
	[tilespmem:s14+$0xFFFFFFE0] =	vst v1  }
0x2a4: {  	s13 =	sadd.s32 $0x1000, s13;
	s15 =	sadd.s32 $0x1000, s15;
	s0 =	sadd.s32 s3, s0;
	[tilespmem:s14+$0xFFFFFFF0] =	vst v0  }
0x2a5: {  	[hbm4b:s0+s4] =	stream.linear.scatter [tilespmem:s31], [sflag:$0x5], $0x4000, $0x38;
	[tilespmem:$0x19C40] =	vst v63  }
0x2a6: {  	s0 =	sadd.s32 $0x2, s9  }
0x2a7: {  	p0 =	sge.u32 s0, s17  }
0x2a8: {  	s7 =	sshll.u32 @!p0 s0, $0x4  }
0x2a9: {  	s0 =	sshll.u32 @!p0 s0, $0xB;
	s7 =	sand.u32 @!p0 $0x60, s7  }
0x2aa: {  	s11 =	simm.s32 @!p0 $0x400;
	s0 =	sand.u32 @!p0 $0xFFFC000, s0;
	s7 =	sadd.s32 @!p0 s2, s7  }
0x2ab: {  	s12 =	simm.s32 @!p0 $0x9C40;
	s0 =	sadd.s32 @!p0 s0, s7;
	s7 =	simm.s32 @!p0 $0x80  }
0x2ac: {  	[tilespmem:s12], [sflag:$0x2] =	stream.strided.gather @!p0 [hbm4b:s0+s7], $0x4000, s11, s7, $0x38;
	[tilespmem:$0x19C40] =	vst v63  }
0x2ad: {  	_ =	swait.ge [sflag:s28], $0x4000  }
0x2ae: {  	s10 =	sor.u32 s18, s10;
	s13 =	simm.s32 $0xE440;
	[sflag:s28] =	ssyncset.done $0x0  }
0x2af: {  	s11 =	simm.s32 $0x0;
	s12 =	simm.s32 $0xDC40;
	[sflag:s28] =	ssyncadd.s32 $0xFFFFC000  }
.LBB2_9:
0x2b0: {  	_ =	swait.ge [sflag:s29], $0x4000  }
0x2b1: {  	[sflag:s29] =	ssyncset.done $0x0  }
0x2b2: {  	[sflag:s29] =	ssyncadd.s32 $0xFFFFC000  }
0x2b3: {  	v15 =	vld [tilespmem:s12+$0xF0]  }
0x2b4: {  	v13 =	vld [tilespmem:s12+$0x10]  }
0x2b5: {  	v12 =	vld [tilespmem:s12+$0x20]  }
0x2b6: {  	v11 =	vld [tilespmem:s12+$0x30]  }
0x2b7: {  	v10 =	vld [tilespmem:s12+$0x40]  }
0x2b8: {  	v9 =	vld [tilespmem:s12+$0x50]  }
0x2b9: {  	v8 =	vld [tilespmem:s12+$0x60]  }
0x2ba: {  	v6 =	vld [tilespmem:s12+$0x70]  }
0x2bb: {  	v7 =	vld [tilespmem:s12+$0x80]  }
0x2bc: {  	v5 =	vld [tilespmem:s12+$0x90]  }
0x2bd: {  	v4 =	vld [tilespmem:s12+$0xA0]  }
0x2be: {  	v2 =	vld [tilespmem:s12+$0xB0]  }
0x2bf: {  	v3 =	vld [tilespmem:s12+$0xC0]  }
0x2c0: {  	v1 =	vld [tilespmem:s12+$0xD0]  }
0x2c1: {  	v14 =	vld [tilespmem:s12+$0x0]  }
0x2c2: {  	v0 =	vld.idx.msk [tilespmem:v15+s4+$0x0], $0xffff  }
0x2c3: {  	v17 =	vld.idx.msk [tilespmem:v13+s4+$0x0], $0xffff  }
0x2c4: {  	v18 =	vld.idx.msk [tilespmem:v12+s4+$0x0], $0xffff  }
0x2c5: {  	v19 =	vld.idx.msk [tilespmem:v11+s4+$0x0], $0xffff  }
0x2c6: {  	v20 =	vld.idx.msk [tilespmem:v10+s4+$0x0], $0xffff  }
0x2c7: {  	v21 =	vld.idx.msk [tilespmem:v9+s4+$0x0], $0xffff  }
0x2c8: {  	s14 =	simm.s32 $0x12040;
	v47 =	vld.idx.msk [tilespmem:v8+s4+$0x0], $0xffff  }
0x2c9: {  	v22 =	vld.idx.msk [tilespmem:v14+s4+$0x0], $0xffff;
	[tilespmem:s14+$0x70] =	vst v0  }
0x2ca: {  	v48 =	vld.idx.msk [tilespmem:v6+s4+$0x0], $0xffff;
	[tilespmem:s14+$0xFFFFFC10] =	vst v17  }
0x2cb: {  	v49 =	vld.idx.msk [tilespmem:v7+s4+$0x0], $0xffff;
	[tilespmem:s14+$0xFFFFFC20] =	vst v18  }
0x2cc: {  	v50 =	vld.idx.msk [tilespmem:v5+s4+$0x0], $0xffff;
	[tilespmem:s14+$0xFFFFFC30] =	vst v19  }
0x2cd: {  	v51 =	vld.idx.msk [tilespmem:v4+s4+$0x0], $0xffff;
	[tilespmem:s14+$0xFFFFFC40] =	vst v20  }
0x2ce: {  	v52 =	vld.idx.msk [tilespmem:v2+s4+$0x0], $0xffff;
	[tilespmem:s14+$0xFFFFFC50] =	vst v21  }
0x2cf: {  	v53 =	vld.idx.msk [tilespmem:v3+s4+$0x0], $0xffff;
	[tilespmem:s14+$0xFFFFFC60] =	vst v47  }
0x2d0: {  	v54 =	vld.idx.msk [tilespmem:v1+s4+$0x0], $0xffff;
	[tilespmem:s14+$0xFFFFFC00] =	vst v22  }
0x2d1: {  	v0 =	vld [tilespmem:s12+$0xE0];
	[tilespmem:s14+$0xFFFFFC70] =	vst v48  }
0x2d2: {  	[tilespmem:s14+$0x0] =	vst v49;
	v16 =	vld.idx.msk [tilespmem:v15+s20+$0x0], $0xffff  }
0x2d3: {  	[tilespmem:s14+$0x10] =	vst v50;
	v22 =	vld.idx.msk [tilespmem:v14+s20+$0x0], $0xffff  }
0x2d4: {  	[tilespmem:s14+$0x20] =	vst v51;
	v56 =	vld.idx.msk [tilespmem:v13+s20+$0x0], $0xffff  }
0x2d5: {  	[tilespmem:s14+$0x30] =	vst v52;
	v57 =	vld.idx.msk [tilespmem:v12+s20+$0x0], $0xffff  }
0x2d6: {  	[tilespmem:s14+$0x40] =	vst v53;
	v58 =	vld.idx.msk [tilespmem:v11+s20+$0x0], $0xffff  }
0x2d7: {  	[tilespmem:s14+$0x50] =	vst v54;
	v59 =	vld.idx.msk [tilespmem:v10+s20+$0x0], $0xffff  }
0x2d8: {  	v60 =	vld.idx.msk [tilespmem:v9+s20+$0x0], $0xffff;
	[tilespmem:s14+$0xF0] =	vst v16  }
0x2d9: {  	v61 =	vld.idx.msk [tilespmem:v8+s20+$0x0], $0xffff;
	[tilespmem:s14+$0xFFFFFC80] =	vst v22  }
0x2da: {  	v62 =	vld.idx.msk [tilespmem:v6+s20+$0x0], $0xffff;
	[tilespmem:s14+$0xFFFFFC90] =	vst v56  }
0x2db: {  	v63 =	vld.idx.msk [tilespmem:v7+s20+$0x0], $0xffff;
	[tilespmem:s14+$0xFFFFFCA0] =	vst v57  }
0x2dc: {  	v24 =	vld.idx.msk [tilespmem:v5+s20+$0x0], $0xffff;
	[tilespmem:s14+$0xFFFFFCB0] =	vst v58  }
0x2dd: {  	v25 =	vld.idx.msk [tilespmem:v4+s20+$0x0], $0xffff;
	[tilespmem:s14+$0xFFFFFCC0] =	vst v59  }
0x2de: {  	v26 =	vld.idx.msk [tilespmem:v2+s20+$0x0], $0xffff;
	[tilespmem:s14+$0xFFFFFCD0] =	vst v60  }
0x2df: {  	v27 =	vld.idx.msk [tilespmem:v3+s20+$0x0], $0xffff;
	[tilespmem:s14+$0xFFFFFCE0] =	vst v61  }
0x2e0: {  	v28 =	vld.idx.msk [tilespmem:v1+s20+$0x0], $0xffff;
	[tilespmem:s14+$0xFFFFFCF0] =	vst v62  }
0x2e1: {  	[tilespmem:s14+$0x80] =	vst v63;
	v16 =	vld.idx.msk [tilespmem:v15+s21+$0x0], $0xffff  }
0x2e2: {  	[tilespmem:s14+$0x90] =	vst v24;
	v30 =	vld.idx.msk [tilespmem:v14+s21+$0x0], $0xffff  }
0x2e3: {  	[tilespmem:s14+$0xA0] =	vst v25;
	v31 =	vld.idx.msk [tilespmem:v13+s21+$0x0], $0xffff  }
0x2e4: {  	[tilespmem:s14+$0xB0] =	vst v26;
	v32 =	vld.idx.msk [tilespmem:v12+s21+$0x0], $0xffff  }
0x2e5: {  	[tilespmem:s14+$0xC0] =	vst v27;
	v33 =	vld.idx.msk [tilespmem:v11+s21+$0x0], $0xffff  }
0x2e6: {  	[tilespmem:s14+$0xD0] =	vst v28;
	v34 =	vld.idx.msk [tilespmem:v10+s21+$0x0], $0xffff  }
0x2e7: {  	v35 =	vld.idx.msk [tilespmem:v9+s21+$0x0], $0xffff;
	[tilespmem:s14+$0x170] =	vst v16  }
0x2e8: {  	v36 =	vld.idx.msk [tilespmem:v8+s21+$0x0], $0xffff;
	[tilespmem:s14+$0xFFFFFD00] =	vst v30  }
0x2e9: {  	v37 =	vld.idx.msk [tilespmem:v6+s21+$0x0], $0xffff;
	[tilespmem:s14+$0xFFFFFD10] =	vst v31  }
0x2ea: {  	v38 =	vld.idx.msk [tilespmem:v7+s21+$0x0], $0xffff;
	[tilespmem:s14+$0xFFFFFD20] =	vst v32  }
0x2eb: {  	v39 =	vld.idx.msk [tilespmem:v5+s21+$0x0], $0xffff;
	[tilespmem:s14+$0xFFFFFD30] =	vst v33  }
0x2ec: {  	v40 =	vld.idx.msk [tilespmem:v4+s21+$0x0], $0xffff;
	[tilespmem:s14+$0xFFFFFD40] =	vst v34  }
0x2ed: {  	v41 =	vld.idx.msk [tilespmem:v2+s21+$0x0], $0xffff;
	[tilespmem:s14+$0xFFFFFD50] =	vst v35  }
0x2ee: {  	v42 =	vld.idx.msk [tilespmem:v3+s21+$0x0], $0xffff;
	[tilespmem:s14+$0xFFFFFD60] =	vst v36  }
0x2ef: {  	v43 =	vld.idx.msk [tilespmem:v1+s21+$0x0], $0xffff;
	[tilespmem:s14+$0xFFFFFD70] =	vst v37  }
0x2f0: {  	v55 =	vld.idx.msk [tilespmem:v0+s4+$0x0], $0xffff;
	[tilespmem:s14+$0x100] =	vst v38  }
0x2f1: {  	[tilespmem:s14+$0x110] =	vst v39;
	v16 =	vld.idx.msk [tilespmem:v15+s22+$0x0], $0xffff  }
0x2f2: {  	[tilespmem:s14+$0x120] =	vst v40;
	v45 =	vld.idx.msk [tilespmem:v14+s22+$0x0], $0xffff  }
0x2f3: {  	[tilespmem:s14+$0x130] =	vst v41;
	v46 =	vld.idx.msk [tilespmem:v13+s22+$0x0], $0xffff  }
0x2f4: {  	[tilespmem:s14+$0x140] =	vst v42;
	v47 =	vld.idx.msk [tilespmem:v12+s22+$0x0], $0xffff  }
0x2f5: {  	[tilespmem:s14+$0x150] =	vst v43;
	v48 =	vld.idx.msk [tilespmem:v11+s22+$0x0], $0xffff  }
0x2f6: {  	[tilespmem:s14+$0x60] =	vst v55;
	v49 =	vld.idx.msk [tilespmem:v10+s22+$0x0], $0xffff  }
0x2f7: {  	v50 =	vld.idx.msk [tilespmem:v9+s22+$0x0], $0xffff;
	[tilespmem:s14+$0x1F0] =	vst v16  }
0x2f8: {  	v51 =	vld.idx.msk [tilespmem:v8+s22+$0x0], $0xffff;
	[tilespmem:s14+$0xFFFFFD80] =	vst v45  }
0x2f9: {  	v52 =	vld.idx.msk [tilespmem:v6+s22+$0x0], $0xffff;
	[tilespmem:s14+$0xFFFFFD90] =	vst v46  }
0x2fa: {  	v53 =	vld.idx.msk [tilespmem:v7+s22+$0x0], $0xffff;
	[tilespmem:s14+$0xFFFFFDA0] =	vst v47  }
0x2fb: {  	v54 =	vld.idx.msk [tilespmem:v5+s22+$0x0], $0xffff;
	[tilespmem:s14+$0xFFFFFDB0] =	vst v48  }
0x2fc: {  	v55 =	vld.idx.msk [tilespmem:v4+s22+$0x0], $0xffff;
	[tilespmem:s14+$0xFFFFFDC0] =	vst v49  }
0x2fd: {  	v56 =	vld.idx.msk [tilespmem:v2+s22+$0x0], $0xffff;
	[tilespmem:s14+$0xFFFFFDD0] =	vst v50  }
0x2fe: {  	v57 =	vld.idx.msk [tilespmem:v3+s22+$0x0], $0xffff;
	[tilespmem:s14+$0xFFFFFDE0] =	vst v51  }
0x2ff: {  	v58 =	vld.idx.msk [tilespmem:v1+s22+$0x0], $0xffff;
	[tilespmem:s14+$0xFFFFFDF0] =	vst v52  }
0x300: {  	v29 =	vld.idx.msk [tilespmem:v0+s20+$0x0], $0xffff;
	[tilespmem:s14+$0x180] =	vst v53  }
0x301: {  	[tilespmem:s14+$0x190] =	vst v54;
	v16 =	vld.idx.msk [tilespmem:v15+s23+$0x0], $0xffff  }
0x302: {  	[tilespmem:s14+$0x1A0] =	vst v55;
	v60 =	vld.idx.msk [tilespmem:v14+s23+$0x0], $0xffff  }
0x303: {  	[tilespmem:s14+$0x1B0] =	vst v56;
	v61 =	vld.idx.msk [tilespmem:v13+s23+$0x0], $0xffff  }
0x304: {  	[tilespmem:s14+$0x1C0] =	vst v57;
	v62 =	vld.idx.msk [tilespmem:v12+s23+$0x0], $0xffff  }
0x305: {  	[tilespmem:s14+$0x1D0] =	vst v58;
	v63 =	vld.idx.msk [tilespmem:v11+s23+$0x0], $0xffff  }
0x306: {  	[tilespmem:s14+$0xE0] =	vst v29;
	v24 =	vld.idx.msk [tilespmem:v10+s23+$0x0], $0xffff  }
0x307: {  	v25 =	vld.idx.msk [tilespmem:v9+s23+$0x0], $0xffff;
	[tilespmem:s14+$0x270] =	vst v16  }
0x308: {  	v26 =	vld.idx.msk [tilespmem:v8+s23+$0x0], $0xffff;
	[tilespmem:s14+$0xFFFFFE00] =	vst v60  }
0x309: {  	v27 =	vld.idx.msk [tilespmem:v6+s23+$0x0], $0xffff;
	[tilespmem:s14+$0xFFFFFE10] =	vst v61  }
0x30a: {  	v28 =	vld.idx.msk [tilespmem:v7+s23+$0x0], $0xffff;
	[tilespmem:s14+$0xFFFFFE20] =	vst v62  }
0x30b: {  	v29 =	vld.idx.msk [tilespmem:v5+s23+$0x0], $0xffff;
	[tilespmem:s14+$0xFFFFFE30] =	vst v63  }
0x30c: {  	v30 =	vld.idx.msk [tilespmem:v4+s23+$0x0], $0xffff;
	[tilespmem:s14+$0xFFFFFE40] =	vst v24  }
0x30d: {  	v31 =	vld.idx.msk [tilespmem:v2+s23+$0x0], $0xffff;
	[tilespmem:s14+$0xFFFFFE50] =	vst v25  }
0x30e: {  	v32 =	vld.idx.msk [tilespmem:v3+s23+$0x0], $0xffff;
	[tilespmem:s14+$0xFFFFFE60] =	vst v26  }
0x30f: {  	v33 =	vld.idx.msk [tilespmem:v1+s23+$0x0], $0xffff;
	[tilespmem:s14+$0xFFFFFE70] =	vst v27  }
0x310: {  	v44 =	vld.idx.msk [tilespmem:v0+s21+$0x0], $0xffff;
	[tilespmem:s14+$0x200] =	vst v28  }
0x311: {  	[tilespmem:s14+$0x210] =	vst v29;
	v16 =	vld.idx.msk [tilespmem:v15+s24+$0x0], $0xffff  }
0x312: {  	[tilespmem:s14+$0x220] =	vst v30;
	v21 =	vld.idx.msk [tilespmem:v14+s24+$0x0], $0xffff  }
0x313: {  	[tilespmem:s14+$0x230] =	vst v31;
	v35 =	vld.idx.msk [tilespmem:v13+s24+$0x0], $0xffff  }
0x314: {  	[tilespmem:s14+$0x240] =	vst v32;
	v36 =	vld.idx.msk [tilespmem:v12+s24+$0x0], $0xffff  }
0x315: {  	[tilespmem:s14+$0x250] =	vst v33;
	v37 =	vld.idx.msk [tilespmem:v11+s24+$0x0], $0xffff  }
0x316: {  	[tilespmem:s14+$0x160] =	vst v44;
	v38 =	vld.idx.msk [tilespmem:v10+s24+$0x0], $0xffff  }
0x317: {  	v39 =	vld.idx.msk [tilespmem:v9+s24+$0x0], $0xffff;
	[tilespmem:s14+$0x2F0] =	vst v16  }
0x318: {  	v40 =	vld.idx.msk [tilespmem:v8+s24+$0x0], $0xffff;
	[tilespmem:s14+$0xFFFFFE80] =	vst v21  }
0x319: {  	v41 =	vld.idx.msk [tilespmem:v6+s24+$0x0], $0xffff;
	[tilespmem:s14+$0xFFFFFE90] =	vst v35  }
0x31a: {  	v42 =	vld.idx.msk [tilespmem:v7+s24+$0x0], $0xffff;
	[tilespmem:s14+$0xFFFFFEA0] =	vst v36  }
0x31b: {  	v43 =	vld.idx.msk [tilespmem:v5+s24+$0x0], $0xffff;
	[tilespmem:s14+$0xFFFFFEB0] =	vst v37  }
0x31c: {  	v44 =	vld.idx.msk [tilespmem:v4+s24+$0x0], $0xffff;
	[tilespmem:s14+$0xFFFFFEC0] =	vst v38  }
0x31d: {  	v45 =	vld.idx.msk [tilespmem:v2+s24+$0x0], $0xffff;
	[tilespmem:s14+$0xFFFFFED0] =	vst v39  }
0x31e: {  	v46 =	vld.idx.msk [tilespmem:v3+s24+$0x0], $0xffff;
	[tilespmem:s14+$0xFFFFFEE0] =	vst v40  }
0x31f: {  	v47 =	vld.idx.msk [tilespmem:v1+s24+$0x0], $0xffff;
	[tilespmem:s14+$0xFFFFFEF0] =	vst v41  }
0x320: {  	v59 =	vld.idx.msk [tilespmem:v0+s22+$0x0], $0xffff;
	[tilespmem:s14+$0x280] =	vst v42  }
0x321: {  	[tilespmem:s14+$0x290] =	vst v43;
	v16 =	vld.idx.msk [tilespmem:v15+s25+$0x0], $0xffff  }
0x322: {  	[tilespmem:s14+$0x2A0] =	vst v44;
	v21 =	vld.idx.msk [tilespmem:v14+s25+$0x0], $0xffff  }
0x323: {  	[tilespmem:s14+$0x2B0] =	vst v45;
	v49 =	vld.idx.msk [tilespmem:v13+s25+$0x0], $0xffff  }
0x324: {  	[tilespmem:s14+$0x2C0] =	vst v46;
	v50 =	vld.idx.msk [tilespmem:v12+s25+$0x0], $0xffff  }
0x325: {  	[tilespmem:s14+$0x2D0] =	vst v47;
	v51 =	vld.idx.msk [tilespmem:v11+s25+$0x0], $0xffff  }
0x326: {  	[tilespmem:s14+$0x1E0] =	vst v59;
	v52 =	vld.idx.msk [tilespmem:v10+s25+$0x0], $0xffff  }
0x327: {  	v53 =	vld.idx.msk [tilespmem:v9+s25+$0x0], $0xffff;
	[tilespmem:s14+$0x370] =	vst v16  }
0x328: {  	v54 =	vld.idx.msk [tilespmem:v8+s25+$0x0], $0xffff;
	[tilespmem:s14+$0xFFFFFF00] =	vst v21  }
0x329: {  	v55 =	vld.idx.msk [tilespmem:v6+s25+$0x0], $0xffff;
	[tilespmem:s14+$0xFFFFFF10] =	vst v49  }
0x32a: {  	v56 =	vld.idx.msk [tilespmem:v7+s25+$0x0], $0xffff;
	[tilespmem:s14+$0xFFFFFF20] =	vst v50  }
0x32b: {  	v57 =	vld.idx.msk [tilespmem:v5+s25+$0x0], $0xffff;
	[tilespmem:s14+$0xFFFFFF30] =	vst v51  }
0x32c: {  	v58 =	vld.idx.msk [tilespmem:v4+s25+$0x0], $0xffff;
	[tilespmem:s14+$0xFFFFFF40] =	vst v52  }
0x32d: {  	v59 =	vld.idx.msk [tilespmem:v2+s25+$0x0], $0xffff;
	[tilespmem:s14+$0xFFFFFF50] =	vst v53  }
0x32e: {  	v60 =	vld.idx.msk [tilespmem:v3+s25+$0x0], $0xffff;
	[tilespmem:s14+$0xFFFFFF60] =	vst v54  }
0x32f: {  	v61 =	vld.idx.msk [tilespmem:v1+s25+$0x0], $0xffff;
	[tilespmem:s14+$0xFFFFFF70] =	vst v55  }
0x330: {  	v34 =	vld.idx.msk [tilespmem:v0+s23+$0x0], $0xffff;
	[tilespmem:s14+$0x300] =	vst v56  }
0x331: {  	[tilespmem:s14+$0x310] =	vst v57;
	v15 =	vld.idx.msk [tilespmem:v15+s26+$0x0], $0xffff  }
0x332: {  	[tilespmem:s14+$0x320] =	vst v58;
	v14 =	vld.idx.msk [tilespmem:v14+s26+$0x0], $0xffff  }
0x333: {  	[tilespmem:s14+$0x330] =	vst v59;
	v13 =	vld.idx.msk [tilespmem:v13+s26+$0x0], $0xffff  }
0x334: {  	[tilespmem:s14+$0x340] =	vst v60;
	v12 =	vld.idx.msk [tilespmem:v12+s26+$0x0], $0xffff  }
0x335: {  	[tilespmem:s14+$0x260] =	vst v34;
	v11 =	vld.idx.msk [tilespmem:v11+s26+$0x0], $0xffff  }
0x336: {  	[tilespmem:s14+$0x350] =	vst v61;
	v48 =	vld.idx.msk [tilespmem:v0+s24+$0x0], $0xffff  }
0x337: {  	v10 =	vld.idx.msk [tilespmem:v10+s26+$0x0], $0xffff;
	[tilespmem:s14+$0x3F0] =	vst v15  }
0x338: {  	v9 =	vld.idx.msk [tilespmem:v9+s26+$0x0], $0xffff;
	[tilespmem:s14+$0xFFFFFF80] =	vst v14  }
0x339: {  	v8 =	vld.idx.msk [tilespmem:v8+s26+$0x0], $0xffff;
	[tilespmem:s14+$0xFFFFFF90] =	vst v13  }
0x33a: {  	v63 =	vld.idx.msk [tilespmem:v6+s26+$0x0], $0xffff;
	[tilespmem:s14+$0xFFFFFFA0] =	vst v12  }
0x33b: {  	v7 =	vld.idx.msk [tilespmem:v7+s26+$0x0], $0xffff;
	[tilespmem:s14+$0x2E0] =	vst v48  }
0x33c: {  	[tilespmem:s14+$0xFFFFFFB0] =	vst v11;
	v62 =	vld.idx.msk [tilespmem:v0+s25+$0x0], $0xffff  }
0x33d: {  	v5 =	vld.idx.msk [tilespmem:v5+s26+$0x0], $0xffff;
	[tilespmem:s14+$0xFFFFFFC0] =	vst v10  }
0x33e: {  	v6 =	vld.idx.msk [tilespmem:v4+s26+$0x0], $0xffff;
	[tilespmem:s14+$0xFFFFFFD0] =	vst v9  }
0x33f: {  	v2 =	vld.idx.msk [tilespmem:v2+s26+$0x0], $0xffff;
	[tilespmem:s14+$0xFFFFFFE0] =	vst v8  }
0x340: {  	v3 =	vld.idx.msk [tilespmem:v3+s26+$0x0], $0xffff;
	[tilespmem:s14+$0xFFFFFFF0] =	vst v63  }
0x341: {  	v1 =	vld.idx.msk [tilespmem:v1+s26+$0x0], $0xffff;
	[tilespmem:s14+$0x360] =	vst v62  }
0x342: {  	s15 =	sshll.u32 s11, $0x5;
	s7 =	simm.s32 $0x0;
	s0 =	sadd.s32 $0x100, s12;
	[tilespmem:s14+$0x380] =	vst v7;
	v0 =	vld.idx.msk [tilespmem:v0+s26+$0x0], $0xffff  }
.LBB2_10:
0x343: {  	v15 =	vld [tilespmem:s0+$0xF0];
	s7 =	sadd.s32 $0x10, s7;
	[tilespmem:s14+$0x390] =	vst v5  }
0x344: {  	v7 =	vld [tilespmem:s0+$0x10];
	p0 =	slt.u32 s7, $0x70;
	[tilespmem:s14+$0x3A0] =	vst v6  }
0x345: {  	v10 =	vld [tilespmem:s0+$0x20];
	[tilespmem:s14+$0x3B0] =	vst v2  }
0x346: {  	v11 =	vld [tilespmem:s0+$0x30];
	[tilespmem:s14+$0x3C0] =	vst v3  }
0x347: {  	v12 =	vld [tilespmem:s0+$0x40];
	[tilespmem:s14+$0x3D0] =	vst v1  }
0x348: {  	v13 =	vld [tilespmem:s0+$0x50];
	[tilespmem:s14+$0x3E0] =	vst v0  }
0x349: {  	v8 =	vld [tilespmem:s0+$0x60]  }
0x34a: {  	v5 =	vld [tilespmem:s0+$0x70]  }
0x34b: {  	v4 =	vld.idx.msk [tilespmem:v15+s4+$0x0], $0xffff  }
0x34c: {  	v9 =	vld [tilespmem:s0+$0x80]  }
0x34d: {  	v6 =	vld [tilespmem:s0+$0x90]  }
0x34e: {  	v3 =	vld [tilespmem:s0+$0xA0]  }
0x34f: {  	v2 =	vld [tilespmem:s0+$0xB0]  }
0x350: {  	s14 =	sadd.s32 $0x800, s14;
	v0 =	vld [tilespmem:s0+$0xC0]  }
0x351: {  	v1 =	vld [tilespmem:s0+$0xD0];
	[tilespmem:s14+$0x70] =	vst v4  }
0x352: {  	v16 =	vld.idx.msk [tilespmem:v15+s20+$0x0], $0xffff  }
0x353: {  	v4 =	vld [tilespmem:s0+$0xE0]  }
0x354: {  	v14 =	vld [tilespmem:s0+$0x0]  }
0x355: {  	v17 =	vld.idx.msk [tilespmem:v7+s4+$0x0], $0xffff  }
0x356: {  	v18 =	vld.idx.msk [tilespmem:v10+s4+$0x0], $0xffff  }
0x357: {  	v19 =	vld.idx.msk [tilespmem:v11+s4+$0x0], $0xffff  }
0x358: {  	v20 =	vld.idx.msk [tilespmem:v12+s4+$0x0], $0xffff;
	[tilespmem:s14+$0xF0] =	vst v16  }
0x359: {  	v16 =	vld.idx.msk [tilespmem:v15+s21+$0x0], $0xffff  }
0x35a: {  	v21 =	vld.idx.msk [tilespmem:v13+s4+$0x0], $0xffff  }
0x35b: {  	[tilespmem:s14+$0xFFFFFC10] =	vst v17;
	v17 =	vld.idx.msk [tilespmem:v8+s4+$0x0], $0xffff  }
0x35c: {  	v22 =	vld.idx.msk [tilespmem:v14+s4+$0x0], $0xffff;
	[tilespmem:s14+$0xFFFFFC20] =	vst v18  }
0x35d: {  	[tilespmem:s14+$0xFFFFFC30] =	vst v19;
	v18 =	vld.idx.msk [tilespmem:v5+s4+$0x0], $0xffff  }
0x35e: {  	[tilespmem:s14+$0xFFFFFC40] =	vst v20;
	v19 =	vld.idx.msk [tilespmem:v9+s4+$0x0], $0xffff  }
0x35f: {  	v20 =	vld.idx.msk [tilespmem:v6+s4+$0x0], $0xffff;
	[tilespmem:s14+$0x170] =	vst v16  }
0x360: {  	[tilespmem:s14+$0xFFFFFC50] =	vst v21;
	v16 =	vld.idx.msk [tilespmem:v15+s22+$0x0], $0xffff  }
0x361: {  	[tilespmem:s14+$0xFFFFFC60] =	vst v17;
	v17 =	vld.idx.msk [tilespmem:v3+s4+$0x0], $0xffff  }
0x362: {  	[tilespmem:s14+$0xFFFFFC00] =	vst v22;
	v21 =	vld.idx.msk [tilespmem:v2+s4+$0x0], $0xffff  }
0x363: {  	[tilespmem:s14+$0xFFFFFC70] =	vst v18;
	v18 =	vld.idx.msk [tilespmem:v0+s4+$0x0], $0xffff  }
0x364: {  	[tilespmem:s14+$0x0] =	vst v19;
	v19 =	vld.idx.msk [tilespmem:v1+s4+$0x0], $0xffff  }
0x365: {  	[tilespmem:s14+$0x10] =	vst v20;
	v20 =	vld.idx.msk [tilespmem:v4+s4+$0x0], $0xffff  }
0x366: {  	v22 =	vld.idx.msk [tilespmem:v14+s20+$0x0], $0xffff;
	[tilespmem:s14+$0x1F0] =	vst v16  }
0x367: {  	[tilespmem:s14+$0x20] =	vst v17;
	v16 =	vld.idx.msk [tilespmem:v15+s23+$0x0], $0xffff  }
0x368: {  	v17 =	vld.idx.msk [tilespmem:v7+s20+$0x0], $0xffff;
	[tilespmem:s14+$0x30] =	vst v21  }
0x369: {  	v21 =	vld.idx.msk [tilespmem:v10+s20+$0x0], $0xffff;
	[tilespmem:s14+$0x40] =	vst v18  }
0x36a: {  	v18 =	vld.idx.msk [tilespmem:v11+s20+$0x0], $0xffff;
	[tilespmem:s14+$0x50] =	vst v19  }
0x36b: {  	v19 =	vld.idx.msk [tilespmem:v12+s20+$0x0], $0xffff;
	[tilespmem:s14+$0x60] =	vst v20  }
0x36c: {  	[tilespmem:s14+$0xFFFFFC80] =	vst v22;
	v20 =	vld.idx.msk [tilespmem:v13+s20+$0x0], $0xffff  }
0x36d: {  	v22 =	vld.idx.msk [tilespmem:v8+s20+$0x0], $0xffff;
	[tilespmem:s14+$0x270] =	vst v16  }
0x36e: {  	[tilespmem:s14+$0xFFFFFC90] =	vst v17;
	v16 =	vld.idx.msk [tilespmem:v15+s24+$0x0], $0xffff  }
0x36f: {  	[tilespmem:s14+$0xFFFFFCA0] =	vst v21;
	v17 =	vld.idx.msk [tilespmem:v5+s20+$0x0], $0xffff  }
0x370: {  	[tilespmem:s14+$0xFFFFFCB0] =	vst v18;
	v18 =	vld.idx.msk [tilespmem:v9+s20+$0x0], $0xffff  }
0x371: {  	[tilespmem:s14+$0xFFFFFCC0] =	vst v19;
	v19 =	vld.idx.msk [tilespmem:v6+s20+$0x0], $0xffff  }
0x372: {  	[tilespmem:s14+$0xFFFFFCD0] =	vst v20;
	v20 =	vld.idx.msk [tilespmem:v3+s20+$0x0], $0xffff  }
0x373: {  	[tilespmem:s14+$0xFFFFFCE0] =	vst v22;
	v21 =	vld.idx.msk [tilespmem:v2+s20+$0x0], $0xffff  }
0x374: {  	v22 =	vld.idx.msk [tilespmem:v0+s20+$0x0], $0xffff;
	[tilespmem:s14+$0x2F0] =	vst v16  }
0x375: {  	[tilespmem:s14+$0xFFFFFCF0] =	vst v17;
	v16 =	vld.idx.msk [tilespmem:v15+s25+$0x0], $0xffff  }
0x376: {  	[tilespmem:s14+$0x80] =	vst v18;
	v17 =	vld.idx.msk [tilespmem:v1+s20+$0x0], $0xffff  }
0x377: {  	[tilespmem:s14+$0x90] =	vst v19;
	v18 =	vld.idx.msk [tilespmem:v4+s20+$0x0], $0xffff  }
0x378: {  	v19 =	vld.idx.msk [tilespmem:v14+s21+$0x0], $0xffff;
	[tilespmem:s14+$0xA0] =	vst v20  }
0x379: {  	v20 =	vld.idx.msk [tilespmem:v7+s21+$0x0], $0xffff;
	[tilespmem:s14+$0xB0] =	vst v21  }
0x37a: {  	v21 =	vld.idx.msk [tilespmem:v10+s21+$0x0], $0xffff;
	[tilespmem:s14+$0xC0] =	vst v22  }
0x37b: {  	v22 =	vld.idx.msk [tilespmem:v11+s21+$0x0], $0xffff;
	[tilespmem:s14+$0x370] =	vst v16  }
0x37c: {  	[tilespmem:s14+$0xD0] =	vst v17;
	v15 =	vld.idx.msk [tilespmem:v15+s26+$0x0], $0xffff  }
0x37d: {  	v16 =	vld.idx.msk [tilespmem:v12+s21+$0x0], $0xffff;
	[tilespmem:s14+$0xE0] =	vst v18  }
0x37e: {  	[tilespmem:s14+$0xFFFFFD00] =	vst v19;
	v17 =	vld.idx.msk [tilespmem:v13+s21+$0x0], $0xffff  }
0x37f: {  	[tilespmem:s14+$0xFFFFFD10] =	vst v20;
	v18 =	vld.idx.msk [tilespmem:v8+s21+$0x0], $0xffff  }
0x380: {  	[tilespmem:s14+$0xFFFFFD20] =	vst v21;
	v19 =	vld.idx.msk [tilespmem:v5+s21+$0x0], $0xffff  }
0x381: {  	[tilespmem:s14+$0xFFFFFD30] =	vst v22;
	v20 =	vld.idx.msk [tilespmem:v9+s21+$0x0], $0xffff  }
0x382: {  	v21 =	vld.idx.msk [tilespmem:v6+s21+$0x0], $0xffff;
	[tilespmem:s14+$0x3F0] =	vst v15  }
0x383: {  	[tilespmem:s14+$0xFFFFFD40] =	vst v16;
	v15 =	vld.idx.msk [tilespmem:v3+s21+$0x0], $0xffff  }
0x384: {  	[tilespmem:s14+$0xFFFFFD50] =	vst v17;
	v16 =	vld.idx.msk [tilespmem:v2+s21+$0x0], $0xffff  }
0x385: {  	[tilespmem:s14+$0xFFFFFD60] =	vst v18;
	v17 =	vld.idx.msk [tilespmem:v0+s21+$0x0], $0xffff  }
0x386: {  	[tilespmem:s14+$0xFFFFFD70] =	vst v19;
	v18 =	vld.idx.msk [tilespmem:v1+s21+$0x0], $0xffff  }
0x387: {  	[tilespmem:s14+$0x100] =	vst v20;
	v19 =	vld.idx.msk [tilespmem:v4+s21+$0x0], $0xffff  }
0x388: {  	v20 =	vld.idx.msk [tilespmem:v14+s22+$0x0], $0xffff;
	[tilespmem:s14+$0x110] =	vst v21  }
0x389: {  	v21 =	vld.idx.msk [tilespmem:v7+s22+$0x0], $0xffff;
	[tilespmem:s14+$0x120] =	vst v15  }
0x38a: {  	v15 =	vld.idx.msk [tilespmem:v10+s22+$0x0], $0xffff;
	[tilespmem:s14+$0x130] =	vst v16  }
0x38b: {  	v16 =	vld.idx.msk [tilespmem:v11+s22+$0x0], $0xffff;
	[tilespmem:s14+$0x140] =	vst v17  }
0x38c: {  	v17 =	vld.idx.msk [tilespmem:v12+s22+$0x0], $0xffff;
	[tilespmem:s14+$0x150] =	vst v18  }
0x38d: {  	v18 =	vld.idx.msk [tilespmem:v13+s22+$0x0], $0xffff;
	[tilespmem:s14+$0x160] =	vst v19  }
0x38e: {  	[tilespmem:s14+$0xFFFFFD80] =	vst v20;
	v19 =	vld.idx.msk [tilespmem:v8+s22+$0x0], $0xffff  }
0x38f: {  	[tilespmem:s14+$0xFFFFFD90] =	vst v21;
	v20 =	vld.idx.msk [tilespmem:v5+s22+$0x0], $0xffff  }
0x390: {  	[tilespmem:s14+$0xFFFFFDA0] =	vst v15;
	v15 =	vld.idx.msk [tilespmem:v9+s22+$0x0], $0xffff  }
0x391: {  	[tilespmem:s14+$0xFFFFFDB0] =	vst v16;
	v16 =	vld.idx.msk [tilespmem:v6+s22+$0x0], $0xffff  }
0x392: {  	[tilespmem:s14+$0xFFFFFDC0] =	vst v17;
	v17 =	vld.idx.msk [tilespmem:v3+s22+$0x0], $0xffff  }
0x393: {  	[tilespmem:s14+$0xFFFFFDD0] =	vst v18;
	v18 =	vld.idx.msk [tilespmem:v2+s22+$0x0], $0xffff  }
0x394: {  	[tilespmem:s14+$0xFFFFFDE0] =	vst v19;
	v19 =	vld.idx.msk [tilespmem:v0+s22+$0x0], $0xffff  }
0x395: {  	[tilespmem:s14+$0xFFFFFDF0] =	vst v20;
	v20 =	vld.idx.msk [tilespmem:v1+s22+$0x0], $0xffff  }
0x396: {  	[tilespmem:s14+$0x180] =	vst v15;
	v15 =	vld.idx.msk [tilespmem:v4+s22+$0x0], $0xffff  }
0x397: {  	v21 =	vld.idx.msk [tilespmem:v14+s23+$0x0], $0xffff;
	[tilespmem:s14+$0x190] =	vst v16  }
0x398: {  	v16 =	vld.idx.msk [tilespmem:v7+s23+$0x0], $0xffff;
	[tilespmem:s14+$0x1A0] =	vst v17  }
0x399: {  	v17 =	vld.idx.msk [tilespmem:v10+s23+$0x0], $0xffff;
	[tilespmem:s14+$0x1B0] =	vst v18  }
0x39a: {  	v18 =	vld.idx.msk [tilespmem:v11+s23+$0x0], $0xffff;
	[tilespmem:s14+$0x1C0] =	vst v19  }
0x39b: {  	v19 =	vld.idx.msk [tilespmem:v12+s23+$0x0], $0xffff;
	[tilespmem:s14+$0x1D0] =	vst v20  }
0x39c: {  	v20 =	vld.idx.msk [tilespmem:v13+s23+$0x0], $0xffff;
	[tilespmem:s14+$0x1E0] =	vst v15  }
0x39d: {  	[tilespmem:s14+$0xFFFFFE00] =	vst v21;
	v15 =	vld.idx.msk [tilespmem:v8+s23+$0x0], $0xffff  }
0x39e: {  	[tilespmem:s14+$0xFFFFFE10] =	vst v16;
	v16 =	vld.idx.msk [tilespmem:v5+s23+$0x0], $0xffff  }
0x39f: {  	[tilespmem:s14+$0xFFFFFE20] =	vst v17;
	v17 =	vld.idx.msk [tilespmem:v9+s23+$0x0], $0xffff  }
0x3a0: {  	[tilespmem:s14+$0xFFFFFE30] =	vst v18;
	v18 =	vld.idx.msk [tilespmem:v6+s23+$0x0], $0xffff  }
0x3a1: {  	[tilespmem:s14+$0xFFFFFE40] =	vst v19;
	v19 =	vld.idx.msk [tilespmem:v3+s23+$0x0], $0xffff  }
0x3a2: {  	[tilespmem:s14+$0xFFFFFE50] =	vst v20;
	v20 =	vld.idx.msk [tilespmem:v2+s23+$0x0], $0xffff  }
0x3a3: {  	[tilespmem:s14+$0xFFFFFE60] =	vst v15;
	v15 =	vld.idx.msk [tilespmem:v0+s23+$0x0], $0xffff  }
0x3a4: {  	[tilespmem:s14+$0xFFFFFE70] =	vst v16;
	v16 =	vld.idx.msk [tilespmem:v1+s23+$0x0], $0xffff  }
0x3a5: {  	[tilespmem:s14+$0x200] =	vst v17;
	v17 =	vld.idx.msk [tilespmem:v4+s23+$0x0], $0xffff  }
0x3a6: {  	v21 =	vld.idx.msk [tilespmem:v14+s24+$0x0], $0xffff;
	[tilespmem:s14+$0x210] =	vst v18  }
0x3a7: {  	v18 =	vld.idx.msk [tilespmem:v7+s24+$0x0], $0xffff;
	[tilespmem:s14+$0x220] =	vst v19  }
0x3a8: {  	v19 =	vld.idx.msk [tilespmem:v10+s24+$0x0], $0xffff;
	[tilespmem:s14+$0x230] =	vst v20  }
0x3a9: {  	v20 =	vld.idx.msk [tilespmem:v11+s24+$0x0], $0xffff;
	[tilespmem:s14+$0x240] =	vst v15  }
0x3aa: {  	v15 =	vld.idx.msk [tilespmem:v12+s24+$0x0], $0xffff;
	[tilespmem:s14+$0x250] =	vst v16  }
0x3ab: {  	v16 =	vld.idx.msk [tilespmem:v13+s24+$0x0], $0xffff;
	[tilespmem:s14+$0x260] =	vst v17  }
0x3ac: {  	[tilespmem:s14+$0xFFFFFE80] =	vst v21;
	v17 =	vld.idx.msk [tilespmem:v8+s24+$0x0], $0xffff  }
0x3ad: {  	[tilespmem:s14+$0xFFFFFE90] =	vst v18;
	v18 =	vld.idx.msk [tilespmem:v5+s24+$0x0], $0xffff  }
0x3ae: {  	[tilespmem:s14+$0xFFFFFEA0] =	vst v19;
	v19 =	vld.idx.msk [tilespmem:v9+s24+$0x0], $0xffff  }
0x3af: {  	[tilespmem:s14+$0xFFFFFEB0] =	vst v20;
	v20 =	vld.idx.msk [tilespmem:v6+s24+$0x0], $0xffff  }
0x3b0: {  	[tilespmem:s14+$0xFFFFFEC0] =	vst v15;
	v15 =	vld.idx.msk [tilespmem:v3+s24+$0x0], $0xffff  }
0x3b1: {  	[tilespmem:s14+$0xFFFFFED0] =	vst v16;
	v16 =	vld.idx.msk [tilespmem:v2+s24+$0x0], $0xffff  }
0x3b2: {  	[tilespmem:s14+$0xFFFFFEE0] =	vst v17;
	v17 =	vld.idx.msk [tilespmem:v0+s24+$0x0], $0xffff  }
0x3b3: {  	[tilespmem:s14+$0xFFFFFEF0] =	vst v18;
	v18 =	vld.idx.msk [tilespmem:v1+s24+$0x0], $0xffff  }
0x3b4: {  	[tilespmem:s14+$0x280] =	vst v19;
	v19 =	vld.idx.msk [tilespmem:v4+s24+$0x0], $0xffff  }
0x3b5: {  	v21 =	vld.idx.msk [tilespmem:v14+s25+$0x0], $0xffff;
	[tilespmem:s14+$0x290] =	vst v20  }
0x3b6: {  	v20 =	vld.idx.msk [tilespmem:v7+s25+$0x0], $0xffff;
	[tilespmem:s14+$0x2A0] =	vst v15  }
0x3b7: {  	v15 =	vld.idx.msk [tilespmem:v10+s25+$0x0], $0xffff;
	[tilespmem:s14+$0x2B0] =	vst v16  }
0x3b8: {  	v16 =	vld.idx.msk [tilespmem:v11+s25+$0x0], $0xffff;
	[tilespmem:s14+$0x2C0] =	vst v17  }
0x3b9: {  	v17 =	vld.idx.msk [tilespmem:v12+s25+$0x0], $0xffff;
	[tilespmem:s14+$0x2D0] =	vst v18  }
0x3ba: {  	v18 =	vld.idx.msk [tilespmem:v13+s25+$0x0], $0xffff;
	[tilespmem:s14+$0x2E0] =	vst v19  }
0x3bb: {  	[tilespmem:s14+$0xFFFFFF00] =	vst v21;
	v19 =	vld.idx.msk [tilespmem:v8+s25+$0x0], $0xffff  }
0x3bc: {  	[tilespmem:s14+$0xFFFFFF10] =	vst v20;
	v20 =	vld.idx.msk [tilespmem:v5+s25+$0x0], $0xffff  }
0x3bd: {  	[tilespmem:s14+$0xFFFFFF20] =	vst v15;
	v15 =	vld.idx.msk [tilespmem:v9+s25+$0x0], $0xffff  }
0x3be: {  	[tilespmem:s14+$0xFFFFFF30] =	vst v16;
	v16 =	vld.idx.msk [tilespmem:v6+s25+$0x0], $0xffff  }
0x3bf: {  	[tilespmem:s14+$0xFFFFFF40] =	vst v17;
	v17 =	vld.idx.msk [tilespmem:v3+s25+$0x0], $0xffff  }
0x3c0: {  	[tilespmem:s14+$0xFFFFFF50] =	vst v18;
	v18 =	vld.idx.msk [tilespmem:v2+s25+$0x0], $0xffff  }
0x3c1: {  	[tilespmem:s14+$0xFFFFFF60] =	vst v19;
	v19 =	vld.idx.msk [tilespmem:v0+s25+$0x0], $0xffff  }
0x3c2: {  	[tilespmem:s14+$0xFFFFFF70] =	vst v20;
	v20 =	vld.idx.msk [tilespmem:v1+s25+$0x0], $0xffff  }
0x3c3: {  	[tilespmem:s14+$0x300] =	vst v15;
	v15 =	vld.idx.msk [tilespmem:v4+s25+$0x0], $0xffff  }
0x3c4: {  	v14 =	vld.idx.msk [tilespmem:v14+s26+$0x0], $0xffff;
	[tilespmem:s14+$0x310] =	vst v16  }
0x3c5: {  	v7 =	vld.idx.msk [tilespmem:v7+s26+$0x0], $0xffff;
	[tilespmem:s14+$0x320] =	vst v17  }
0x3c6: {  	v10 =	vld.idx.msk [tilespmem:v10+s26+$0x0], $0xffff;
	[tilespmem:s14+$0x330] =	vst v18  }
0x3c7: {  	v11 =	vld.idx.msk [tilespmem:v11+s26+$0x0], $0xffff;
	[tilespmem:s14+$0x340] =	vst v19  }
0x3c8: {  	v12 =	vld.idx.msk [tilespmem:v12+s26+$0x0], $0xffff;
	[tilespmem:s14+$0x350] =	vst v20  }
0x3c9: {  	v13 =	vld.idx.msk [tilespmem:v13+s26+$0x0], $0xffff;
	[tilespmem:s14+$0x360] =	vst v15  }
0x3ca: {  	[tilespmem:s14+$0xFFFFFF80] =	vst v14;
	v8 =	vld.idx.msk [tilespmem:v8+s26+$0x0], $0xffff  }
0x3cb: {  	[tilespmem:s14+$0xFFFFFF90] =	vst v7;
	v7 =	vld.idx.msk [tilespmem:v5+s26+$0x0], $0xffff  }
0x3cc: {  	[tilespmem:s14+$0xFFFFFFA0] =	vst v10;
	v9 =	vld.idx.msk [tilespmem:v9+s26+$0x0], $0xffff  }
0x3cd: {  	[tilespmem:s14+$0xFFFFFFB0] =	vst v11;
	v5 =	vld.idx.msk [tilespmem:v6+s26+$0x0], $0xffff  }
.Ltmp3:
0x3ce: {  	[tilespmem:s14+$0xFFFFFFC0] =	vst v12;
	v6 =	vld.idx.msk [tilespmem:v3+s26+$0x0], $0xffff;
	(pc) =	sbr.rel @p0 .LBB2_10-.Ltmp3, $4  }
0x3cf: {  	[tilespmem:s14+$0xFFFFFFD0] =	vst v13;
	v2 =	vld.idx.msk [tilespmem:v2+s26+$0x0], $0xffff  }
0x3d0: {  	[tilespmem:s14+$0xFFFFFFE0] =	vst v8;
	v3 =	vld.idx.msk [tilespmem:v0+s26+$0x0], $0xffff  }
0x3d1: {  	[tilespmem:s14+$0xFFFFFFF0] =	vst v7;
	v1 =	vld.idx.msk [tilespmem:v1+s26+$0x0], $0xffff  }
0x3d2: {  	s0 =	sadd.s32 $0x100, s0;
	[tilespmem:s14+$0x380] =	vst v9;
	v0 =	vld.idx.msk [tilespmem:v4+s26+$0x0], $0xffff  }
0x3d3: {  	[tilespmem:s14+$0x390] =	vst v5  }
0x3d4: {  	[tilespmem:s14+$0x3A0] =	vst v6  }
0x3d5: {  	s0 =	sshll.u32 s11, $0xF;
	[tilespmem:s14+$0x3B0] =	vst v2  }
0x3d6: {  	s0 =	sadd.s32 s10, s0;
	[tilespmem:s14+$0x3C0] =	vst v3  }
0x3d7: {  	s0 =	sshrl.u32 s0, $0x3;
	[tilespmem:s14+$0x3D0] =	vst v1  }
0x3d8: {  	s0 =	sadd.s32 s3, s0;
	[tilespmem:s14+$0x3E0] =	vst v0  }
0x3d9: {  	[hbm4b:s0+s4] =	stream.linear.scatter [tilespmem:s30], [sflag:$0x4], $0x4000, $0x38;
	[tilespmem:$0x19C40] =	vst v63  }
0x3da: {  	_ =	swait.ge [sflag:s6], $0x4000  }
0x3db: {  	[sflag:s6] =	ssyncset.done $0x0  }
0x3dc: {  	[sflag:s6] =	ssyncadd.s32 $0xFFFFC000  }
0x3dd: {  	v15 =	vld [tilespmem:s13+$0xF0]  }
0x3de: {  	v13 =	vld [tilespmem:s13+$0x10]  }
0x3df: {  	v12 =	vld [tilespmem:s13+$0x20]  }
0x3e0: {  	v11 =	vld [tilespmem:s13+$0x30]  }
0x3e1: {  	v10 =	vld [tilespmem:s13+$0x40]  }
0x3e2: {  	v9 =	vld [tilespmem:s13+$0x50]  }
0x3e3: {  	v8 =	vld [tilespmem:s13+$0x60]  }
0x3e4: {  	v6 =	vld [tilespmem:s13+$0x70]  }
0x3e5: {  	v7 =	vld [tilespmem:s13+$0x80]  }
0x3e6: {  	v5 =	vld [tilespmem:s13+$0x90]  }
0x3e7: {  	v4 =	vld [tilespmem:s13+$0xA0]  }
0x3e8: {  	v2 =	vld [tilespmem:s13+$0xB0]  }
0x3e9: {  	v3 =	vld [tilespmem:s13+$0xC0]  }
0x3ea: {  	v1 =	vld [tilespmem:s13+$0xD0]  }
0x3eb: {  	v14 =	vld [tilespmem:s13+$0x0]  }
0x3ec: {  	v0 =	vld.idx.msk [tilespmem:v15+s4+$0x0], $0xffff  }
0x3ed: {  	v17 =	vld.idx.msk [tilespmem:v13+s4+$0x0], $0xffff  }
0x3ee: {  	v18 =	vld.idx.msk [tilespmem:v12+s4+$0x0], $0xffff  }
0x3ef: {  	v19 =	vld.idx.msk [tilespmem:v11+s4+$0x0], $0xffff  }
0x3f0: {  	v20 =	vld.idx.msk [tilespmem:v10+s4+$0x0], $0xffff  }
0x3f1: {  	v21 =	vld.idx.msk [tilespmem:v9+s4+$0x0], $0xffff  }
0x3f2: {  	s14 =	simm.s32 $0x16430;
	v47 =	vld.idx.msk [tilespmem:v8+s4+$0x0], $0xffff  }
0x3f3: {  	v22 =	vld.idx.msk [tilespmem:v14+s4+$0x0], $0xffff;
	[tilespmem:s14+$0xFFFFFC80] =	vst v0  }
0x3f4: {  	v48 =	vld.idx.msk [tilespmem:v6+s4+$0x0], $0xffff;
	[tilespmem:s14+$0xFFFFF820] =	vst v17  }
0x3f5: {  	v49 =	vld.idx.msk [tilespmem:v7+s4+$0x0], $0xffff;
	[tilespmem:s14+$0xFFFFF830] =	vst v18  }
0x3f6: {  	v50 =	vld.idx.msk [tilespmem:v5+s4+$0x0], $0xffff;
	[tilespmem:s14+$0xFFFFF840] =	vst v19  }
0x3f7: {  	v51 =	vld.idx.msk [tilespmem:v4+s4+$0x0], $0xffff;
	[tilespmem:s14+$0xFFFFF850] =	vst v20  }
0x3f8: {  	v52 =	vld.idx.msk [tilespmem:v2+s4+$0x0], $0xffff;
	[tilespmem:s14+$0xFFFFF860] =	vst v21  }
0x3f9: {  	v53 =	vld.idx.msk [tilespmem:v3+s4+$0x0], $0xffff;
	[tilespmem:s14+$0xFFFFF870] =	vst v47  }
0x3fa: {  	v54 =	vld.idx.msk [tilespmem:v1+s4+$0x0], $0xffff;
	[tilespmem:s14+$0xFFFFF810] =	vst v22  }
0x3fb: {  	v0 =	vld [tilespmem:s13+$0xE0];
	[tilespmem:s14+$0xFFFFF880] =	vst v48  }
0x3fc: {  	[tilespmem:s14+$0xFFFFFC10] =	vst v49;
	v16 =	vld.idx.msk [tilespmem:v15+s20+$0x0], $0xffff  }
0x3fd: {  	[tilespmem:s14+$0xFFFFFC20] =	vst v50;
	v22 =	vld.idx.msk [tilespmem:v14+s20+$0x0], $0xffff  }
0x3fe: {  	[tilespmem:s14+$0xFFFFFC30] =	vst v51;
	v56 =	vld.idx.msk [tilespmem:v13+s20+$0x0], $0xffff  }
0x3ff: {  	[tilespmem:s14+$0xFFFFFC40] =	vst v52;
	v57 =	vld.idx.msk [tilespmem:v12+s20+$0x0], $0xffff  }
0x400: {  	[tilespmem:s14+$0xFFFFFC50] =	vst v53;
	v58 =	vld.idx.msk [tilespmem:v11+s20+$0x0], $0xffff  }
0x401: {  	[tilespmem:s14+$0xFFFFFC60] =	vst v54;
	v59 =	vld.idx.msk [tilespmem:v10+s20+$0x0], $0xffff  }
0x402: {  	v60 =	vld.idx.msk [tilespmem:v9+s20+$0x0], $0xffff;
	[tilespmem:s14+$0xFFFFFD00] =	vst v16  }
0x403: {  	v61 =	vld.idx.msk [tilespmem:v8+s20+$0x0], $0xffff;
	[tilespmem:s14+$0xFFFFF890] =	vst v22  }
0x404: {  	v62 =	vld.idx.msk [tilespmem:v6+s20+$0x0], $0xffff;
	[tilespmem:s14+$0xFFFFF8A0] =	vst v56  }
0x405: {  	v63 =	vld.idx.msk [tilespmem:v7+s20+$0x0], $0xffff;
	[tilespmem:s14+$0xFFFFF8B0] =	vst v57  }
0x406: {  	v24 =	vld.idx.msk [tilespmem:v5+s20+$0x0], $0xffff;
	[tilespmem:s14+$0xFFFFF8C0] =	vst v58  }
0x407: {  	v25 =	vld.idx.msk [tilespmem:v4+s20+$0x0], $0xffff;
	[tilespmem:s14+$0xFFFFF8D0] =	vst v59  }
0x408: {  	v26 =	vld.idx.msk [tilespmem:v2+s20+$0x0], $0xffff;
	[tilespmem:s14+$0xFFFFF8E0] =	vst v60  }
0x409: {  	v27 =	vld.idx.msk [tilespmem:v3+s20+$0x0], $0xffff;
	[tilespmem:s14+$0xFFFFF8F0] =	vst v61  }
0x40a: {  	v28 =	vld.idx.msk [tilespmem:v1+s20+$0x0], $0xffff;
	[tilespmem:s14+$0xFFFFF900] =	vst v62  }
0x40b: {  	[tilespmem:s14+$0xFFFFFC90] =	vst v63;
	v16 =	vld.idx.msk [tilespmem:v15+s21+$0x0], $0xffff  }
0x40c: {  	[tilespmem:s14+$0xFFFFFCA0] =	vst v24;
	v30 =	vld.idx.msk [tilespmem:v14+s21+$0x0], $0xffff  }
0x40d: {  	[tilespmem:s14+$0xFFFFFCB0] =	vst v25;
	v31 =	vld.idx.msk [tilespmem:v13+s21+$0x0], $0xffff  }
0x40e: {  	[tilespmem:s14+$0xFFFFFCC0] =	vst v26;
	v32 =	vld.idx.msk [tilespmem:v12+s21+$0x0], $0xffff  }
0x40f: {  	[tilespmem:s14+$0xFFFFFCD0] =	vst v27;
	v33 =	vld.idx.msk [tilespmem:v11+s21+$0x0], $0xffff  }
0x410: {  	[tilespmem:s14+$0xFFFFFCE0] =	vst v28;
	v34 =	vld.idx.msk [tilespmem:v10+s21+$0x0], $0xffff  }
0x411: {  	v35 =	vld.idx.msk [tilespmem:v9+s21+$0x0], $0xffff;
	[tilespmem:s14+$0xFFFFFD80] =	vst v16  }
0x412: {  	v36 =	vld.idx.msk [tilespmem:v8+s21+$0x0], $0xffff;
	[tilespmem:s14+$0xFFFFF910] =	vst v30  }
0x413: {  	v37 =	vld.idx.msk [tilespmem:v6+s21+$0x0], $0xffff;
	[tilespmem:s14+$0xFFFFF920] =	vst v31  }
0x414: {  	v38 =	vld.idx.msk [tilespmem:v7+s21+$0x0], $0xffff;
	[tilespmem:s14+$0xFFFFF930] =	vst v32  }
0x415: {  	v39 =	vld.idx.msk [tilespmem:v5+s21+$0x0], $0xffff;
	[tilespmem:s14+$0xFFFFF940] =	vst v33  }
0x416: {  	v40 =	vld.idx.msk [tilespmem:v4+s21+$0x0], $0xffff;
	[tilespmem:s14+$0xFFFFF950] =	vst v34  }
0x417: {  	v41 =	vld.idx.msk [tilespmem:v2+s21+$0x0], $0xffff;
	[tilespmem:s14+$0xFFFFF960] =	vst v35  }
0x418: {  	v42 =	vld.idx.msk [tilespmem:v3+s21+$0x0], $0xffff;
	[tilespmem:s14+$0xFFFFF970] =	vst v36  }
0x419: {  	v43 =	vld.idx.msk [tilespmem:v1+s21+$0x0], $0xffff;
	[tilespmem:s14+$0xFFFFF980] =	vst v37  }
0x41a: {  	v55 =	vld.idx.msk [tilespmem:v0+s4+$0x0], $0xffff;
	[tilespmem:s14+$0xFFFFFD10] =	vst v38  }
0x41b: {  	[tilespmem:s14+$0xFFFFFD20] =	vst v39;
	v16 =	vld.idx.msk [tilespmem:v15+s22+$0x0], $0xffff  }
0x41c: {  	[tilespmem:s14+$0xFFFFFD30] =	vst v40;
	v45 =	vld.idx.msk [tilespmem:v14+s22+$0x0], $0xffff  }
0x41d: {  	[tilespmem:s14+$0xFFFFFD40] =	vst v41;
	v46 =	vld.idx.msk [tilespmem:v13+s22+$0x0], $0xffff  }
0x41e: {  	[tilespmem:s14+$0xFFFFFD50] =	vst v42;
	v47 =	vld.idx.msk [tilespmem:v12+s22+$0x0], $0xffff  }
0x41f: {  	[tilespmem:s14+$0xFFFFFD60] =	vst v43;
	v48 =	vld.idx.msk [tilespmem:v11+s22+$0x0], $0xffff  }
0x420: {  	[tilespmem:s14+$0xFFFFFC70] =	vst v55;
	v49 =	vld.idx.msk [tilespmem:v10+s22+$0x0], $0xffff  }
0x421: {  	v50 =	vld.idx.msk [tilespmem:v9+s22+$0x0], $0xffff;
	[tilespmem:s14+$0xFFFFFE00] =	vst v16  }
0x422: {  	v51 =	vld.idx.msk [tilespmem:v8+s22+$0x0], $0xffff;
	[tilespmem:s14+$0xFFFFF990] =	vst v45  }
0x423: {  	v52 =	vld.idx.msk [tilespmem:v6+s22+$0x0], $0xffff;
	[tilespmem:s14+$0xFFFFF9A0] =	vst v46  }
0x424: {  	v53 =	vld.idx.msk [tilespmem:v7+s22+$0x0], $0xffff;
	[tilespmem:s14+$0xFFFFF9B0] =	vst v47  }
0x425: {  	v54 =	vld.idx.msk [tilespmem:v5+s22+$0x0], $0xffff;
	[tilespmem:s14+$0xFFFFF9C0] =	vst v48  }
0x426: {  	v55 =	vld.idx.msk [tilespmem:v4+s22+$0x0], $0xffff;
	[tilespmem:s14+$0xFFFFF9D0] =	vst v49  }
0x427: {  	v56 =	vld.idx.msk [tilespmem:v2+s22+$0x0], $0xffff;
	[tilespmem:s14+$0xFFFFF9E0] =	vst v50  }
0x428: {  	v57 =	vld.idx.msk [tilespmem:v3+s22+$0x0], $0xffff;
	[tilespmem:s14+$0xFFFFF9F0] =	vst v51  }
0x429: {  	v58 =	vld.idx.msk [tilespmem:v1+s22+$0x0], $0xffff;
	[tilespmem:s14+$0xFFFFFA00] =	vst v52  }
0x42a: {  	v29 =	vld.idx.msk [tilespmem:v0+s20+$0x0], $0xffff;
	[tilespmem:s14+$0xFFFFFD90] =	vst v53  }
0x42b: {  	[tilespmem:s14+$0xFFFFFDA0] =	vst v54;
	v16 =	vld.idx.msk [tilespmem:v15+s23+$0x0], $0xffff  }
0x42c: {  	[tilespmem:s14+$0xFFFFFDB0] =	vst v55;
	v60 =	vld.idx.msk [tilespmem:v14+s23+$0x0], $0xffff  }
0x42d: {  	[tilespmem:s14+$0xFFFFFDC0] =	vst v56;
	v61 =	vld.idx.msk [tilespmem:v13+s23+$0x0], $0xffff  }
0x42e: {  	[tilespmem:s14+$0xFFFFFDD0] =	vst v57;
	v62 =	vld.idx.msk [tilespmem:v12+s23+$0x0], $0xffff  }
0x42f: {  	[tilespmem:s14+$0xFFFFFDE0] =	vst v58;
	v63 =	vld.idx.msk [tilespmem:v11+s23+$0x0], $0xffff  }
0x430: {  	[tilespmem:s14+$0xFFFFFCF0] =	vst v29;
	v24 =	vld.idx.msk [tilespmem:v10+s23+$0x0], $0xffff  }
0x431: {  	v25 =	vld.idx.msk [tilespmem:v9+s23+$0x0], $0xffff;
	[tilespmem:s14+$0xFFFFFE80] =	vst v16  }
0x432: {  	v26 =	vld.idx.msk [tilespmem:v8+s23+$0x0], $0xffff;
	[tilespmem:s14+$0xFFFFFA10] =	vst v60  }
0x433: {  	v27 =	vld.idx.msk [tilespmem:v6+s23+$0x0], $0xffff;
	[tilespmem:s14+$0xFFFFFA20] =	vst v61  }
0x434: {  	v28 =	vld.idx.msk [tilespmem:v7+s23+$0x0], $0xffff;
	[tilespmem:s14+$0xFFFFFA30] =	vst v62  }
0x435: {  	v29 =	vld.idx.msk [tilespmem:v5+s23+$0x0], $0xffff;
	[tilespmem:s14+$0xFFFFFA40] =	vst v63  }
0x436: {  	v30 =	vld.idx.msk [tilespmem:v4+s23+$0x0], $0xffff;
	[tilespmem:s14+$0xFFFFFA50] =	vst v24  }
0x437: {  	v31 =	vld.idx.msk [tilespmem:v2+s23+$0x0], $0xffff;
	[tilespmem:s14+$0xFFFFFA60] =	vst v25  }
0x438: {  	v32 =	vld.idx.msk [tilespmem:v3+s23+$0x0], $0xffff;
	[tilespmem:s14+$0xFFFFFA70] =	vst v26  }
0x439: {  	v33 =	vld.idx.msk [tilespmem:v1+s23+$0x0], $0xffff;
	[tilespmem:s14+$0xFFFFFA80] =	vst v27  }
0x43a: {  	v44 =	vld.idx.msk [tilespmem:v0+s21+$0x0], $0xffff;
	[tilespmem:s14+$0xFFFFFE10] =	vst v28  }
0x43b: {  	[tilespmem:s14+$0xFFFFFE20] =	vst v29;
	v16 =	vld.idx.msk [tilespmem:v15+s24+$0x0], $0xffff  }
0x43c: {  	[tilespmem:s14+$0xFFFFFE30] =	vst v30;
	v21 =	vld.idx.msk [tilespmem:v14+s24+$0x0], $0xffff  }
0x43d: {  	[tilespmem:s14+$0xFFFFFE40] =	vst v31;
	v35 =	vld.idx.msk [tilespmem:v13+s24+$0x0], $0xffff  }
0x43e: {  	[tilespmem:s14+$0xFFFFFE50] =	vst v32;
	v36 =	vld.idx.msk [tilespmem:v12+s24+$0x0], $0xffff  }
0x43f: {  	[tilespmem:s14+$0xFFFFFE60] =	vst v33;
	v37 =	vld.idx.msk [tilespmem:v11+s24+$0x0], $0xffff  }
0x440: {  	[tilespmem:s14+$0xFFFFFD70] =	vst v44;
	v38 =	vld.idx.msk [tilespmem:v10+s24+$0x0], $0xffff  }
0x441: {  	v39 =	vld.idx.msk [tilespmem:v9+s24+$0x0], $0xffff;
	[tilespmem:s14+$0xFFFFFF00] =	vst v16  }
0x442: {  	v40 =	vld.idx.msk [tilespmem:v8+s24+$0x0], $0xffff;
	[tilespmem:s14+$0xFFFFFA90] =	vst v21  }
0x443: {  	v41 =	vld.idx.msk [tilespmem:v6+s24+$0x0], $0xffff;
	[tilespmem:s14+$0xFFFFFAA0] =	vst v35  }
0x444: {  	v42 =	vld.idx.msk [tilespmem:v7+s24+$0x0], $0xffff;
	[tilespmem:s14+$0xFFFFFAB0] =	vst v36  }
0x445: {  	v43 =	vld.idx.msk [tilespmem:v5+s24+$0x0], $0xffff;
	[tilespmem:s14+$0xFFFFFAC0] =	vst v37  }
0x446: {  	v44 =	vld.idx.msk [tilespmem:v4+s24+$0x0], $0xffff;
	[tilespmem:s14+$0xFFFFFAD0] =	vst v38  }
0x447: {  	v45 =	vld.idx.msk [tilespmem:v2+s24+$0x0], $0xffff;
	[tilespmem:s14+$0xFFFFFAE0] =	vst v39  }
0x448: {  	v46 =	vld.idx.msk [tilespmem:v3+s24+$0x0], $0xffff;
	[tilespmem:s14+$0xFFFFFAF0] =	vst v40  }
0x449: {  	v47 =	vld.idx.msk [tilespmem:v1+s24+$0x0], $0xffff;
	[tilespmem:s14+$0xFFFFFB00] =	vst v41  }
0x44a: {  	v59 =	vld.idx.msk [tilespmem:v0+s22+$0x0], $0xffff;
	[tilespmem:s14+$0xFFFFFE90] =	vst v42  }
0x44b: {  	[tilespmem:s14+$0xFFFFFEA0] =	vst v43;
	v16 =	vld.idx.msk [tilespmem:v15+s25+$0x0], $0xffff  }
0x44c: {  	[tilespmem:s14+$0xFFFFFEB0] =	vst v44;
	v21 =	vld.idx.msk [tilespmem:v14+s25+$0x0], $0xffff  }
0x44d: {  	[tilespmem:s14+$0xFFFFFEC0] =	vst v45;
	v49 =	vld.idx.msk [tilespmem:v13+s25+$0x0], $0xffff  }
0x44e: {  	[tilespmem:s14+$0xFFFFFED0] =	vst v46;
	v50 =	vld.idx.msk [tilespmem:v12+s25+$0x0], $0xffff  }
0x44f: {  	[tilespmem:s14+$0xFFFFFEE0] =	vst v47;
	v51 =	vld.idx.msk [tilespmem:v11+s25+$0x0], $0xffff  }
0x450: {  	[tilespmem:s14+$0xFFFFFDF0] =	vst v59;
	v52 =	vld.idx.msk [tilespmem:v10+s25+$0x0], $0xffff  }
0x451: {  	v53 =	vld.idx.msk [tilespmem:v9+s25+$0x0], $0xffff;
	[tilespmem:s14+$0xFFFFFF80] =	vst v16  }
0x452: {  	v54 =	vld.idx.msk [tilespmem:v8+s25+$0x0], $0xffff;
	[tilespmem:s14+$0xFFFFFB10] =	vst v21  }
0x453: {  	v55 =	vld.idx.msk [tilespmem:v6+s25+$0x0], $0xffff;
	[tilespmem:s14+$0xFFFFFB20] =	vst v49  }
0x454: {  	v56 =	vld.idx.msk [tilespmem:v7+s25+$0x0], $0xffff;
	[tilespmem:s14+$0xFFFFFB30] =	vst v50  }
0x455: {  	v57 =	vld.idx.msk [tilespmem:v5+s25+$0x0], $0xffff;
	[tilespmem:s14+$0xFFFFFB40] =	vst v51  }
0x456: {  	v58 =	vld.idx.msk [tilespmem:v4+s25+$0x0], $0xffff;
	[tilespmem:s14+$0xFFFFFB50] =	vst v52  }
0x457: {  	v59 =	vld.idx.msk [tilespmem:v2+s25+$0x0], $0xffff;
	[tilespmem:s14+$0xFFFFFB60] =	vst v53  }
0x458: {  	v60 =	vld.idx.msk [tilespmem:v3+s25+$0x0], $0xffff;
	[tilespmem:s14+$0xFFFFFB70] =	vst v54  }
0x459: {  	v61 =	vld.idx.msk [tilespmem:v1+s25+$0x0], $0xffff;
	[tilespmem:s14+$0xFFFFFB80] =	vst v55  }
0x45a: {  	v34 =	vld.idx.msk [tilespmem:v0+s23+$0x0], $0xffff;
	[tilespmem:s14+$0xFFFFFF10] =	vst v56  }
0x45b: {  	[tilespmem:s14+$0xFFFFFF20] =	vst v57;
	v15 =	vld.idx.msk [tilespmem:v15+s26+$0x0], $0xffff  }
0x45c: {  	[tilespmem:s14+$0xFFFFFF30] =	vst v58;
	v14 =	vld.idx.msk [tilespmem:v14+s26+$0x0], $0xffff  }
0x45d: {  	[tilespmem:s14+$0xFFFFFF40] =	vst v59;
	v13 =	vld.idx.msk [tilespmem:v13+s26+$0x0], $0xffff  }
0x45e: {  	[tilespmem:s14+$0xFFFFFF50] =	vst v60;
	v12 =	vld.idx.msk [tilespmem:v12+s26+$0x0], $0xffff  }
0x45f: {  	[tilespmem:s14+$0xFFFFFE70] =	vst v34;
	v11 =	vld.idx.msk [tilespmem:v11+s26+$0x0], $0xffff  }
0x460: {  	[tilespmem:s14+$0xFFFFFF60] =	vst v61;
	v48 =	vld.idx.msk [tilespmem:v0+s24+$0x0], $0xffff  }
0x461: {  	v10 =	vld.idx.msk [tilespmem:v10+s26+$0x0], $0xffff;
	[tilespmem:s14+$0x0] =	vst v15  }
0x462: {  	v9 =	vld.idx.msk [tilespmem:v9+s26+$0x0], $0xffff;
	[tilespmem:s14+$0xFFFFFB90] =	vst v14  }
0x463: {  	v8 =	vld.idx.msk [tilespmem:v8+s26+$0x0], $0xffff;
	[tilespmem:s14+$0xFFFFFBA0] =	vst v13  }
0x464: {  	v63 =	vld.idx.msk [tilespmem:v6+s26+$0x0], $0xffff;
	[tilespmem:s14+$0xFFFFFBB0] =	vst v12  }
0x465: {  	v7 =	vld.idx.msk [tilespmem:v7+s26+$0x0], $0xffff;
	[tilespmem:s14+$0xFFFFFEF0] =	vst v48  }
0x466: {  	[tilespmem:s14+$0xFFFFFBC0] =	vst v11;
	v62 =	vld.idx.msk [tilespmem:v0+s25+$0x0], $0xffff  }
0x467: {  	v5 =	vld.idx.msk [tilespmem:v5+s26+$0x0], $0xffff;
	[tilespmem:s14+$0xFFFFFBD0] =	vst v10  }
0x468: {  	v6 =	vld.idx.msk [tilespmem:v4+s26+$0x0], $0xffff;
	[tilespmem:s14+$0xFFFFFBE0] =	vst v9  }
0x469: {  	v2 =	vld.idx.msk [tilespmem:v2+s26+$0x0], $0xffff;
	[tilespmem:s14+$0xFFFFFBF0] =	vst v8  }
0x46a: {  	v3 =	vld.idx.msk [tilespmem:v3+s26+$0x0], $0xffff;
	[tilespmem:s14+$0xFFFFFC00] =	vst v63  }
0x46b: {  	v1 =	vld.idx.msk [tilespmem:v1+s26+$0x0], $0xffff;
	[tilespmem:s14+$0xFFFFFF70] =	vst v62  }
0x46c: {  	s15 =	sor.u32 $0x10, s15;
	s7 =	simm.s32 $0x0;
	s0 =	sadd.s32 $0x100, s13;
	[tilespmem:s14+$0xFFFFFF90] =	vst v7;
	v0 =	vld.idx.msk [tilespmem:v0+s26+$0x0], $0xffff  }
.LBB2_12:
0x46d: {  	v15 =	vld [tilespmem:s0+$0xF0];
	s7 =	sadd.s32 $0x10, s7;
	[tilespmem:s14+$0xFFFFFFA0] =	vst v5  }
0x46e: {  	v7 =	vld [tilespmem:s0+$0x10];
	p0 =	slt.u32 s7, $0x70;
	[tilespmem:s14+$0xFFFFFFB0] =	vst v6  }
0x46f: {  	v10 =	vld [tilespmem:s0+$0x20];
	[tilespmem:s14+$0xFFFFFFC0] =	vst v2  }
0x470: {  	v11 =	vld [tilespmem:s0+$0x30];
	[tilespmem:s14+$0xFFFFFFD0] =	vst v3  }
0x471: {  	v12 =	vld [tilespmem:s0+$0x40];
	[tilespmem:s14+$0xFFFFFFE0] =	vst v1  }
0x472: {  	v13 =	vld [tilespmem:s0+$0x50];
	[tilespmem:s14+$0xFFFFFFF0] =	vst v0  }
0x473: {  	v8 =	vld [tilespmem:s0+$0x60]  }
0x474: {  	v5 =	vld [tilespmem:s0+$0x70]  }
0x475: {  	v4 =	vld.idx.msk [tilespmem:v15+s4+$0x0], $0xffff  }
0x476: {  	v9 =	vld [tilespmem:s0+$0x80]  }
0x477: {  	v6 =	vld [tilespmem:s0+$0x90]  }
0x478: {  	v3 =	vld [tilespmem:s0+$0xA0]  }
0x479: {  	v2 =	vld [tilespmem:s0+$0xB0]  }
0x47a: {  	s14 =	sadd.s32 $0x800, s14;
	v0 =	vld [tilespmem:s0+$0xC0]  }
0x47b: {  	v1 =	vld [tilespmem:s0+$0xD0];
	[tilespmem:s14+$0xFFFFFC80] =	vst v4  }
0x47c: {  	v16 =	vld.idx.msk [tilespmem:v15+s20+$0x0], $0xffff  }
0x47d: {  	v4 =	vld [tilespmem:s0+$0xE0]  }
0x47e: {  	v14 =	vld [tilespmem:s0+$0x0]  }
0x47f: {  	v17 =	vld.idx.msk [tilespmem:v7+s4+$0x0], $0xffff  }
0x480: {  	v18 =	vld.idx.msk [tilespmem:v10+s4+$0x0], $0xffff  }
0x481: {  	v19 =	vld.idx.msk [tilespmem:v11+s4+$0x0], $0xffff  }
0x482: {  	v20 =	vld.idx.msk [tilespmem:v12+s4+$0x0], $0xffff;
	[tilespmem:s14+$0xFFFFFD00] =	vst v16  }
0x483: {  	v16 =	vld.idx.msk [tilespmem:v15+s21+$0x0], $0xffff  }
0x484: {  	v21 =	vld.idx.msk [tilespmem:v13+s4+$0x0], $0xffff  }
0x485: {  	[tilespmem:s14+$0xFFFFF820] =	vst v17;
	v17 =	vld.idx.msk [tilespmem:v8+s4+$0x0], $0xffff  }
0x486: {  	v22 =	vld.idx.msk [tilespmem:v14+s4+$0x0], $0xffff;
	[tilespmem:s14+$0xFFFFF830] =	vst v18  }
0x487: {  	[tilespmem:s14+$0xFFFFF840] =	vst v19;
	v18 =	vld.idx.msk [tilespmem:v5+s4+$0x0], $0xffff  }
0x488: {  	[tilespmem:s14+$0xFFFFF850] =	vst v20;
	v19 =	vld.idx.msk [tilespmem:v9+s4+$0x0], $0xffff  }
0x489: {  	v20 =	vld.idx.msk [tilespmem:v6+s4+$0x0], $0xffff;
	[tilespmem:s14+$0xFFFFFD80] =	vst v16  }
0x48a: {  	[tilespmem:s14+$0xFFFFF860] =	vst v21;
	v16 =	vld.idx.msk [tilespmem:v15+s22+$0x0], $0xffff  }
0x48b: {  	[tilespmem:s14+$0xFFFFF870] =	vst v17;
	v17 =	vld.idx.msk [tilespmem:v3+s4+$0x0], $0xffff  }
0x48c: {  	[tilespmem:s14+$0xFFFFF810] =	vst v22;
	v21 =	vld.idx.msk [tilespmem:v2+s4+$0x0], $0xffff  }
0x48d: {  	[tilespmem:s14+$0xFFFFF880] =	vst v18;
	v18 =	vld.idx.msk [tilespmem:v0+s4+$0x0], $0xffff  }
0x48e: {  	[tilespmem:s14+$0xFFFFFC10] =	vst v19;
	v19 =	vld.idx.msk [tilespmem:v1+s4+$0x0], $0xffff  }
0x48f: {  	[tilespmem:s14+$0xFFFFFC20] =	vst v20;
	v20 =	vld.idx.msk [tilespmem:v4+s4+$0x0], $0xffff  }
0x490: {  	v22 =	vld.idx.msk [tilespmem:v14+s20+$0x0], $0xffff;
	[tilespmem:s14+$0xFFFFFE00] =	vst v16  }
0x491: {  	[tilespmem:s14+$0xFFFFFC30] =	vst v17;
	v16 =	vld.idx.msk [tilespmem:v15+s23+$0x0], $0xffff  }
0x492: {  	v17 =	vld.idx.msk [tilespmem:v7+s20+$0x0], $0xffff;
	[tilespmem:s14+$0xFFFFFC40] =	vst v21  }
0x493: {  	v21 =	vld.idx.msk [tilespmem:v10+s20+$0x0], $0xffff;
	[tilespmem:s14+$0xFFFFFC50] =	vst v18  }
0x494: {  	v18 =	vld.idx.msk [tilespmem:v11+s20+$0x0], $0xffff;
	[tilespmem:s14+$0xFFFFFC60] =	vst v19  }
0x495: {  	v19 =	vld.idx.msk [tilespmem:v12+s20+$0x0], $0xffff;
	[tilespmem:s14+$0xFFFFFC70] =	vst v20  }
0x496: {  	[tilespmem:s14+$0xFFFFF890] =	vst v22;
	v20 =	vld.idx.msk [tilespmem:v13+s20+$0x0], $0xffff  }
0x497: {  	v22 =	vld.idx.msk [tilespmem:v8+s20+$0x0], $0xffff;
	[tilespmem:s14+$0xFFFFFE80] =	vst v16  }
0x498: {  	[tilespmem:s14+$0xFFFFF8A0] =	vst v17;
	v16 =	vld.idx.msk [tilespmem:v15+s24+$0x0], $0xffff  }
0x499: {  	[tilespmem:s14+$0xFFFFF8B0] =	vst v21;
	v17 =	vld.idx.msk [tilespmem:v5+s20+$0x0], $0xffff  }
0x49a: {  	[tilespmem:s14+$0xFFFFF8C0] =	vst v18;
	v18 =	vld.idx.msk [tilespmem:v9+s20+$0x0], $0xffff  }
0x49b: {  	[tilespmem:s14+$0xFFFFF8D0] =	vst v19;
	v19 =	vld.idx.msk [tilespmem:v6+s20+$0x0], $0xffff  }
0x49c: {  	[tilespmem:s14+$0xFFFFF8E0] =	vst v20;
	v20 =	vld.idx.msk [tilespmem:v3+s20+$0x0], $0xffff  }
0x49d: {  	[tilespmem:s14+$0xFFFFF8F0] =	vst v22;
	v21 =	vld.idx.msk [tilespmem:v2+s20+$0x0], $0xffff  }
0x49e: {  	v22 =	vld.idx.msk [tilespmem:v0+s20+$0x0], $0xffff;
	[tilespmem:s14+$0xFFFFFF00] =	vst v16  }
0x49f: {  	[tilespmem:s14+$0xFFFFF900] =	vst v17;
	v16 =	vld.idx.msk [tilespmem:v15+s25+$0x0], $0xffff  }
0x4a0: {  	[tilespmem:s14+$0xFFFFFC90] =	vst v18;
	v17 =	vld.idx.msk [tilespmem:v1+s20+$0x0], $0xffff  }
0x4a1: {  	[tilespmem:s14+$0xFFFFFCA0] =	vst v19;
	v18 =	vld.idx.msk [tilespmem:v4+s20+$0x0], $0xffff  }
0x4a2: {  	v19 =	vld.idx.msk [tilespmem:v14+s21+$0x0], $0xffff;
	[tilespmem:s14+$0xFFFFFCB0] =	vst v20  }
0x4a3: {  	v20 =	vld.idx.msk [tilespmem:v7+s21+$0x0], $0xffff;
	[tilespmem:s14+$0xFFFFFCC0] =	vst v21  }
0x4a4: {  	v21 =	vld.idx.msk [tilespmem:v10+s21+$0x0], $0xffff;
	[tilespmem:s14+$0xFFFFFCD0] =	vst v22  }
0x4a5: {  	v22 =	vld.idx.msk [tilespmem:v11+s21+$0x0], $0xffff;
	[tilespmem:s14+$0xFFFFFF80] =	vst v16  }
0x4a6: {  	[tilespmem:s14+$0xFFFFFCE0] =	vst v17;
	v15 =	vld.idx.msk [tilespmem:v15+s26+$0x0], $0xffff  }
0x4a7: {  	v16 =	vld.idx.msk [tilespmem:v12+s21+$0x0], $0xffff;
	[tilespmem:s14+$0xFFFFFCF0] =	vst v18  }
0x4a8: {  	[tilespmem:s14+$0xFFFFF910] =	vst v19;
	v17 =	vld.idx.msk [tilespmem:v13+s21+$0x0], $0xffff  }
0x4a9: {  	[tilespmem:s14+$0xFFFFF920] =	vst v20;
	v18 =	vld.idx.msk [tilespmem:v8+s21+$0x0], $0xffff  }
0x4aa: {  	[tilespmem:s14+$0xFFFFF930] =	vst v21;
	v19 =	vld.idx.msk [tilespmem:v5+s21+$0x0], $0xffff  }
0x4ab: {  	[tilespmem:s14+$0xFFFFF940] =	vst v22;
	v20 =	vld.idx.msk [tilespmem:v9+s21+$0x0], $0xffff  }
0x4ac: {  	v21 =	vld.idx.msk [tilespmem:v6+s21+$0x0], $0xffff;
	[tilespmem:s14+$0x0] =	vst v15  }
0x4ad: {  	[tilespmem:s14+$0xFFFFF950] =	vst v16;
	v15 =	vld.idx.msk [tilespmem:v3+s21+$0x0], $0xffff  }
0x4ae: {  	[tilespmem:s14+$0xFFFFF960] =	vst v17;
	v16 =	vld.idx.msk [tilespmem:v2+s21+$0x0], $0xffff  }
0x4af: {  	[tilespmem:s14+$0xFFFFF970] =	vst v18;
	v17 =	vld.idx.msk [tilespmem:v0+s21+$0x0], $0xffff  }
0x4b0: {  	[tilespmem:s14+$0xFFFFF980] =	vst v19;
	v18 =	vld.idx.msk [tilespmem:v1+s21+$0x0], $0xffff  }
0x4b1: {  	[tilespmem:s14+$0xFFFFFD10] =	vst v20;
	v19 =	vld.idx.msk [tilespmem:v4+s21+$0x0], $0xffff  }
0x4b2: {  	v20 =	vld.idx.msk [tilespmem:v14+s22+$0x0], $0xffff;
	[tilespmem:s14+$0xFFFFFD20] =	vst v21  }
0x4b3: {  	v21 =	vld.idx.msk [tilespmem:v7+s22+$0x0], $0xffff;
	[tilespmem:s14+$0xFFFFFD30] =	vst v15  }
0x4b4: {  	v15 =	vld.idx.msk [tilespmem:v10+s22+$0x0], $0xffff;
	[tilespmem:s14+$0xFFFFFD40] =	vst v16  }
0x4b5: {  	v16 =	vld.idx.msk [tilespmem:v11+s22+$0x0], $0xffff;
	[tilespmem:s14+$0xFFFFFD50] =	vst v17  }
0x4b6: {  	v17 =	vld.idx.msk [tilespmem:v12+s22+$0x0], $0xffff;
	[tilespmem:s14+$0xFFFFFD60] =	vst v18  }
0x4b7: {  	v18 =	vld.idx.msk [tilespmem:v13+s22+$0x0], $0xffff;
	[tilespmem:s14+$0xFFFFFD70] =	vst v19  }
0x4b8: {  	[tilespmem:s14+$0xFFFFF990] =	vst v20;
	v19 =	vld.idx.msk [tilespmem:v8+s22+$0x0], $0xffff  }
0x4b9: {  	[tilespmem:s14+$0xFFFFF9A0] =	vst v21;
	v20 =	vld.idx.msk [tilespmem:v5+s22+$0x0], $0xffff  }
0x4ba: {  	[tilespmem:s14+$0xFFFFF9B0] =	vst v15;
	v15 =	vld.idx.msk [tilespmem:v9+s22+$0x0], $0xffff  }
0x4bb: {  	[tilespmem:s14+$0xFFFFF9C0] =	vst v16;
	v16 =	vld.idx.msk [tilespmem:v6+s22+$0x0], $0xffff  }
0x4bc: {  	[tilespmem:s14+$0xFFFFF9D0] =	vst v17;
	v17 =	vld.idx.msk [tilespmem:v3+s22+$0x0], $0xffff  }
0x4bd: {  	[tilespmem:s14+$0xFFFFF9E0] =	vst v18;
	v18 =	vld.idx.msk [tilespmem:v2+s22+$0x0], $0xffff  }
0x4be: {  	[tilespmem:s14+$0xFFFFF9F0] =	vst v19;
	v19 =	vld.idx.msk [tilespmem:v0+s22+$0x0], $0xffff  }
0x4bf: {  	[tilespmem:s14+$0xFFFFFA00] =	vst v20;
	v20 =	vld.idx.msk [tilespmem:v1+s22+$0x0], $0xffff  }
0x4c0: {  	[tilespmem:s14+$0xFFFFFD90] =	vst v15;
	v15 =	vld.idx.msk [tilespmem:v4+s22+$0x0], $0xffff  }
0x4c1: {  	v21 =	vld.idx.msk [tilespmem:v14+s23+$0x0], $0xffff;
	[tilespmem:s14+$0xFFFFFDA0] =	vst v16  }
0x4c2: {  	v16 =	vld.idx.msk [tilespmem:v7+s23+$0x0], $0xffff;
	[tilespmem:s14+$0xFFFFFDB0] =	vst v17  }
0x4c3: {  	v17 =	vld.idx.msk [tilespmem:v10+s23+$0x0], $0xffff;
	[tilespmem:s14+$0xFFFFFDC0] =	vst v18  }
0x4c4: {  	v18 =	vld.idx.msk [tilespmem:v11+s23+$0x0], $0xffff;
	[tilespmem:s14+$0xFFFFFDD0] =	vst v19  }
0x4c5: {  	v19 =	vld.idx.msk [tilespmem:v12+s23+$0x0], $0xffff;
	[tilespmem:s14+$0xFFFFFDE0] =	vst v20  }
0x4c6: {  	v20 =	vld.idx.msk [tilespmem:v13+s23+$0x0], $0xffff;
	[tilespmem:s14+$0xFFFFFDF0] =	vst v15  }
0x4c7: {  	[tilespmem:s14+$0xFFFFFA10] =	vst v21;
	v15 =	vld.idx.msk [tilespmem:v8+s23+$0x0], $0xffff  }
0x4c8: {  	[tilespmem:s14+$0xFFFFFA20] =	vst v16;
	v16 =	vld.idx.msk [tilespmem:v5+s23+$0x0], $0xffff  }
0x4c9: {  	[tilespmem:s14+$0xFFFFFA30] =	vst v17;
	v17 =	vld.idx.msk [tilespmem:v9+s23+$0x0], $0xffff  }
0x4ca: {  	[tilespmem:s14+$0xFFFFFA40] =	vst v18;
	v18 =	vld.idx.msk [tilespmem:v6+s23+$0x0], $0xffff  }
0x4cb: {  	[tilespmem:s14+$0xFFFFFA50] =	vst v19;
	v19 =	vld.idx.msk [tilespmem:v3+s23+$0x0], $0xffff  }
0x4cc: {  	[tilespmem:s14+$0xFFFFFA60] =	vst v20;
	v20 =	vld.idx.msk [tilespmem:v2+s23+$0x0], $0xffff  }
0x4cd: {  	[tilespmem:s14+$0xFFFFFA70] =	vst v15;
	v15 =	vld.idx.msk [tilespmem:v0+s23+$0x0], $0xffff  }
0x4ce: {  	[tilespmem:s14+$0xFFFFFA80] =	vst v16;
	v16 =	vld.idx.msk [tilespmem:v1+s23+$0x0], $0xffff  }
0x4cf: {  	[tilespmem:s14+$0xFFFFFE10] =	vst v17;
	v17 =	vld.idx.msk [tilespmem:v4+s23+$0x0], $0xffff  }
0x4d0: {  	v21 =	vld.idx.msk [tilespmem:v14+s24+$0x0], $0xffff;
	[tilespmem:s14+$0xFFFFFE20] =	vst v18  }
0x4d1: {  	v18 =	vld.idx.msk [tilespmem:v7+s24+$0x0], $0xffff;
	[tilespmem:s14+$0xFFFFFE30] =	vst v19  }
0x4d2: {  	v19 =	vld.idx.msk [tilespmem:v10+s24+$0x0], $0xffff;
	[tilespmem:s14+$0xFFFFFE40] =	vst v20  }
0x4d3: {  	v20 =	vld.idx.msk [tilespmem:v11+s24+$0x0], $0xffff;
	[tilespmem:s14+$0xFFFFFE50] =	vst v15  }
0x4d4: {  	v15 =	vld.idx.msk [tilespmem:v12+s24+$0x0], $0xffff;
	[tilespmem:s14+$0xFFFFFE60] =	vst v16  }
0x4d5: {  	v16 =	vld.idx.msk [tilespmem:v13+s24+$0x0], $0xffff;
	[tilespmem:s14+$0xFFFFFE70] =	vst v17  }
0x4d6: {  	[tilespmem:s14+$0xFFFFFA90] =	vst v21;
	v17 =	vld.idx.msk [tilespmem:v8+s24+$0x0], $0xffff  }
0x4d7: {  	[tilespmem:s14+$0xFFFFFAA0] =	vst v18;
	v18 =	vld.idx.msk [tilespmem:v5+s24+$0x0], $0xffff  }
0x4d8: {  	[tilespmem:s14+$0xFFFFFAB0] =	vst v19;
	v19 =	vld.idx.msk [tilespmem:v9+s24+$0x0], $0xffff  }
0x4d9: {  	[tilespmem:s14+$0xFFFFFAC0] =	vst v20;
	v20 =	vld.idx.msk [tilespmem:v6+s24+$0x0], $0xffff  }
0x4da: {  	[tilespmem:s14+$0xFFFFFAD0] =	vst v15;
	v15 =	vld.idx.msk [tilespmem:v3+s24+$0x0], $0xffff  }
0x4db: {  	[tilespmem:s14+$0xFFFFFAE0] =	vst v16;
	v16 =	vld.idx.msk [tilespmem:v2+s24+$0x0], $0xffff  }
0x4dc: {  	[tilespmem:s14+$0xFFFFFAF0] =	vst v17;
	v17 =	vld.idx.msk [tilespmem:v0+s24+$0x0], $0xffff  }
0x4dd: {  	[tilespmem:s14+$0xFFFFFB00] =	vst v18;
	v18 =	vld.idx.msk [tilespmem:v1+s24+$0x0], $0xffff  }
0x4de: {  	[tilespmem:s14+$0xFFFFFE90] =	vst v19;
	v19 =	vld.idx.msk [tilespmem:v4+s24+$0x0], $0xffff  }
0x4df: {  	v21 =	vld.idx.msk [tilespmem:v14+s25+$0x0], $0xffff;
	[tilespmem:s14+$0xFFFFFEA0] =	vst v20  }
0x4e0: {  	v20 =	vld.idx.msk [tilespmem:v7+s25+$0x0], $0xffff;
	[tilespmem:s14+$0xFFFFFEB0] =	vst v15  }
0x4e1: {  	v15 =	vld.idx.msk [tilespmem:v10+s25+$0x0], $0xffff;
	[tilespmem:s14+$0xFFFFFEC0] =	vst v16  }
0x4e2: {  	v16 =	vld.idx.msk [tilespmem:v11+s25+$0x0], $0xffff;
	[tilespmem:s14+$0xFFFFFED0] =	vst v17  }
0x4e3: {  	v17 =	vld.idx.msk [tilespmem:v12+s25+$0x0], $0xffff;
	[tilespmem:s14+$0xFFFFFEE0] =	vst v18  }
0x4e4: {  	v18 =	vld.idx.msk [tilespmem:v13+s25+$0x0], $0xffff;
	[tilespmem:s14+$0xFFFFFEF0] =	vst v19  }
0x4e5: {  	[tilespmem:s14+$0xFFFFFB10] =	vst v21;
	v19 =	vld.idx.msk [tilespmem:v8+s25+$0x0], $0xffff  }
0x4e6: {  	[tilespmem:s14+$0xFFFFFB20] =	vst v20;
	v20 =	vld.idx.msk [tilespmem:v5+s25+$0x0], $0xffff  }
0x4e7: {  	[tilespmem:s14+$0xFFFFFB30] =	vst v15;
	v15 =	vld.idx.msk [tilespmem:v9+s25+$0x0], $0xffff  }
0x4e8: {  	[tilespmem:s14+$0xFFFFFB40] =	vst v16;
	v16 =	vld.idx.msk [tilespmem:v6+s25+$0x0], $0xffff  }
0x4e9: {  	[tilespmem:s14+$0xFFFFFB50] =	vst v17;
	v17 =	vld.idx.msk [tilespmem:v3+s25+$0x0], $0xffff  }
0x4ea: {  	[tilespmem:s14+$0xFFFFFB60] =	vst v18;
	v18 =	vld.idx.msk [tilespmem:v2+s25+$0x0], $0xffff  }
0x4eb: {  	[tilespmem:s14+$0xFFFFFB70] =	vst v19;
	v19 =	vld.idx.msk [tilespmem:v0+s25+$0x0], $0xffff  }
0x4ec: {  	[tilespmem:s14+$0xFFFFFB80] =	vst v20;
	v20 =	vld.idx.msk [tilespmem:v1+s25+$0x0], $0xffff  }
0x4ed: {  	[tilespmem:s14+$0xFFFFFF10] =	vst v15;
	v15 =	vld.idx.msk [tilespmem:v4+s25+$0x0], $0xffff  }
0x4ee: {  	v14 =	vld.idx.msk [tilespmem:v14+s26+$0x0], $0xffff;
	[tilespmem:s14+$0xFFFFFF20] =	vst v16  }
0x4ef: {  	v7 =	vld.idx.msk [tilespmem:v7+s26+$0x0], $0xffff;
	[tilespmem:s14+$0xFFFFFF30] =	vst v17  }
0x4f0: {  	v10 =	vld.idx.msk [tilespmem:v10+s26+$0x0], $0xffff;
	[tilespmem:s14+$0xFFFFFF40] =	vst v18  }
0x4f1: {  	v11 =	vld.idx.msk [tilespmem:v11+s26+$0x0], $0xffff;
	[tilespmem:s14+$0xFFFFFF50] =	vst v19  }
0x4f2: {  	v12 =	vld.idx.msk [tilespmem:v12+s26+$0x0], $0xffff;
	[tilespmem:s14+$0xFFFFFF60] =	vst v20  }
0x4f3: {  	v13 =	vld.idx.msk [tilespmem:v13+s26+$0x0], $0xffff;
	[tilespmem:s14+$0xFFFFFF70] =	vst v15  }
0x4f4: {  	[tilespmem:s14+$0xFFFFFB90] =	vst v14;
	v8 =	vld.idx.msk [tilespmem:v8+s26+$0x0], $0xffff  }
0x4f5: {  	[tilespmem:s14+$0xFFFFFBA0] =	vst v7;
	v7 =	vld.idx.msk [tilespmem:v5+s26+$0x0], $0xffff  }
0x4f6: {  	[tilespmem:s14+$0xFFFFFBB0] =	vst v10;
	v9 =	vld.idx.msk [tilespmem:v9+s26+$0x0], $0xffff  }
0x4f7: {  	[tilespmem:s14+$0xFFFFFBC0] =	vst v11;
	v5 =	vld.idx.msk [tilespmem:v6+s26+$0x0], $0xffff  }
.Ltmp4:
0x4f8: {  	[tilespmem:s14+$0xFFFFFBD0] =	vst v12;
	v6 =	vld.idx.msk [tilespmem:v3+s26+$0x0], $0xffff;
	(pc) =	sbr.rel @p0 .LBB2_12-.Ltmp4, $4  }
0x4f9: {  	[tilespmem:s14+$0xFFFFFBE0] =	vst v13;
	v2 =	vld.idx.msk [tilespmem:v2+s26+$0x0], $0xffff  }
0x4fa: {  	[tilespmem:s14+$0xFFFFFBF0] =	vst v8;
	v3 =	vld.idx.msk [tilespmem:v0+s26+$0x0], $0xffff  }
0x4fb: {  	[tilespmem:s14+$0xFFFFFC00] =	vst v7;
	v1 =	vld.idx.msk [tilespmem:v1+s26+$0x0], $0xffff  }
0x4fc: {  	s0 =	sadd.s32 $0x100, s0;
	[tilespmem:s14+$0xFFFFFF90] =	vst v9;
	v0 =	vld.idx.msk [tilespmem:v4+s26+$0x0], $0xffff  }
0x4fd: {  	[tilespmem:s14+$0xFFFFFFA0] =	vst v5;
	s11 =	sadd.s32 $0x1, s11  }
0x4fe: {  	[tilespmem:s14+$0xFFFFFFB0] =	vst v6;
	p0 =	sne.s32 s11, $0x4  }
.Ltmp5:
0x4ff: {  	s0 =	sshll.u32 s15, $0xA;
	[tilespmem:s14+$0xFFFFFFC0] =	vst v2;
	(pc) =	sbr.rel @p0 .LBB2_9-.Ltmp5, $4  }
0x500: {  	s0 =	sadd.s32 s10, s0;
	[tilespmem:s14+$0xFFFFFFD0] =	vst v3  }
0x501: {  	s0 =	sshrl.u32 s0, $0x3;
	[tilespmem:s14+$0xFFFFFFE0] =	vst v1  }
0x502: {  	s12 =	sadd.s32 $0x1000, s12;
	s13 =	sadd.s32 $0x1000, s13;
	s0 =	sadd.s32 s3, s0;
	[tilespmem:s14+$0xFFFFFFF0] =	vst v0  }
0x503: {  	[hbm4b:s0+s4] =	stream.linear.scatter [tilespmem:s31], [sflag:$0x5], $0x4000, $0x38;
	[tilespmem:$0x19C40] =	vst v63  }
0x504: {  	s0 =	sadd.s32 $0x3, s9  }
0x505: {  	p0 =	sge.u32 s0, s17  }
0x506: {  	s7 =	sshll.u32 @!p0 s0, $0x4  }
0x507: {  	s8 =	sadd.s32 $0x1, s8;
	s0 =	sshll.u32 @!p0 s0, $0xB;
	s7 =	sand.u32 @!p0 $0x70, s7  }
0x508: {  	s9 =	simm.s32 @!p0 $0x400;
	s0 =	sand.u32 @!p0 $0xFFFC000, s0;
	s7 =	sadd.s32 @!p0 s2, s7  }
0x509: {  	s10 =	simm.s32 @!p0 $0xDC40;
	s0 =	sadd.s32 @!p0 s0, s7;
	s7 =	simm.s32 @!p0 $0x80  }
0x50a: {  	[tilespmem:s10], [sflag:$0x3] =	stream.strided.gather @!p0 [hbm4b:s0+s7], $0x4000, s9, s7, $0x38;
	[tilespmem:$0x19C40] =	vst v63  }
0x50b: {  	p0 =	sne.s32 s8, $0x19  }
.Ltmp6:
0x50c: {  	_ = 	snop;
	(pc) =	sbr.rel @p0 .LBB2_2-.Ltmp6, $1  }
0x50d: {  	_ =	sdelay $0x3  }
0x50e: {  	_ =	swait.ge [sflag:s29], $0x4000  }
0x50f: {  	[sflag:s29] =	ssyncset.done $0x0  }
0x510: {  	[sflag:s29] =	ssyncadd.s32 $0xFFFFC000  }
0x511: {  	_ =	swait.ge [sflag:s6], $0x4000  }
0x512: {  	s7 =	rddreg [dreg:$0xf]  }
0x513: {  	s0 =	rddreg [dreg:$0xe];
	s7 =	sadd.s32 $0x1, s7  }
0x514: {  	p0 =	sne.s32 s7, s0  }
.Ltmp7:
0x515: {  	_ = 	snop;
	(pc) =	sbr.rel @p0 .LBB2_1-.Ltmp7, $3  }
0x516: {  	_ =	sdelay $0x1  }
0x517: {  	[sflag:s6] =	ssyncset.done $0x0  }
0x518: {  	[sflag:s6] =	ssyncadd.s32 $0xFFFFC000  }
0x519: {  	_ =	sfence.sel $0x180000  }
0x51a: {  	[bflag:$0x0] =	sbarrier.arrive $0xFFFF  }
0x51b: {  	_ =	strace $0x90000047  }
0x51c: {  	s0 =	stileid.u32;
	[bflag:$0x2] =	sbarrier.arrive $0xFFFF  }
0x51d: {  	p0 =	sne.s32 s0, $0x0;
	s0 =	rddreg [dreg:$0x3]  }
0x51e: {  	s0 =	sadd.s32 @!p0 $0x100000, s0  }
0x51f: {  	[sflag:s0] =	ssyncadd.tile.s32 @!p0 $0x1;
	_ =	shalt  }
.Lfunc_end2:
_tile_overlayer_lowered:
.L_overlay_start_2:
0x520: {  	(tag) =	ssettag $0x2  }
0x521: {  	s0 =	rddreg [dreg:$0x0];
	s2 =	stileid.u32  }
0x522: {  	s1 =	rddreg [dreg:$0x1];
	p0 =	sne.s32 s2, $0x0  }
0x523: {  	s3 =	rddreg [dreg:$0x2];
	[bflag:$0x3] =	sbarrier.arrive $0xFFFF;
	s2 =	simm.s32 @!p0 $0x1C06  }
0x524: {  	[timem:s3], [sflag:s2] =	dma.local @!p0 [hbm:s0], s1  }
0x525: {  	s0 =	simm.s32 @!p0 $0x6  }
0x526: {  	_ =	swait.ge @!p0 [sflag:s0], s1  }
0x527: {  	s1 =	ssub.s32 @!p0 $0x0, s1;
	[sflag:s0] =	ssyncset.done @!p0 $0x0  }
0x528: {  	[sflag:s0] =	ssyncadd.s32 @!p0 s1  }
0x529: {  	[bflag:$0x3] =	sbarrier.arrive $0xFFFF  }
0x52a: {  	_ =	shalt  }

</sc_bundles>
